<compile_context>
chip_gen: v7x
topology: tpu7x:2x2x1
jax: 0.10.2.dev20260603
libtpu: 0.0.44.dev20260713+nightly
codegen_flags: <defaults>
</compile_context>

<pallas_src>
import functools

import jax
import jax.numpy as jnp
from jax import lax
from jax.experimental import pallas as pl
from jax.experimental.pallas import tpu as pltpu
from jax.experimental.pallas import tpu_sc as plsc

NC = 2
NS = 16
NW = NC * NS
LANES = 16
G = 64


def _pick_chunk(ew_per):
    k = 128
    while k >= 16:
        if ew_per % k == 0:
            return k
        k -= 16
    raise ValueError(ew_per)


@functools.lru_cache(maxsize=None)
def _make_deg_kernel(n, e, interpret=False):
    ew_per = e // NW
    K = _pick_chunk(ew_per)
    n_chunks = ew_per // K
    n_pad = -(-n // (NS * 128)) * (NS * 128)
    rows_per_sub = n_pad // NS
    mesh = plsc.VectorSubcoreMesh(core_axis_name="c", subcore_axis_name="s",
                                  num_cores=NC, num_subcores=NS)

    @functools.partial(
        pl.kernel,
        out_type=jax.ShapeDtypeStruct((NC * n_pad,), jnp.float32),
        mesh=mesh,
        compiler_params=pltpu.CompilerParams(use_tc_tiling_on_sc=False),
        scratch_types=[
            pltpu.VMEM_SHARED((n_pad,), jnp.float32),
            pltpu.VMEM((K,), jnp.int32),
            pltpu.VMEM((K,), jnp.int32),
            pltpu.VMEM((K,), jnp.float32),
            pltpu.VMEM((K,), jnp.float32),
            pltpu.VMEM((rows_per_sub,), jnp.float32),
            pltpu.SemaphoreType.DMA,
            pltpu.SemaphoreType.DMA,
            pltpu.SemaphoreType.DMA,
            pltpu.SemaphoreType.DMA,
        ],
        interpret=interpret,
    )
    def deg_kernel(dst_hbm, ew_hbm, out_hbm, acc_s, dstb0, dstb1,
                   ewb0, ewb1, zbuf, sem_d0, sem_d1, sem_e0, sem_e1):
        cid = lax.axis_index("c")
        sid = lax.axis_index("s")
        wid = sid * NC + cid
        dstb = (dstb0, dstb1)
        ewb = (ewb0, ewb1)
        sem_d = (sem_d0, sem_d1)
        sem_e = (sem_e0, sem_e1)

        def zz(i, c):
            zbuf[pl.ds(i * LANES, LANES)] = jnp.zeros((LANES,), jnp.float32)
            return c

        lax.fori_loop(0, rows_per_sub // LANES, zz, 0)
        pltpu.sync_copy(zbuf, acc_s.at[pl.ds(sid * rows_per_sub, rows_per_sub)])
        plsc.subcore_barrier()

        base_e = wid * ew_per

        def d_start(c, b):
            pltpu.async_copy(dst_hbm.at[pl.ds(base_e + c * K, K)],
                             dstb[b], sem_d[b])

        def d_wait(c, b):
            pltpu.make_async_copy(dst_hbm.at[pl.ds(base_e + c * K, K)],
                                  dstb[b], sem_d[b]).wait()

        def ew_start(c, b):
            pltpu.async_copy(ew_hbm.at[pl.ds(base_e + c * K, K)],
                             ewb[b], sem_e[b])

        def ew_wait(c, b):
            pltpu.make_async_copy(ew_hbm.at[pl.ds(base_e + c * K, K)],
                                  ewb[b], sem_e[b]).wait()

        d_start(0, 0)
        ew_start(0, 0)
        if n_chunks > 1:
            d_start(1, 1)
            ew_start(1, 1)

        def iter_body(c, b):
            d_wait(c, b)
            ew_wait(c, b)
            pltpu.sync_copy(ewb[b], acc_s.at[dstb[b]], add=True)

            @pl.when(c + 2 < n_chunks)
            def _():
                d_start(c + 2, b)
                ew_start(c + 2, b)

        def pair(i, c):
            c0 = i * 2
            iter_body(c0, 0)
            iter_body(c0 + 1, 1)
            return c

        lax.fori_loop(0, n_chunks // 2, pair, 0)
        if n_chunks % 2:
            iter_body(n_chunks - 1, (n_chunks - 1) % 2)
        plsc.subcore_barrier()
        pltpu.sync_copy(
            acc_s.at[pl.ds(sid * rows_per_sub, rows_per_sub)],
            out_hbm.at[pl.ds(cid * n_pad + sid * rows_per_sub, rows_per_sub)])

    return deg_kernel


@functools.lru_cache(maxsize=None)
def _make_edge_kernel(n, e, d, interpret=False):
    ew_per = e // NW
    K = _pick_chunk(ew_per)
    n_chunks = ew_per // K
    n_pad = -(-n // (NS * 128)) * (NS * 128)
    rows_per_sub = n_pad // NS
    nv = d // LANES
    mesh = plsc.VectorSubcoreMesh(core_axis_name="c", subcore_axis_name="s",
                                  num_cores=NC, num_subcores=NS)
    zr = 128
    assert rows_per_sub % zr == 0

    @functools.partial(
        pl.kernel,
        out_type=jax.ShapeDtypeStruct((NC, n_pad, d), jnp.float32),
        mesh=mesh,
        compiler_params=pltpu.CompilerParams(use_tc_tiling_on_sc=False),
        scratch_types=[
            pltpu.VMEM_SHARED((n_pad, d), jnp.float32),
            pltpu.VMEM((K,), jnp.int32),
            pltpu.VMEM((K,), jnp.int32),
            pltpu.VMEM((K,), jnp.int32),
            pltpu.VMEM((K,), jnp.int32),
            pltpu.VMEM((K, LANES), jnp.float32),
            pltpu.VMEM((K, LANES), jnp.float32),
            pltpu.VMEM((K, d), jnp.float32),
            pltpu.VMEM((K, d), jnp.float32),
            pltpu.VMEM((zr, d), jnp.float32),
            pltpu.SemaphoreType.DMA,
            pltpu.SemaphoreType.DMA,
            pltpu.SemaphoreType.DMA,
            pltpu.SemaphoreType.DMA,
            pltpu.SemaphoreType.DMA,
            pltpu.SemaphoreType.DMA,
            pltpu.SemaphoreType.DMA,
            pltpu.SemaphoreType.DMA,
            pltpu.SemaphoreType.DMA,
            pltpu.SemaphoreType.DMA,
        ],
        interpret=interpret,
    )
    def edge_kernel(hs_hbm, src_hbm, dst_hbm, ew16_hbm, out_hbm,
                    acc_s, srcb0, srcb1, dstb0, dstb1, ewb0, ewb1,
                    rows0, rows1, zbuf,
                    sem_g0, sem_g1, sem_s0, sem_s1,
                    sem_e0, sem_e1, sem_d0, sem_d1, sem_r0, sem_r1):
        cid = lax.axis_index("c")
        sid = lax.axis_index("s")
        wid = sid * NC + cid
        base_e = wid * ew_per

        srcb = (srcb0, srcb1)
        dstb = (dstb0, dstb1)
        ewb = (ewb0, ewb1)
        rows = (rows0, rows1)
        sem_g = (sem_g0, sem_g1)
        sem_s = (sem_s0, sem_s1)
        sem_e = (sem_e0, sem_e1)
        sem_d = (sem_d0, sem_d1)
        sem_r = (sem_r0, sem_r1)

        def zz(i, c):
            for v in range(nv):
                zbuf[i, pl.ds(v * LANES, LANES)] = (
                    jnp.zeros((LANES,), jnp.float32))
            return c

        lax.fori_loop(0, zr, zz, 0)
        for t in range(rows_per_sub // zr):
            pltpu.sync_copy(
                zbuf, acc_s.at[pl.ds(sid * rows_per_sub + t * zr, zr)])
        plsc.subcore_barrier()

        def sr_start(c, b):
            pltpu.async_copy(src_hbm.at[pl.ds(base_e + c * K, K)],
                             srcb[b], sem_r[b])

        def sr_wait(c, b):
            pltpu.make_async_copy(src_hbm.at[pl.ds(base_e + c * K, K)],
                                  srcb[b], sem_r[b]).wait()

        def d_start(c, b):
            pltpu.async_copy(dst_hbm.at[pl.ds(base_e + c * K, K)],
                             dstb[b], sem_d[b])

        def d_wait(c, b):
            pltpu.make_async_copy(dst_hbm.at[pl.ds(base_e + c * K, K)],
                                  dstb[b], sem_d[b]).wait()

        def ew_start(c, b):
            pltpu.async_copy(ew16_hbm.at[pl.ds(base_e + c * K, K)],
                             ewb[b], sem_e[b])

        def ew_wait(c, b):
            pltpu.make_async_copy(ew16_hbm.at[pl.ds(base_e + c * K, K)],
                                  ewb[b], sem_e[b]).wait()

        def g_start(c, b):
            pltpu.async_copy(hs_hbm.at[srcb[b]], rows[b], sem_g[b])

        def g_wait(c, b):
            pltpu.make_async_copy(hs_hbm.at[srcb[b]], rows[b],
                                  sem_g[b]).wait()

        def s_start(c, b):
            pltpu.sync_copy(rows[b], acc_s.at[dstb[b]], add=True)

        def s_wait(c, b):
            pass

        sr_start(0, 0)
        d_start(0, 0)
        ew_start(0, 0)
        if n_chunks > 1:
            sr_start(1, 1)
            d_start(1, 1)
            ew_start(1, 1)
        sr_wait(0, 0)
        d_wait(0, 0)
        g_start(0, 0)

        def iter_body(c, b):
            g_wait(c, b)
            ew_wait(c, b)

            def scale_row(r, c2):
                s = ewb[b][r, :]
                for v in range(nv):
                    sl = pl.ds(v * LANES, LANES)
                    rows[b][r, sl] = rows[b][r, sl] * s
                return c2

            lax.fori_loop(0, K, scale_row, 0)
            s_start(c, b)

            @pl.when(c + 1 < n_chunks)
            def _():
                sr_wait(c + 1, 1 - b)
                d_wait(c + 1, 1 - b)
                g_start(c + 1, 1 - b)

            @pl.when(c + 2 < n_chunks)
            def _():
                sr_start(c + 2, b)
                d_start(c + 2, b)
                ew_start(c + 2, b)

        def pair(i, c):
            c0 = i * 2
            iter_body(c0, 0)
            iter_body(c0 + 1, 1)
            return c

        lax.fori_loop(0, n_chunks // 2, pair, 0)
        if n_chunks % 2:
            iter_body(n_chunks - 1, (n_chunks - 1) % 2)
        plsc.subcore_barrier()
        pltpu.sync_copy(
            acc_s.at[pl.ds(sid * rows_per_sub, rows_per_sub)],
            out_hbm.at[cid, pl.ds(sid * rows_per_sub, rows_per_sub)])

    return edge_kernel


_NB = 1000


def _t1(degp, x, w0, interpret=False):
    n, d = x.shape
    grid = (n // _NB,)

    def body(degp_ref, x_ref, w_ref, h_ref, dis_ref):
        deg = degp_ref[0] + degp_ref[1] + 1.0
        dis = jnp.where(deg > 0.0, lax.rsqrt(deg), 0.0)
        h = jnp.dot(x_ref[...], w_ref[...], preferred_element_type=jnp.float32)
        h_ref[...] = h * dis
        dis_ref[...] = dis

    return pl.pallas_call(
        body,
        grid=grid,
        in_specs=[
            pl.BlockSpec((NC, _NB, 1), lambda i: (0, i, 0)),
            pl.BlockSpec((_NB, d), lambda i: (i, 0)),
            pl.BlockSpec((d, d), lambda i: (0, 0)),
        ],
        out_specs=[
            pl.BlockSpec((_NB, d), lambda i: (i, 0)),
            pl.BlockSpec((_NB, 1), lambda i: (i, 0)),
        ],
        out_shape=[
            jax.ShapeDtypeStruct((n, d), jnp.float32),
            jax.ShapeDtypeStruct((n, 1), jnp.float32),
        ],
        interpret=interpret,
    )(degp, x, w0)


def _t2a(acc, hs, dis, b, interpret=False):
    n, d = hs.shape
    grid = (n // _NB,)

    def body(acc_ref, hs_ref, dis_ref, b_ref, r_ref, ps_ref, pq_ref):
        a = acc_ref[0] + acc_ref[1] + hs_ref[...]
        o = dis_ref[...] * a + b_ref[...]
        r = jnp.maximum(o, 0.0)
        r_ref[...] = r
        ps_ref[0] = jnp.sum(r, axis=0, keepdims=True)
        pq_ref[0] = jnp.sum(r * r, axis=0, keepdims=True)

    return pl.pallas_call(
        body,
        grid=grid,
        in_specs=[
            pl.BlockSpec((NC, _NB, d), lambda i: (0, i, 0)),
            pl.BlockSpec((_NB, d), lambda i: (i, 0)),
            pl.BlockSpec((_NB, 1), lambda i: (i, 0)),
            pl.BlockSpec((1, d), lambda i: (0, 0)),
        ],
        out_specs=[
            pl.BlockSpec((_NB, d), lambda i: (i, 0)),
            pl.BlockSpec((1, 1, d), lambda i: (i, 0, 0)),
            pl.BlockSpec((1, 1, d), lambda i: (i, 0, 0)),
        ],
        out_shape=[
            jax.ShapeDtypeStruct((n, d), jnp.float32),
            jax.ShapeDtypeStruct((n // _NB, 1, d), jnp.float32),
            jax.ShapeDtypeStruct((n // _NB, 1, d), jnp.float32),
        ],
        interpret=interpret,
    )(acc, hs, dis, b)


def _t2b(ps, pq, gam, bet, dis, r, w, interpret=False):
    n, d = r.shape
    gb = ps.shape[0]
    grid = (n // _NB,)

    def body(ps_ref, pq_ref, g_ref, be_ref, dis_ref, r_ref, w_ref,
             z_ref, h_ref):
        s = jnp.sum(ps_ref[...], axis=0)
        q = jnp.sum(pq_ref[...], axis=0)
        mu = s / n
        var = q / n - mu * mu
        sc = g_ref[...] * lax.rsqrt(var + 1e-5)
        z = (r_ref[...] - mu) * sc + be_ref[...]
        z_ref[...] = z
        h_ref[...] = jnp.dot(
            z, w_ref[...], preferred_element_type=jnp.float32) * dis_ref[...]

    return pl.pallas_call(
        body,
        grid=grid,
        in_specs=[
            pl.BlockSpec((gb, 1, d), lambda i: (0, 0, 0)),
            pl.BlockSpec((gb, 1, d), lambda i: (0, 0, 0)),
            pl.BlockSpec((1, d), lambda i: (0, 0)),
            pl.BlockSpec((1, d), lambda i: (0, 0)),
            pl.BlockSpec((_NB, 1), lambda i: (i, 0)),
            pl.BlockSpec((_NB, d), lambda i: (i, 0)),
            pl.BlockSpec((d, d), lambda i: (0, 0)),
        ],
        out_specs=[
            pl.BlockSpec((_NB, d), lambda i: (i, 0)),
            pl.BlockSpec((_NB, d), lambda i: (i, 0)),
        ],
        out_shape=[
            jax.ShapeDtypeStruct((n, d), jnp.float32),
            jax.ShapeDtypeStruct((n, d), jnp.float32),
        ],
        interpret=interpret,
    )(ps, pq, gam, bet, dis, r, w)


def _t3b(ps, pq, gam, bet, r, wp1, bp1, wp2, bp2, interpret=False):
    n, d = r.shape
    gb = ps.shape[0]
    grid = (n // _NB,)

    def body(ps_ref, pq_ref, g_ref, be_ref, r_ref, w1_ref, b1_ref,
             w2_ref, b2_ref, z_ref, zp_ref):
        s = jnp.sum(ps_ref[...], axis=0)
        q = jnp.sum(pq_ref[...], axis=0)
        mu = s / n
        var = q / n - mu * mu
        sc = g_ref[...] * lax.rsqrt(var + 1e-5)
        z = (r_ref[...] - mu) * sc + be_ref[...]
        z_ref[...] = z
        m = jnp.maximum(
            jnp.dot(z, w1_ref[...], preferred_element_type=jnp.float32)
            + b1_ref[...], 0.0)
        zp_ref[...] = jnp.dot(
            m, w2_ref[...], preferred_element_type=jnp.float32) + b2_ref[...]

    return pl.pallas_call(
        body,
        grid=grid,
        in_specs=[
            pl.BlockSpec((gb, 1, d), lambda i: (0, 0, 0)),
            pl.BlockSpec((gb, 1, d), lambda i: (0, 0, 0)),
            pl.BlockSpec((1, d), lambda i: (0, 0)),
            pl.BlockSpec((1, d), lambda i: (0, 0)),
            pl.BlockSpec((_NB, d), lambda i: (i, 0)),
            pl.BlockSpec((d, d), lambda i: (0, 0)),
            pl.BlockSpec((1, d), lambda i: (0, 0)),
            pl.BlockSpec((d, d), lambda i: (0, 0)),
            pl.BlockSpec((1, d), lambda i: (0, 0)),
        ],
        out_specs=[
            pl.BlockSpec((_NB, d), lambda i: (i, 0)),
            pl.BlockSpec((_NB, d), lambda i: (i, 0)),
        ],
        out_shape=[
            jax.ShapeDtypeStruct((n, d), jnp.float32),
            jax.ShapeDtypeStruct((n, d), jnp.float32),
        ],
        interpret=interpret,
    )(ps, pq, gam, bet, r, wp1, bp1, wp2, bp2)


def _t4(batch3, z1, z2, zp, interpret=False):
    n, d = z1.shape
    grid = (n // _NB,)

    def body(b3_ref, z1_ref, z2_ref, zp_ref, out_ref):
        i = pl.program_id(0)
        bb = b3_ref[0, 0, :]
        oh = (lax.broadcasted_iota(jnp.int32, (G, _NB), 0)
              == bb[None, :]).astype(jnp.float32)
        zc = jnp.concatenate([z1_ref[...], z2_ref[...], zp_ref[...]], axis=1)
        contrib = jnp.dot(oh, zc, preferred_element_type=jnp.float32)

        @pl.when(i == 0)
        def _():
            out_ref[...] = contrib

        @pl.when(i > 0)
        def _():
            out_ref[...] += contrib

    return pl.pallas_call(
        body,
        grid=grid,
        in_specs=[
            pl.BlockSpec((1, 1, _NB), lambda i: (i, 0, 0)),
            pl.BlockSpec((_NB, d), lambda i: (i, 0)),
            pl.BlockSpec((_NB, d), lambda i: (i, 0)),
            pl.BlockSpec((_NB, d), lambda i: (i, 0)),
        ],
        out_specs=pl.BlockSpec((G, 3 * d), lambda i: (0, 0)),
        out_shape=jax.ShapeDtypeStruct((G, 3 * d), jnp.float32),
        interpret=interpret,
    )(batch3, z1, z2, zp)


def kernel(x, edge_index, edge_attr, batch,
           W0, b0, g0, be0, W1, b1, g1, be1, Wp1, bp1, Wp2, bp2):
    n, d = x.shape
    e = edge_index.shape[1]
    src = edge_index[0]
    dst = edge_index[1]

    deg_k = _make_deg_kernel(n, e)
    edge_k = _make_edge_kernel(n, e, d)

    ew16 = jnp.broadcast_to(edge_attr[:, None], (e, LANES))
    degp = deg_k(dst, edge_attr)
    h1s, dis = _t1(degp.reshape(NC, -1, 1), x, W0)
    acc1 = edge_k(h1s, src, dst, ew16)
    r1, ps1, pq1 = _t2a(acc1, h1s, dis, b0.reshape(1, d))
    z1, h2s = _t2b(ps1, pq1, g0.reshape(1, d), be0.reshape(1, d), dis, r1, W1)
    acc2 = edge_k(h2s, src, dst, ew16)
    r2, ps2, pq2 = _t2a(acc2, h2s, dis, b1.reshape(1, d))
    z2, zp = _t3b(ps2, pq2, g1.reshape(1, d), be1.reshape(1, d), r2,
                  Wp1, bp1.reshape(1, d), Wp2, bp2.reshape(1, d))
    batch3 = batch.reshape(n // _NB, 1, _NB)
    pooled = _t4(batch3, z1, z2, zp)
    return jnp.concatenate([z1, z2, zp], axis=1), pooled

# --- scband reference (transcript-rebuilt; emitter-appended) ---
"""Pipeline reference for scband-gconv-71794673320215 (READ-ONLY COPY).

The authoritative reference and input builder live on the scoring server;
editing this copy changes nothing except your own understanding.
"""

import jax, jax.numpy as jnp
import numpy as np

N = 10000
E = 320000
D = 128
H = 128
G = 64

def _init_linear(key, fan_in, fan_out):
    k1, k2 = jax.random.split(key)
    bound = 1.0 / np.sqrt(fan_in)
    W = jax.random.uniform(k1, (fan_in, fan_out), jnp.float32, -bound, bound)
    b = jax.random.uniform(k2, (fan_out,), jnp.float32, -bound, bound)
    return W, b

def setup_inputs(seed: int = 0):
    key = jax.random.key(seed)
    ks = jax.random.split(key, 10)
    inp = {}
    inp['x'] = jax.random.normal(ks[0], (N, D), jnp.float32)
    inp['edge_index'] = jax.random.randint(ks[1], (2, E), 0, N, dtype=jnp.int32)
    inp['edge_attr'] = jax.random.uniform(ks[2], (E,), jnp.float32)
    inp['batch'] = jnp.sort(jax.random.randint(ks[3], (N,), 0, G, dtype=jnp.int32))
    W0, b0 = _init_linear(ks[4], D, H)
    W1, b1 = _init_linear(ks[5], H, H)
    Wp1, bp1 = _init_linear(ks[6], H, H)
    Wp2, bp2 = _init_linear(ks[7], H, H)
    inp.update(W0=W0, b0=b0, g0=jnp.ones((H,), jnp.float32), be0=jnp.zeros((H,), jnp.float32),
               W1=W1, b1=b1, g1=jnp.ones((H,), jnp.float32), be1=jnp.zeros((H,), jnp.float32),
               Wp1=Wp1, bp1=bp1, Wp2=Wp2, bp2=bp2)
    return inp

def _gcn_conv(x, src, dst, ew, W, b):
    loop = jnp.arange(N)
    s = jnp.concatenate([src, loop])
    d = jnp.concatenate([dst, loop])
    w = jnp.concatenate([ew, jnp.ones((N,), x.dtype)])
    deg = jax.ops.segment_sum(w, d, num_segments=N)
    dis = jnp.where(deg > 0.0, 1.0 / jnp.sqrt(deg), 0.0)
    norm = dis[s] * w * dis[d]
    h = x @ W
    out = jax.ops.segment_sum(h[s] * norm[:, None], d, num_segments=N)
    return out + b

def _bn(z, gamma, beta):
    mu = jnp.mean(z, axis=0)
    var = jnp.var(z, axis=0)
    return gamma * (z - mu) / jnp.sqrt(var + 1e-5) + beta

def reference(x, edge_index, edge_attr, batch, W0, b0, g0, be0, W1, b1, g1, be1, Wp1, bp1, Wp2, bp2):
    src = edge_index[0]
    dst = edge_index[1]
    zs = []
    z = x
    for (W, b, ga, be) in ((W0, b0, g0, be0), (W1, b1, g1, be1)):
        z = _gcn_conv(z, src, dst, edge_attr, W, b)
        z = jax.nn.relu(z)
        z = _bn(z, ga, be)
        zs.append(z)
    zp = jax.nn.relu(z @ Wp1 + bp1) @ Wp2 + bp2
    zs.append(zp)
    gs = [jax.ops.segment_sum(t, batch, num_segments=G) for t in zs]
    return (jnp.concatenate(zs, axis=1), jnp.concatenate(gs, axis=1))

if __name__ == "__main__":
    import jax
    _d = setup_inputs()
    print(jax.jit(kernel)(*tuple(_d.values())))

</pallas_src>

<mosaic_0001>
#map = affine_map<(d0, d1) -> (0)>
module attributes {stable_mosaic.version = 14 : i64} {
  func.func @deg_kernel(%arg0: i32, %arg1: i32, %arg2: memref<320000xi32, #tpu.memory_space<hbm>>, %arg3: memref<320000xf32, #tpu.memory_space<hbm>>, %arg4: memref<20480xf32, #tpu.memory_space<hbm>>, %arg5: memref<10240xf32, #tpu.memory_space<vmem_shared>>, %arg6: memref<80xi32, #tpu.memory_space<vmem>>, %arg7: memref<80xi32, #tpu.memory_space<vmem>>, %arg8: memref<80xf32, #tpu.memory_space<vmem>>, %arg9: memref<80xf32, #tpu.memory_space<vmem>>, %arg10: memref<640xf32, #tpu.memory_space<vmem>>, %arg11: memref<!tpu.dma_semaphore, #tpu.memory_space<semaphore_mem>>, %arg12: memref<!tpu.dma_semaphore, #tpu.memory_space<semaphore_mem>>, %arg13: memref<!tpu.dma_semaphore, #tpu.memory_space<semaphore_mem>>, %arg14: memref<!tpu.dma_semaphore, #tpu.memory_space<semaphore_mem>>) attributes {dimension_semantics = [#tpu.dimension_semantics<core_parallel>, #tpu.dimension_semantics<subcore_parallel>], iteration_bounds = array<i64: 2, 16>, scalar_prefetch = 0 : i64, scratch_operands = 10 : i64, tpu.core_type = #tpu.core_type<sc_vector_subcore>, window_params = [{transform_indices = #map}, {transform_indices = #map}, {transform_indices = #map}]} {
    %mul3A = arith.constant 2 : i32
    %mul3A_0 = arith.muli %arg1, %mul3A : i32
    %add3A = arith.addi %mul3A_0, %arg0 : i32
    %scan3A = arith.constant 0 : i32
    %scan3A_1 = arith.constant 0 : i32
    %scan3A_2 = arith.constant 40 : i32
    %scan3A_3 = arith.addi %scan3A_1, %scan3A_2 : i32
    %scan3A_4 = arith.constant 1 : i32
    scf.for %scan3A_46 = %scan3A_1 to %scan3A_3 step %scan3A_4  : i32 {
      %broadcast_in_dim3A = arith.constant 0.000000e+00 : f32
      %broadcast_in_dim3A_47 = vector.broadcast %broadcast_in_dim3A : f32 to vector<16xf32>
      %mul3A_48 = arith.constant 16 : i32
      %mul3A_49 = arith.muli %scan3A_46, %mul3A_48 : i32
      %swap3A = arith.index_cast %mul3A_49 : i32 to index
      %swap3A_50 = tpu.vector_load %arg10[%swap3A] {strides = array<i32>} : memref<640xf32, #tpu.memory_space<vmem>>, vector<16xf32>,
      %swap3A_51 = vector.shape_cast %swap3A_50 : vector<16xf32> to vector<16xf32>
      %swap3A_52 = vector.shape_cast %broadcast_in_dim3A_47 : vector<16xf32> to vector<16xf32>
      tpu.vector_store %arg10[%swap3A], %swap3A_52 {strides = array<i32>} : memref<640xf32, #tpu.memory_space<vmem>>, vector<16xf32>,
    }
    %scan3A_5 = arith.constant 40 : i32
    %mul3A_6 = arith.constant 640 : i32
    %mul3A_7 = arith.muli %arg1, %mul3A_6 : i32
    "tpu.region"() ({
      %run_scoped3A = tpu.sem_alloc : memref<!tpu.dma_semaphore, #tpu.memory_space<semaphore_mem>>
      %dma_start3A_46 = tpu.memref_slice %arg5[%mul3A_7] : memref<10240xf32, #tpu.memory_space<vmem_shared>> -> memref<640xf32, #tpu.memory_space<vmem_shared>>
      %dma_start3A_47 = tpu.memref_slice %arg5[%mul3A_7] : memref<10240xf32, #tpu.memory_space<vmem_shared>> -> memref<640xf32, #tpu.memory_space<vmem_shared>>
      tpu.enqueue_dma source(%arg10 : memref<640xf32, #tpu.memory_space<vmem>>) target(%dma_start3A_47 : memref<640xf32, #tpu.memory_space<vmem_shared>>) target_semaphore(%run_scoped3A : memref<!tpu.dma_semaphore, #tpu.memory_space<semaphore_mem>>)
      %dma_wait3A_48 = tpu.memref_slice %arg5[%mul3A_7] : memref<10240xf32, #tpu.memory_space<vmem_shared>> -> memref<640xf32, #tpu.memory_space<vmem_shared>>
      %dma_wait3A_49 = tpu.memref_slice %arg5[%mul3A_7] : memref<10240xf32, #tpu.memory_space<vmem_shared>> -> memref<640xf32, #tpu.memory_space<vmem_shared>>
      tpu.wait_dma2 semaphore(%run_scoped3A : memref<!tpu.dma_semaphore, #tpu.memory_space<semaphore_mem>>) src(%arg10 : memref<640xf32, #tpu.memory_space<vmem>>) dst(%dma_wait3A_49 : memref<640xf32, #tpu.memory_space<vmem_shared>>)
      tpu.yield
    }) : () -> ()
    %barrier3A = arith.constant 0 : index
    tpu.barrier barrier_id(%barrier3A)
    %mul3A_8 = arith.constant 10000 : i32
    %mul3A_9 = arith.muli %add3A, %mul3A_8 : i32
    %add3A_10 = arith.constant 0 : i32
    %add3A_11 = arith.addi %mul3A_9, %add3A_10 : i32
    %dma_start3A = tpu.memref_slice %arg2[%add3A_11] : memref<320000xi32, #tpu.memory_space<hbm>> -> memref<80xi32, #tpu.memory_space<hbm>>
    %dma_start3A_12 = tpu.memref_slice %arg2[%add3A_11] : memref<320000xi32, #tpu.memory_space<hbm>> -> memref<80xi32, #tpu.memory_space<hbm>>
    tpu.enqueue_dma source(%dma_start3A_12 : memref<80xi32, #tpu.memory_space<hbm>>) target(%arg6 : memref<80xi32, #tpu.memory_space<vmem>>) target_semaphore(%arg11 : memref<!tpu.dma_semaphore, #tpu.memory_space<semaphore_mem>>)
    %add3A_13 = arith.constant 0 : i32
    %add3A_14 = arith.addi %mul3A_9, %add3A_13 : i32
    %dma_start3A_15 = tpu.memref_slice %arg3[%add3A_14] : memref<320000xf32, #tpu.memory_space<hbm>> -> memref<80xf32, #tpu.memory_space<hbm>>
    %dma_start3A_16 = tpu.memref_slice %arg3[%add3A_14] : memref<320000xf32, #tpu.memory_space<hbm>> -> memref<80xf32, #tpu.memory_space<hbm>>
    tpu.enqueue_dma source(%dma_start3A_16 : memref<80xf32, #tpu.memory_space<hbm>>) target(%arg8 : memref<80xf32, #tpu.memory_space<vmem>>) target_semaphore(%arg13 : memref<!tpu.dma_semaphore, #tpu.memory_space<semaphore_mem>>)
    %add3A_17 = arith.constant 80 : i32
    %add3A_18 = arith.addi %mul3A_9, %add3A_17 : i32
    %dma_start3A_19 = tpu.memref_slice %arg2[%add3A_18] : memref<320000xi32, #tpu.memory_space<hbm>> -> memref<80xi32, #tpu.memory_space<hbm>>
    %dma_start3A_20 = tpu.memref_slice %arg2[%add3A_18] : memref<320000xi32, #tpu.memory_space<hbm>> -> memref<80xi32, #tpu.memory_space<hbm>>
    tpu.enqueue_dma source(%dma_start3A_20 : memref<80xi32, #tpu.memory_space<hbm>>) target(%arg7 : memref<80xi32, #tpu.memory_space<vmem>>) target_semaphore(%arg12 : memref<!tpu.dma_semaphore, #tpu.memory_space<semaphore_mem>>)
    %add3A_21 = arith.constant 80 : i32
    %add3A_22 = arith.addi %mul3A_9, %add3A_21 : i32
    %dma_start3A_23 = tpu.memref_slice %arg3[%add3A_22] : memref<320000xf32, #tpu.memory_space<hbm>> -> memref<80xf32, #tpu.memory_space<hbm>>
    %dma_start3A_24 = tpu.memref_slice %arg3[%add3A_22] : memref<320000xf32, #tpu.memory_space<hbm>> -> memref<80xf32, #tpu.memory_space<hbm>>
    tpu.enqueue_dma source(%dma_start3A_24 : memref<80xf32, #tpu.memory_space<hbm>>) target(%arg9 : memref<80xf32, #tpu.memory_space<vmem>>) target_semaphore(%arg14 : memref<!tpu.dma_semaphore, #tpu.memory_space<semaphore_mem>>)
    %scan3A_25 = arith.constant 0 : i32
    %scan3A_26 = arith.constant 0 : i32
    %scan3A_27 = arith.constant 62 : i32
    %scan3A_28 = arith.addi %scan3A_26, %scan3A_27 : i32
    %scan3A_29 = arith.constant 1 : i32
    scf.for %scan3A_46 = %scan3A_26 to %scan3A_28 step %scan3A_29  : i32 {
      %mul3A_47 = arith.constant 2 : i32
      %mul3A_48 = arith.muli %scan3A_46, %mul3A_47 : i32
      %mul3A_49 = arith.constant 80 : i32
      %mul3A_50 = arith.muli %mul3A_48, %mul3A_49 : i32
      %add3A_51 = arith.addi %mul3A_9, %mul3A_50 : i32
      %dma_wait3A_52 = tpu.memref_slice %arg2[%add3A_51] : memref<320000xi32, #tpu.memory_space<hbm>> -> memref<80xi32, #tpu.memory_space<hbm>>
      %dma_wait3A_53 = tpu.memref_slice %arg2[%add3A_51] : memref<320000xi32, #tpu.memory_space<hbm>> -> memref<80xi32, #tpu.memory_space<hbm>>
      tpu.wait_dma2 semaphore(%arg11 : memref<!tpu.dma_semaphore, #tpu.memory_space<semaphore_mem>>) src(%dma_wait3A_53 : memref<80xi32, #tpu.memory_space<hbm>>) dst(%arg6 : memref<80xi32, #tpu.memory_space<vmem>>)
      %mul3A_54 = arith.constant 80 : i32
      %mul3A_55 = arith.muli %mul3A_48, %mul3A_54 : i32
      %add3A_56 = arith.addi %mul3A_9, %mul3A_55 : i32
      %dma_wait3A_57 = tpu.memref_slice %arg3[%add3A_56] : memref<320000xf32, #tpu.memory_space<hbm>> -> memref<80xf32, #tpu.memory_space<hbm>>
      %dma_wait3A_58 = tpu.memref_slice %arg3[%add3A_56] : memref<320000xf32, #tpu.memory_space<hbm>> -> memref<80xf32, #tpu.memory_space<hbm>>
      tpu.wait_dma2 semaphore(%arg13 : memref<!tpu.dma_semaphore, #tpu.memory_space<semaphore_mem>>) src(%dma_wait3A_58 : memref<80xf32, #tpu.memory_space<hbm>>) dst(%arg8 : memref<80xf32, #tpu.memory_space<vmem>>)
      "tpu.region"() ({
        %run_scoped3A = tpu.sem_alloc : memref<!tpu.dma_semaphore, #tpu.memory_space<semaphore_mem>>
        %dma_start3A_82 = arith.constant 0 : i32
        %dma_start3A_83 = tpu.memref_slice %arg5[%dma_start3A_82] : memref<10240xf32, #tpu.memory_space<vmem_shared>> -> memref<10240xf32, #tpu.memory_space<vmem_shared>>
        tpu.enqueue_indirect_dma source(%arg8 : memref<80xf32, #tpu.memory_space<vmem>>) target(%dma_start3A_83 : memref<10240xf32, #tpu.memory_space<vmem_shared>>) offsets(%arg6 : memref<80xi32, #tpu.memory_space<vmem>>) semaphore(%run_scoped3A : memref<!tpu.dma_semaphore, #tpu.memory_space<semaphore_mem>>) {add = true}
        %dma_wait3A_84 = arith.constant 0 : i32
        %dma_wait3A_85 = tpu.memref_slice %arg5[%dma_wait3A_84] : memref<10240xf32, #tpu.memory_space<vmem_shared>> -> memref<10240xf32, #tpu.memory_space<vmem_shared>>
        tpu.wait_indirect_dma semaphore(%run_scoped3A : memref<!tpu.dma_semaphore, #tpu.memory_space<semaphore_mem>>) src(%arg8 : memref<80xf32, #tpu.memory_space<vmem>>) dst(%dma_wait3A_85 : memref<10240xf32, #tpu.memory_space<vmem_shared>>)
        tpu.yield
      }) : () -> ()
      %add3A_59 = arith.constant 2 : i32
      %add3A_60 = arith.addi %mul3A_48, %add3A_59 : i32
      %lt3A = arith.constant 125 : i32
      %lt3A_61 = arith.cmpi slt, %add3A_60, %lt3A : i32
      %convert_element_type3A = arith.extui %lt3A_61 : i1 to i32
      %cond3A = arith.constant 0 : i32
      %cond3A_62 = arith.cmpi ne, %convert_element_type3A, %cond3A : i32
      scf.if %cond3A_62 {
        %add3A_82 = arith.constant 2 : i32
        %add3A_83 = arith.addi %mul3A_48, %add3A_82 : i32
        %mul3A_84 = arith.constant 80 : i32
        %mul3A_85 = arith.muli %add3A_83, %mul3A_84 : i32
        %add3A_86 = arith.addi %mul3A_9, %mul3A_85 : i32
        %dma_start3A_87 = tpu.memref_slice %arg2[%add3A_86] : memref<320000xi32, #tpu.memory_space<hbm>> -> memref<80xi32, #tpu.memory_space<hbm>>
        %dma_start3A_88 = tpu.memref_slice %arg2[%add3A_86] : memref<320000xi32, #tpu.memory_space<hbm>> -> memref<80xi32, #tpu.memory_space<hbm>>
        tpu.enqueue_dma source(%dma_start3A_88 : memref<80xi32, #tpu.memory_space<hbm>>) target(%arg6 : memref<80xi32, #tpu.memory_space<vmem>>) target_semaphore(%arg11 : memref<!tpu.dma_semaphore, #tpu.memory_space<semaphore_mem>>)
        %add3A_89 = arith.constant 2 : i32
        %add3A_90 = arith.addi %mul3A_48, %add3A_89 : i32
        %mul3A_91 = arith.constant 80 : i32
        %mul3A_92 = arith.muli %add3A_90, %mul3A_91 : i32
        %add3A_93 = arith.addi %mul3A_9, %mul3A_92 : i32
        %dma_start3A_94 = tpu.memref_slice %arg3[%add3A_93] : memref<320000xf32, #tpu.memory_space<hbm>> -> memref<80xf32, #tpu.memory_space<hbm>>
        %dma_start3A_95 = tpu.memref_slice %arg3[%add3A_93] : memref<320000xf32, #tpu.memory_space<hbm>> -> memref<80xf32, #tpu.memory_space<hbm>>
        tpu.enqueue_dma source(%dma_start3A_95 : memref<80xf32, #tpu.memory_space<hbm>>) target(%arg8 : memref<80xf32, #tpu.memory_space<vmem>>) target_semaphore(%arg13 : memref<!tpu.dma_semaphore, #tpu.memory_space<semaphore_mem>>)
      } else {
      }
      %add3A_63 = arith.constant 1 : i32
      %add3A_64 = arith.addi %mul3A_48, %add3A_63 : i32
      %mul3A_65 = arith.constant 80 : i32
      %mul3A_66 = arith.muli %add3A_64, %mul3A_65 : i32
      %add3A_67 = arith.addi %mul3A_9, %mul3A_66 : i32
      %dma_wait3A_68 = tpu.memref_slice %arg2[%add3A_67] : memref<320000xi32, #tpu.memory_space<hbm>> -> memref<80xi32, #tpu.memory_space<hbm>>
      %dma_wait3A_69 = tpu.memref_slice %arg2[%add3A_67] : memref<320000xi32, #tpu.memory_space<hbm>> -> memref<80xi32, #tpu.memory_space<hbm>>
      tpu.wait_dma2 semaphore(%arg12 : memref<!tpu.dma_semaphore, #tpu.memory_space<semaphore_mem>>) src(%dma_wait3A_69 : memref<80xi32, #tpu.memory_space<hbm>>) dst(%arg7 : memref<80xi32, #tpu.memory_space<vmem>>)
      %mul3A_70 = arith.constant 80 : i32
      %mul3A_71 = arith.muli %add3A_64, %mul3A_70 : i32
      %add3A_72 = arith.addi %mul3A_9, %mul3A_71 : i32
      %dma_wait3A_73 = tpu.memref_slice %arg3[%add3A_72] : memref<320000xf32, #tpu.memory_space<hbm>> -> memref<80xf32, #tpu.memory_space<hbm>>
      %dma_wait3A_74 = tpu.memref_slice %arg3[%add3A_72] : memref<320000xf32, #tpu.memory_space<hbm>> -> memref<80xf32, #tpu.memory_space<hbm>>
      tpu.wait_dma2 semaphore(%arg14 : memref<!tpu.dma_semaphore, #tpu.memory_space<semaphore_mem>>) src(%dma_wait3A_74 : memref<80xf32, #tpu.memory_space<hbm>>) dst(%arg9 : memref<80xf32, #tpu.memory_space<vmem>>)
      "tpu.region"() ({
        %run_scoped3A = tpu.sem_alloc : memref<!tpu.dma_semaphore, #tpu.memory_space<semaphore_mem>>
        %dma_start3A_82 = arith.constant 0 : i32
        %dma_start3A_83 = tpu.memref_slice %arg5[%dma_start3A_82] : memref<10240xf32, #tpu.memory_space<vmem_shared>> -> memref<10240xf32, #tpu.memory_space<vmem_shared>>
        tpu.enqueue_indirect_dma source(%arg9 : memref<80xf32, #tpu.memory_space<vmem>>) target(%dma_start3A_83 : memref<10240xf32, #tpu.memory_space<vmem_shared>>) offsets(%arg7 : memref<80xi32, #tpu.memory_space<vmem>>) semaphore(%run_scoped3A : memref<!tpu.dma_semaphore, #tpu.memory_space<semaphore_mem>>) {add = true}
        %dma_wait3A_84 = arith.constant 0 : i32
        %dma_wait3A_85 = tpu.memref_slice %arg5[%dma_wait3A_84] : memref<10240xf32, #tpu.memory_space<vmem_shared>> -> memref<10240xf32, #tpu.memory_space<vmem_shared>>
        tpu.wait_indirect_dma semaphore(%run_scoped3A : memref<!tpu.dma_semaphore, #tpu.memory_space<semaphore_mem>>) src(%arg9 : memref<80xf32, #tpu.memory_space<vmem>>) dst(%dma_wait3A_85 : memref<10240xf32, #tpu.memory_space<vmem_shared>>)
        tpu.yield
      }) : () -> ()
      %add3A_75 = arith.constant 2 : i32
      %add3A_76 = arith.addi %add3A_64, %add3A_75 : i32
      %lt3A_77 = arith.constant 125 : i32
      %lt3A_78 = arith.cmpi slt, %add3A_76, %lt3A_77 : i32
      %convert_element_type3A_79 = arith.extui %lt3A_78 : i1 to i32
      %cond3A_80 = arith.constant 0 : i32
      %cond3A_81 = arith.cmpi ne, %convert_element_type3A_79, %cond3A_80 : i32
      scf.if %cond3A_81 {
        %add3A_82 = arith.constant 2 : i32
        %add3A_83 = arith.addi %add3A_64, %add3A_82 : i32
        %mul3A_84 = arith.constant 80 : i32
        %mul3A_85 = arith.muli %add3A_83, %mul3A_84 : i32
        %add3A_86 = arith.addi %mul3A_9, %mul3A_85 : i32
        %dma_start3A_87 = tpu.memref_slice %arg2[%add3A_86] : memref<320000xi32, #tpu.memory_space<hbm>> -> memref<80xi32, #tpu.memory_space<hbm>>
        %dma_start3A_88 = tpu.memref_slice %arg2[%add3A_86] : memref<320000xi32, #tpu.memory_space<hbm>> -> memref<80xi32, #tpu.memory_space<hbm>>
        tpu.enqueue_dma source(%dma_start3A_88 : memref<80xi32, #tpu.memory_space<hbm>>) target(%arg7 : memref<80xi32, #tpu.memory_space<vmem>>) target_semaphore(%arg12 : memref<!tpu.dma_semaphore, #tpu.memory_space<semaphore_mem>>)
        %add3A_89 = arith.constant 2 : i32
        %add3A_90 = arith.addi %add3A_64, %add3A_89 : i32
        %mul3A_91 = arith.constant 80 : i32
        %mul3A_92 = arith.muli %add3A_90, %mul3A_91 : i32
        %add3A_93 = arith.addi %mul3A_9, %mul3A_92 : i32
        %dma_start3A_94 = tpu.memref_slice %arg3[%add3A_93] : memref<320000xf32, #tpu.memory_space<hbm>> -> memref<80xf32, #tpu.memory_space<hbm>>
        %dma_start3A_95 = tpu.memref_slice %arg3[%add3A_93] : memref<320000xf32, #tpu.memory_space<hbm>> -> memref<80xf32, #tpu.memory_space<hbm>>
        tpu.enqueue_dma source(%dma_start3A_95 : memref<80xf32, #tpu.memory_space<hbm>>) target(%arg9 : memref<80xf32, #tpu.memory_space<vmem>>) target_semaphore(%arg14 : memref<!tpu.dma_semaphore, #tpu.memory_space<semaphore_mem>>)
      } else {
      }
    }
    %scan3A_30 = arith.constant 62 : i32
    %add3A_31 = arith.constant 9920 : i32
    %add3A_32 = arith.addi %mul3A_9, %add3A_31 : i32
    %dma_wait3A = tpu.memref_slice %arg2[%add3A_32] : memref<320000xi32, #tpu.memory_space<hbm>> -> memref<80xi32, #tpu.memory_space<hbm>>
    %dma_wait3A_33 = tpu.memref_slice %arg2[%add3A_32] : memref<320000xi32, #tpu.memory_space<hbm>> -> memref<80xi32, #tpu.memory_space<hbm>>
    tpu.wait_dma2 semaphore(%arg11 : memref<!tpu.dma_semaphore, #tpu.memory_space<semaphore_mem>>) src(%dma_wait3A_33 : memref<80xi32, #tpu.memory_space<hbm>>) dst(%arg6 : memref<80xi32, #tpu.memory_space<vmem>>)
    %add3A_34 = arith.constant 9920 : i32
    %add3A_35 = arith.addi %mul3A_9, %add3A_34 : i32
    %dma_wait3A_36 = tpu.memref_slice %arg3[%add3A_35] : memref<320000xf32, #tpu.memory_space<hbm>> -> memref<80xf32, #tpu.memory_space<hbm>>
    %dma_wait3A_37 = tpu.memref_slice %arg3[%add3A_35] : memref<320000xf32, #tpu.memory_space<hbm>> -> memref<80xf32, #tpu.memory_space<hbm>>
    tpu.wait_dma2 semaphore(%arg13 : memref<!tpu.dma_semaphore, #tpu.memory_space<semaphore_mem>>) src(%dma_wait3A_37 : memref<80xf32, #tpu.memory_space<hbm>>) dst(%arg8 : memref<80xf32, #tpu.memory_space<vmem>>)
    "tpu.region"() ({
      %run_scoped3A = tpu.sem_alloc : memref<!tpu.dma_semaphore, #tpu.memory_space<semaphore_mem>>
      %dma_start3A_46 = arith.constant 0 : i32
      %dma_start3A_47 = tpu.memref_slice %arg5[%dma_start3A_46] : memref<10240xf32, #tpu.memory_space<vmem_shared>> -> memref<10240xf32, #tpu.memory_space<vmem_shared>>
      tpu.enqueue_indirect_dma source(%arg8 : memref<80xf32, #tpu.memory_space<vmem>>) target(%dma_start3A_47 : memref<10240xf32, #tpu.memory_space<vmem_shared>>) offsets(%arg6 : memref<80xi32, #tpu.memory_space<vmem>>) semaphore(%run_scoped3A : memref<!tpu.dma_semaphore, #tpu.memory_space<semaphore_mem>>) {add = true}
      %dma_wait3A_48 = arith.constant 0 : i32
      %dma_wait3A_49 = tpu.memref_slice %arg5[%dma_wait3A_48] : memref<10240xf32, #tpu.memory_space<vmem_shared>> -> memref<10240xf32, #tpu.memory_space<vmem_shared>>
      tpu.wait_indirect_dma semaphore(%run_scoped3A : memref<!tpu.dma_semaphore, #tpu.memory_space<semaphore_mem>>) src(%arg8 : memref<80xf32, #tpu.memory_space<vmem>>) dst(%dma_wait3A_49 : memref<10240xf32, #tpu.memory_space<vmem_shared>>)
      tpu.yield
    }) : () -> ()
    %barrier3A_38 = arith.constant 0 : index
    tpu.barrier barrier_id(%barrier3A_38)
    %mul3A_39 = arith.constant 640 : i32
    %mul3A_40 = arith.muli %arg1, %mul3A_39 : i32
    %mul3A_41 = arith.constant 10240 : i32
    %mul3A_42 = arith.muli %arg0, %mul3A_41 : i32
    %mul3A_43 = arith.constant 640 : i32
    %mul3A_44 = arith.muli %arg1, %mul3A_43 : i32
    %add3A_45 = arith.addi %mul3A_42, %mul3A_44 : i32
    "tpu.region"() ({
      %run_scoped3A = tpu.sem_alloc : memref<!tpu.dma_semaphore, #tpu.memory_space<semaphore_mem>>
      %dma_start3A_46 = tpu.memref_slice %arg4[%add3A_45] : memref<20480xf32, #tpu.memory_space<hbm>> -> memref<640xf32, #tpu.memory_space<hbm>>
      %dma_start3A_47 = tpu.memref_slice %arg5[%mul3A_40] : memref<10240xf32, #tpu.memory_space<vmem_shared>> -> memref<640xf32, #tpu.memory_space<vmem_shared>>
      tpu.enqueue_dma source(%dma_start3A_47 : memref<640xf32, #tpu.memory_space<vmem_shared>>) target(%dma_start3A_46 : memref<640xf32, #tpu.memory_space<hbm>>) target_semaphore(%run_scoped3A : memref<!tpu.dma_semaphore, #tpu.memory_space<semaphore_mem>>)
      %dma_wait3A_48 = tpu.memref_slice %arg4[%add3A_45] : memref<20480xf32, #tpu.memory_space<hbm>> -> memref<640xf32, #tpu.memory_space<hbm>>
      %dma_wait3A_49 = tpu.memref_slice %arg5[%mul3A_40] : memref<10240xf32, #tpu.memory_space<vmem_shared>> -> memref<640xf32, #tpu.memory_space<vmem_shared>>
      tpu.wait_dma2 semaphore(%run_scoped3A : memref<!tpu.dma_semaphore, #tpu.memory_space<semaphore_mem>>) src(%dma_wait3A_49 : memref<640xf32, #tpu.memory_space<vmem_shared>>) dst(%dma_wait3A_48 : memref<640xf32, #tpu.memory_space<hbm>>)
      tpu.yield
    }) : () -> ()
    return
  }
}

#map = affine_map<(d0, d1) -> (0, 0)>
#map1 = affine_map<(d0, d1) -> (0)>
#map2 = affine_map<(d0, d1) -> (0, 0, 0)>
module attributes {stable_mosaic.version = 14 : i64} {
  func.func @edge_kernel(%arg0: i32, %arg1: i32, %arg2: memref<10000x128xf32, #tpu.memory_space<hbm>>, %arg3: memref<320000xi32, #tpu.memory_space<hbm>>, %arg4: memref<320000xi32, #tpu.memory_space<hbm>>, %arg5: memref<320000x16xf32, #tpu.memory_space<hbm>>, %arg6: memref<2x10240x128xf32, #tpu.memory_space<hbm>>, %arg7: memref<10240x128xf32, #tpu.memory_space<vmem_shared>>, %arg8: memref<80xi32, #tpu.memory_space<vmem>>, %arg9: memref<80xi32, #tpu.memory_space<vmem>>, %arg10: memref<80xi32, #tpu.memory_space<vmem>>, %arg11: memref<80xi32, #tpu.memory_space<vmem>>, %arg12: memref<80x16xf32, #tpu.memory_space<vmem>>, %arg13: memref<80x16xf32, #tpu.memory_space<vmem>>, %arg14: memref<80x128xf32, #tpu.memory_space<vmem>>, %arg15: memref<80x128xf32, #tpu.memory_space<vmem>>, %arg16: memref<128x128xf32, #tpu.memory_space<vmem>>, %arg17: memref<!tpu.dma_semaphore, #tpu.memory_space<semaphore_mem>>, %arg18: memref<!tpu.dma_semaphore, #tpu.memory_space<semaphore_mem>>, %arg19: memref<!tpu.dma_semaphore, #tpu.memory_space<semaphore_mem>>, %arg20: memref<!tpu.dma_semaphore, #tpu.memory_space<semaphore_mem>>, %arg21: memref<!tpu.dma_semaphore, #tpu.memory_space<semaphore_mem>>, %arg22: memref<!tpu.dma_semaphore, #tpu.memory_space<semaphore_mem>>, %arg23: memref<!tpu.dma_semaphore, #tpu.memory_space<semaphore_mem>>, %arg24: memref<!tpu.dma_semaphore, #tpu.memory_space<semaphore_mem>>, %arg25: memref<!tpu.dma_semaphore, #tpu.memory_space<semaphore_mem>>, %arg26: memref<!tpu.dma_semaphore, #tpu.memory_space<semaphore_mem>>) attributes {dimension_semantics = [#tpu.dimension_semantics<core_parallel>, #tpu.dimension_semantics<subcore_parallel>], iteration_bounds = array<i64: 2, 16>, scalar_prefetch = 0 : i64, scratch_operands = 20 : i64, tpu.core_type = #tpu.core_type<sc_vector_subcore>, window_params = [{transform_indices = #map}, {transform_indices = #map1}, {transform_indices = #map1}, {transform_indices = #map}, {transform_indices = #map2}]} {
    %mul3A = arith.constant 2 : i32
    %mul3A_0 = arith.muli %arg1, %mul3A : i32
    %add3A = arith.addi %mul3A_0, %arg0 : i32
    %mul3A_1 = arith.constant 10000 : i32
    %mul3A_2 = arith.muli %add3A, %mul3A_1 : i32
    %scan3A = arith.constant 0 : i32
    %scan3A_3 = arith.constant 0 : i32
    %scan3A_4 = arith.constant 128 : i32
    %scan3A_5 = arith.addi %scan3A_3, %scan3A_4 : i32
    %scan3A_6 = arith.constant 1 : i32
    scf.for %scan3A_91 = %scan3A_3 to %scan3A_5 step %scan3A_6  : i32 {
      %broadcast_in_dim3A = arith.constant 0.000000e+00 : f32
      %broadcast_in_dim3A_92 = vector.broadcast %broadcast_in_dim3A : f32 to vector<16xf32>
      %swap3A = arith.index_cast %scan3A_91 : i32 to index
      %swap3A_93 = arith.constant 0 : index
      %swap3A_94 = tpu.vector_load %arg16[%swap3A, %swap3A_93] {strides = array<i32>} : memref<128x128xf32, #tpu.memory_space<vmem>>, vector<1x16xf32>,
      %swap3A_95 = vector.shape_cast %swap3A_94 : vector<1x16xf32> to vector<16xf32>
      %swap3A_96 = vector.shape_cast %broadcast_in_dim3A_92 : vector<16xf32> to vector<1x16xf32>
      tpu.vector_store %arg16[%swap3A, %swap3A_93], %swap3A_96 {strides = array<i32>} : memref<128x128xf32, #tpu.memory_space<vmem>>, vector<1x16xf32>,
      %broadcast_in_dim3A_97 = arith.constant 0.000000e+00 : f32
      %broadcast_in_dim3A_98 = vector.broadcast %broadcast_in_dim3A_97 : f32 to vector<16xf32>
      %swap3A_99 = arith.index_cast %scan3A_91 : i32 to index
      %swap3A_100 = arith.constant 16 : index
      %swap3A_101 = tpu.vector_load %arg16[%swap3A_99, %swap3A_100] {strides = array<i32>} : memref<128x128xf32, #tpu.memory_space<vmem>>, vector<1x16xf32>,
      %swap3A_102 = vector.shape_cast %swap3A_101 : vector<1x16xf32> to vector<16xf32>
      %swap3A_103 = vector.shape_cast %broadcast_in_dim3A_98 : vector<16xf32> to vector<1x16xf32>
      tpu.vector_store %arg16[%swap3A_99, %swap3A_100], %swap3A_103 {strides = array<i32>} : memref<128x128xf32, #tpu.memory_space<vmem>>, vector<1x16xf32>,
      %broadcast_in_dim3A_104 = arith.constant 0.000000e+00 : f32
      %broadcast_in_dim3A_105 = vector.broadcast %broadcast_in_dim3A_104 : f32 to vector<16xf32>
      %swap3A_106 = arith.index_cast %scan3A_91 : i32 to index
      %swap3A_107 = arith.constant 32 : index
      %swap3A_108 = tpu.vector_load %arg16[%swap3A_106, %swap3A_107] {strides = array<i32>} : memref<128x128xf32, #tpu.memory_space<vmem>>, vector<1x16xf32>,
      %swap3A_109 = vector.shape_cast %swap3A_108 : vector<1x16xf32> to vector<16xf32>
      %swap3A_110 = vector.shape_cast %broadcast_in_dim3A_105 : vector<16xf32> to vector<1x16xf32>
      tpu.vector_store %arg16[%swap3A_106, %swap3A_107], %swap3A_110 {strides = array<i32>} : memref<128x128xf32, #tpu.memory_space<vmem>>, vector<1x16xf32>,
      %broadcast_in_dim3A_111 = arith.constant 0.000000e+00 : f32
      %broadcast_in_dim3A_112 = vector.broadcast %broadcast_in_dim3A_111 : f32 to vector<16xf32>
      %swap3A_113 = arith.index_cast %scan3A_91 : i32 to index
      %swap3A_114 = arith.constant 48 : index
      %swap3A_115 = tpu.vector_load %arg16[%swap3A_113, %swap3A_114] {strides = array<i32>} : memref<128x128xf32, #tpu.memory_space<vmem>>, vector<1x16xf32>,
      %swap3A_116 = vector.shape_cast %swap3A_115 : vector<1x16xf32> to vector<16xf32>
      %swap3A_117 = vector.shape_cast %broadcast_in_dim3A_112 : vector<16xf32> to vector<1x16xf32>
      tpu.vector_store %arg16[%swap3A_113, %swap3A_114], %swap3A_117 {strides = array<i32>} : memref<128x128xf32, #tpu.memory_space<vmem>>, vector<1x16xf32>,
      %broadcast_in_dim3A_118 = arith.constant 0.000000e+00 : f32
      %broadcast_in_dim3A_119 = vector.broadcast %broadcast_in_dim3A_118 : f32 to vector<16xf32>
      %swap3A_120 = arith.index_cast %scan3A_91 : i32 to index
      %swap3A_121 = arith.constant 64 : index
      %swap3A_122 = tpu.vector_load %arg16[%swap3A_120, %swap3A_121] {strides = array<i32>} : memref<128x128xf32, #tpu.memory_space<vmem>>, vector<1x16xf32>,
      %swap3A_123 = vector.shape_cast %swap3A_122 : vector<1x16xf32> to vector<16xf32>
      %swap3A_124 = vector.shape_cast %broadcast_in_dim3A_119 : vector<16xf32> to vector<1x16xf32>
      tpu.vector_store %arg16[%swap3A_120, %swap3A_121], %swap3A_124 {strides = array<i32>} : memref<128x128xf32, #tpu.memory_space<vmem>>, vector<1x16xf32>,
      %broadcast_in_dim3A_125 = arith.constant 0.000000e+00 : f32
      %broadcast_in_dim3A_126 = vector.broadcast %broadcast_in_dim3A_125 : f32 to vector<16xf32>
      %swap3A_127 = arith.index_cast %scan3A_91 : i32 to index
      %swap3A_128 = arith.constant 80 : index
      %swap3A_129 = tpu.vector_load %arg16[%swap3A_127, %swap3A_128] {strides = array<i32>} : memref<128x128xf32, #tpu.memory_space<vmem>>, vector<1x16xf32>,
      %swap3A_130 = vector.shape_cast %swap3A_129 : vector<1x16xf32> to vector<16xf32>
      %swap3A_131 = vector.shape_cast %broadcast_in_dim3A_126 : vector<16xf32> to vector<1x16xf32>
      tpu.vector_store %arg16[%swap3A_127, %swap3A_128], %swap3A_131 {strides = array<i32>} : memref<128x128xf32, #tpu.memory_space<vmem>>, vector<1x16xf32>,
      %broadcast_in_dim3A_132 = arith.constant 0.000000e+00 : f32
      %broadcast_in_dim3A_133 = vector.broadcast %broadcast_in_dim3A_132 : f32 to vector<16xf32>
      %swap3A_134 = arith.index_cast %scan3A_91 : i32 to index
      %swap3A_135 = arith.constant 96 : index
      %swap3A_136 = tpu.vector_load %arg16[%swap3A_134, %swap3A_135] {strides = array<i32>} : memref<128x128xf32, #tpu.memory_space<vmem>>, vector<1x16xf32>,
      %swap3A_137 = vector.shape_cast %swap3A_136 : vector<1x16xf32> to vector<16xf32>
      %swap3A_138 = vector.shape_cast %broadcast_in_dim3A_133 : vector<16xf32> to vector<1x16xf32>
      tpu.vector_store %arg16[%swap3A_134, %swap3A_135], %swap3A_138 {strides = array<i32>} : memref<128x128xf32, #tpu.memory_space<vmem>>, vector<1x16xf32>,
      %broadcast_in_dim3A_139 = arith.constant 0.000000e+00 : f32
      %broadcast_in_dim3A_140 = vector.broadcast %broadcast_in_dim3A_139 : f32 to vector<16xf32>
      %swap3A_141 = arith.index_cast %scan3A_91 : i32 to index
      %swap3A_142 = arith.constant 112 : index
      %swap3A_143 = tpu.vector_load %arg16[%swap3A_141, %swap3A_142] {strides = array<i32>} : memref<128x128xf32, #tpu.memory_space<vmem>>, vector<1x16xf32>,
      %swap3A_144 = vector.shape_cast %swap3A_143 : vector<1x16xf32> to vector<16xf32>
      %swap3A_145 = vector.shape_cast %broadcast_in_dim3A_140 : vector<16xf32> to vector<1x16xf32>
      tpu.vector_store %arg16[%swap3A_141, %swap3A_142], %swap3A_145 {strides = array<i32>} : memref<128x128xf32, #tpu.memory_space<vmem>>, vector<1x16xf32>,
    }
    %scan3A_7 = arith.constant 128 : i32
    %mul3A_8 = arith.constant 640 : i32
    %mul3A_9 = arith.muli %arg1, %mul3A_8 : i32
    %add3A_10 = arith.constant 0 : i32
    %add3A_11 = arith.addi %mul3A_9, %add3A_10 : i32
    "tpu.region"() ({
      %run_scoped3A = tpu.sem_alloc : memref<!tpu.dma_semaphore, #tpu.memory_space<semaphore_mem>>
      %dma_start3A_91 = arith.constant 0 : i32
      %dma_start3A_92 = tpu.memref_slice %arg7[%add3A_11, %dma_start3A_91] : memref<10240x128xf32, #tpu.memory_space<vmem_shared>> -> memref<128x128xf32, #tpu.memory_space<vmem_shared>>
      %dma_start3A_93 = arith.constant 0 : i32
      %dma_start3A_94 = tpu.memref_slice %arg7[%add3A_11, %dma_start3A_93] : memref<10240x128xf32, #tpu.memory_space<vmem_shared>> -> memref<128x128xf32, #tpu.memory_space<vmem_shared>>
      tpu.enqueue_dma source(%arg16 : memref<128x128xf32, #tpu.memory_space<vmem>>) target(%dma_start3A_94 : memref<128x128xf32, #tpu.memory_space<vmem_shared>>) target_semaphore(%run_scoped3A : memref<!tpu.dma_semaphore, #tpu.memory_space<semaphore_mem>>)
      %dma_wait3A_95 = arith.constant 0 : i32
      %dma_wait3A_96 = tpu.memref_slice %arg7[%add3A_11, %dma_wait3A_95] : memref<10240x128xf32, #tpu.memory_space<vmem_shared>> -> memref<128x128xf32, #tpu.memory_space<vmem_shared>>
      %dma_wait3A_97 = arith.constant 0 : i32
      %dma_wait3A_98 = tpu.memref_slice %arg7[%add3A_11, %dma_wait3A_97] : memref<10240x128xf32, #tpu.memory_space<vmem_shared>> -> memref<128x128xf32, #tpu.memory_space<vmem_shared>>
      tpu.wait_dma2 semaphore(%run_scoped3A : memref<!tpu.dma_semaphore, #tpu.memory_space<semaphore_mem>>) src(%arg16 : memref<128x128xf32, #tpu.memory_space<vmem>>) dst(%dma_wait3A_98 : memref<128x128xf32, #tpu.memory_space<vmem_shared>>)
      tpu.yield
    }) : () -> ()
    %mul3A_12 = arith.constant 640 : i32
    %mul3A_13 = arith.muli %arg1, %mul3A_12 : i32
    %add3A_14 = arith.constant 128 : i32
    %add3A_15 = arith.addi %mul3A_13, %add3A_14 : i32
    "tpu.region"() ({
      %run_scoped3A = tpu.sem_alloc : memref<!tpu.dma_semaphore, #tpu.memory_space<semaphore_mem>>
      %dma_start3A_91 = arith.constant 0 : i32
      %dma_start3A_92 = tpu.memref_slice %arg7[%add3A_15, %dma_start3A_91] : memref<10240x128xf32, #tpu.memory_space<vmem_shared>> -> memref<128x128xf32, #tpu.memory_space<vmem_shared>>
      %dma_start3A_93 = arith.constant 0 : i32
      %dma_start3A_94 = tpu.memref_slice %arg7[%add3A_15, %dma_start3A_93] : memref<10240x128xf32, #tpu.memory_space<vmem_shared>> -> memref<128x128xf32, #tpu.memory_space<vmem_shared>>
      tpu.enqueue_dma source(%arg16 : memref<128x128xf32, #tpu.memory_space<vmem>>) target(%dma_start3A_94 : memref<128x128xf32, #tpu.memory_space<vmem_shared>>) target_semaphore(%run_scoped3A : memref<!tpu.dma_semaphore, #tpu.memory_space<semaphore_mem>>)
      %dma_wait3A_95 = arith.constant 0 : i32
      %dma_wait3A_96 = tpu.memref_slice %arg7[%add3A_15, %dma_wait3A_95] : memref<10240x128xf32, #tpu.memory_space<vmem_shared>> -> memref<128x128xf32, #tpu.memory_space<vmem_shared>>
      %dma_wait3A_97 = arith.constant 0 : i32
      %dma_wait3A_98 = tpu.memref_slice %arg7[%add3A_15, %dma_wait3A_97] : memref<10240x128xf32, #tpu.memory_space<vmem_shared>> -> memref<128x128xf32, #tpu.memory_space<vmem_shared>>
      tpu.wait_dma2 semaphore(%run_scoped3A : memref<!tpu.dma_semaphore, #tpu.memory_space<semaphore_mem>>) src(%arg16 : memref<128x128xf32, #tpu.memory_space<vmem>>) dst(%dma_wait3A_98 : memref<128x128xf32, #tpu.memory_space<vmem_shared>>)
      tpu.yield
    }) : () -> ()
    %mul3A_16 = arith.constant 640 : i32
    %mul3A_17 = arith.muli %arg1, %mul3A_16 : i32
    %add3A_18 = arith.constant 256 : i32
    %add3A_19 = arith.addi %mul3A_17, %add3A_18 : i32
    "tpu.region"() ({
      %run_scoped3A = tpu.sem_alloc : memref<!tpu.dma_semaphore, #tpu.memory_space<semaphore_mem>>
      %dma_start3A_91 = arith.constant 0 : i32
      %dma_start3A_92 = tpu.memref_slice %arg7[%add3A_19, %dma_start3A_91] : memref<10240x128xf32, #tpu.memory_space<vmem_shared>> -> memref<128x128xf32, #tpu.memory_space<vmem_shared>>
      %dma_start3A_93 = arith.constant 0 : i32
      %dma_start3A_94 = tpu.memref_slice %arg7[%add3A_19, %dma_start3A_93] : memref<10240x128xf32, #tpu.memory_space<vmem_shared>> -> memref<128x128xf32, #tpu.memory_space<vmem_shared>>
      tpu.enqueue_dma source(%arg16 : memref<128x128xf32, #tpu.memory_space<vmem>>) target(%dma_start3A_94 : memref<128x128xf32, #tpu.memory_space<vmem_shared>>) target_semaphore(%run_scoped3A : memref<!tpu.dma_semaphore, #tpu.memory_space<semaphore_mem>>)
      %dma_wait3A_95 = arith.constant 0 : i32
      %dma_wait3A_96 = tpu.memref_slice %arg7[%add3A_19, %dma_wait3A_95] : memref<10240x128xf32, #tpu.memory_space<vmem_shared>> -> memref<128x128xf32, #tpu.memory_space<vmem_shared>>
      %dma_wait3A_97 = arith.constant 0 : i32
      %dma_wait3A_98 = tpu.memref_slice %arg7[%add3A_19, %dma_wait3A_97] : memref<10240x128xf32, #tpu.memory_space<vmem_shared>> -> memref<128x128xf32, #tpu.memory_space<vmem_shared>>
      tpu.wait_dma2 semaphore(%run_scoped3A : memref<!tpu.dma_semaphore, #tpu.memory_space<semaphore_mem>>) src(%arg16 : memref<128x128xf32, #tpu.memory_space<vmem>>) dst(%dma_wait3A_98 : memref<128x128xf32, #tpu.memory_space<vmem_shared>>)
      tpu.yield
    }) : () -> ()
    %mul3A_20 = arith.constant 640 : i32
    %mul3A_21 = arith.muli %arg1, %mul3A_20 : i32
    %add3A_22 = arith.constant 384 : i32
    %add3A_23 = arith.addi %mul3A_21, %add3A_22 : i32
    "tpu.region"() ({
      %run_scoped3A = tpu.sem_alloc : memref<!tpu.dma_semaphore, #tpu.memory_space<semaphore_mem>>
      %dma_start3A_91 = arith.constant 0 : i32
      %dma_start3A_92 = tpu.memref_slice %arg7[%add3A_23, %dma_start3A_91] : memref<10240x128xf32, #tpu.memory_space<vmem_shared>> -> memref<128x128xf32, #tpu.memory_space<vmem_shared>>
      %dma_start3A_93 = arith.constant 0 : i32
      %dma_start3A_94 = tpu.memref_slice %arg7[%add3A_23, %dma_start3A_93] : memref<10240x128xf32, #tpu.memory_space<vmem_shared>> -> memref<128x128xf32, #tpu.memory_space<vmem_shared>>
      tpu.enqueue_dma source(%arg16 : memref<128x128xf32, #tpu.memory_space<vmem>>) target(%dma_start3A_94 : memref<128x128xf32, #tpu.memory_space<vmem_shared>>) target_semaphore(%run_scoped3A : memref<!tpu.dma_semaphore, #tpu.memory_space<semaphore_mem>>)
      %dma_wait3A_95 = arith.constant 0 : i32
      %dma_wait3A_96 = tpu.memref_slice %arg7[%add3A_23, %dma_wait3A_95] : memref<10240x128xf32, #tpu.memory_space<vmem_shared>> -> memref<128x128xf32, #tpu.memory_space<vmem_shared>>
      %dma_wait3A_97 = arith.constant 0 : i32
      %dma_wait3A_98 = tpu.memref_slice %arg7[%add3A_23, %dma_wait3A_97] : memref<10240x128xf32, #tpu.memory_space<vmem_shared>> -> memref<128x128xf32, #tpu.memory_space<vmem_shared>>
      tpu.wait_dma2 semaphore(%run_scoped3A : memref<!tpu.dma_semaphore, #tpu.memory_space<semaphore_mem>>) src(%arg16 : memref<128x128xf32, #tpu.memory_space<vmem>>) dst(%dma_wait3A_98 : memref<128x128xf32, #tpu.memory_space<vmem_shared>>)
      tpu.yield
    }) : () -> ()
    %mul3A_24 = arith.constant 640 : i32
    %mul3A_25 = arith.muli %arg1, %mul3A_24 : i32
    %add3A_26 = arith.constant 512 : i32
    %add3A_27 = arith.addi %mul3A_25, %add3A_26 : i32
    "tpu.region"() ({
      %run_scoped3A = tpu.sem_alloc : memref<!tpu.dma_semaphore, #tpu.memory_space<semaphore_mem>>
      %dma_start3A_91 = arith.constant 0 : i32
      %dma_start3A_92 = tpu.memref_slice %arg7[%add3A_27, %dma_start3A_91] : memref<10240x128xf32, #tpu.memory_space<vmem_shared>> -> memref<128x128xf32, #tpu.memory_space<vmem_shared>>
      %dma_start3A_93 = arith.constant 0 : i32
      %dma_start3A_94 = tpu.memref_slice %arg7[%add3A_27, %dma_start3A_93] : memref<10240x128xf32, #tpu.memory_space<vmem_shared>> -> memref<128x128xf32, #tpu.memory_space<vmem_shared>>
      tpu.enqueue_dma source(%arg16 : memref<128x128xf32, #tpu.memory_space<vmem>>) target(%dma_start3A_94 : memref<128x128xf32, #tpu.memory_space<vmem_shared>>) target_semaphore(%run_scoped3A : memref<!tpu.dma_semaphore, #tpu.memory_space<semaphore_mem>>)
      %dma_wait3A_95 = arith.constant 0 : i32
      %dma_wait3A_96 = tpu.memref_slice %arg7[%add3A_27, %dma_wait3A_95] : memref<10240x128xf32, #tpu.memory_space<vmem_shared>> -> memref<128x128xf32, #tpu.memory_space<vmem_shared>>
      %dma_wait3A_97 = arith.constant 0 : i32
      %dma_wait3A_98 = tpu.memref_slice %arg7[%add3A_27, %dma_wait3A_97] : memref<10240x128xf32, #tpu.memory_space<vmem_shared>> -> memref<128x128xf32, #tpu.memory_space<vmem_shared>>
      tpu.wait_dma2 semaphore(%run_scoped3A : memref<!tpu.dma_semaphore, #tpu.memory_space<semaphore_mem>>) src(%arg16 : memref<128x128xf32, #tpu.memory_space<vmem>>) dst(%dma_wait3A_98 : memref<128x128xf32, #tpu.memory_space<vmem_shared>>)
      tpu.yield
    }) : () -> ()
    %barrier3A = arith.constant 0 : index
    tpu.barrier barrier_id(%barrier3A)
    %add3A_28 = arith.constant 0 : i32
    %add3A_29 = arith.addi %mul3A_2, %add3A_28 : i32
    %dma_start3A = tpu.memref_slice %arg3[%add3A_29] : memref<320000xi32, #tpu.memory_space<hbm>> -> memref<80xi32, #tpu.memory_space<hbm>>
    %dma_start3A_30 = tpu.memref_slice %arg3[%add3A_29] : memref<320000xi32, #tpu.memory_space<hbm>> -> memref<80xi32, #tpu.memory_space<hbm>>
    tpu.enqueue_dma source(%dma_start3A_30 : memref<80xi32, #tpu.memory_space<hbm>>) target(%arg8 : memref<80xi32, #tpu.memory_space<vmem>>) target_semaphore(%arg25 : memref<!tpu.dma_semaphore, #tpu.memory_space<semaphore_mem>>)
    %add3A_31 = arith.constant 0 : i32
    %add3A_32 = arith.addi %mul3A_2, %add3A_31 : i32
    %dma_start3A_33 = tpu.memref_slice %arg4[%add3A_32] : memref<320000xi32, #tpu.memory_space<hbm>> -> memref<80xi32, #tpu.memory_space<hbm>>
    %dma_start3A_34 = tpu.memref_slice %arg4[%add3A_32] : memref<320000xi32, #tpu.memory_space<hbm>> -> memref<80xi32, #tpu.memory_space<hbm>>
    tpu.enqueue_dma source(%dma_start3A_34 : memref<80xi32, #tpu.memory_space<hbm>>) target(%arg10 : memref<80xi32, #tpu.memory_space<vmem>>) target_semaphore(%arg23 : memref<!tpu.dma_semaphore, #tpu.memory_space<semaphore_mem>>)
    %add3A_35 = arith.constant 0 : i32
    %add3A_36 = arith.addi %mul3A_2, %add3A_35 : i32
    %dma_start3A_37 = arith.constant 0 : i32
    %dma_start3A_38 = tpu.memref_slice %arg5[%add3A_36, %dma_start3A_37] : memref<320000x16xf32, #tpu.memory_space<hbm>> -> memref<80x16xf32, #tpu.memory_space<hbm>>
    %dma_start3A_39 = arith.constant 0 : i32
    %dma_start3A_40 = tpu.memref_slice %arg5[%add3A_36, %dma_start3A_39] : memref<320000x16xf32, #tpu.memory_space<hbm>> -> memref<80x16xf32, #tpu.memory_space<hbm>>
    tpu.enqueue_dma source(%dma_start3A_40 : memref<80x16xf32, #tpu.memory_space<hbm>>) target(%arg12 : memref<80x16xf32, #tpu.memory_space<vmem>>) target_semaphore(%arg21 : memref<!tpu.dma_semaphore, #tpu.memory_space<semaphore_mem>>)
    %add3A_41 = arith.constant 80 : i32
    %add3A_42 = arith.addi %mul3A_2, %add3A_41 : i32
    %dma_start3A_43 = tpu.memref_slice %arg3[%add3A_42] : memref<320000xi32, #tpu.memory_space<hbm>> -> memref<80xi32, #tpu.memory_space<hbm>>
    %dma_start3A_44 = tpu.memref_slice %arg3[%add3A_42] : memref<320000xi32, #tpu.memory_space<hbm>> -> memref<80xi32, #tpu.memory_space<hbm>>
    tpu.enqueue_dma source(%dma_start3A_44 : memref<80xi32, #tpu.memory_space<hbm>>) target(%arg9 : memref<80xi32, #tpu.memory_space<vmem>>) target_semaphore(%arg26 : memref<!tpu.dma_semaphore, #tpu.memory_space<semaphore_mem>>)
    %add3A_45 = arith.constant 80 : i32
    %add3A_46 = arith.addi %mul3A_2, %add3A_45 : i32
    %dma_start3A_47 = tpu.memref_slice %arg4[%add3A_46] : memref<320000xi32, #tpu.memory_space<hbm>> -> memref<80xi32, #tpu.memory_space<hbm>>
    %dma_start3A_48 = tpu.memref_slice %arg4[%add3A_46] : memref<320000xi32, #tpu.memory_space<hbm>> -> memref<80xi32, #tpu.memory_space<hbm>>
    tpu.enqueue_dma source(%dma_start3A_48 : memref<80xi32, #tpu.memory_space<hbm>>) target(%arg11 : memref<80xi32, #tpu.memory_space<vmem>>) target_semaphore(%arg24 : memref<!tpu.dma_semaphore, #tpu.memory_space<semaphore_mem>>)
    %add3A_49 = arith.constant 80 : i32
    %add3A_50 = arith.addi %mul3A_2, %add3A_49 : i32
    %dma_start3A_51 = arith.constant 0 : i32
    %dma_start3A_52 = tpu.memref_slice %arg5[%add3A_50, %dma_start3A_51] : memref<320000x16xf32, #tpu.memory_space<hbm>> -> memref<80x16xf32, #tpu.memory_space<hbm>>
    %dma_start3A_53 = arith.constant 0 : i32
    %dma_start3A_54 = tpu.memref_slice %arg5[%add3A_50, %dma_start3A_53] : memref<320000x16xf32, #tpu.memory_space<hbm>> -> memref<80x16xf32, #tpu.memory_space<hbm>>
    tpu.enqueue_dma source(%dma_start3A_54 : memref<80x16xf32, #tpu.memory_space<hbm>>) target(%arg13 : memref<80x16xf32, #tpu.memory_space<vmem>>) target_semaphore(%arg22 : memref<!tpu.dma_semaphore, #tpu.memory_space<semaphore_mem>>)
    %add3A_55 = arith.constant 0 : i32
    %add3A_56 = arith.addi %mul3A_2, %add3A_55 : i32
    %dma_wait3A = tpu.memref_slice %arg3[%add3A_56] : memref<320000xi32, #tpu.memory_space<hbm>> -> memref<80xi32, #tpu.memory_space<hbm>>
    %dma_wait3A_57 = tpu.memref_slice %arg3[%add3A_56] : memref<320000xi32, #tpu.memory_space<hbm>> -> memref<80xi32, #tpu.memory_space<hbm>>
    tpu.wait_dma2 semaphore(%arg25 : memref<!tpu.dma_semaphore, #tpu.memory_space<semaphore_mem>>) src(%dma_wait3A_57 : memref<80xi32, #tpu.memory_space<hbm>>) dst(%arg8 : memref<80xi32, #tpu.memory_space<vmem>>)
    %add3A_58 = arith.constant 0 : i32
    %add3A_59 = arith.addi %mul3A_2, %add3A_58 : i32
    %dma_wait3A_60 = tpu.memref_slice %arg4[%add3A_59] : memref<320000xi32, #tpu.memory_space<hbm>> -> memref<80xi32, #tpu.memory_space<hbm>>
    %dma_wait3A_61 = tpu.memref_slice %arg4[%add3A_59] : memref<320000xi32, #tpu.memory_space<hbm>> -> memref<80xi32, #tpu.memory_space<hbm>>
    tpu.wait_dma2 semaphore(%arg23 : memref<!tpu.dma_semaphore, #tpu.memory_space<semaphore_mem>>) src(%dma_wait3A_61 : memref<80xi32, #tpu.memory_space<hbm>>) dst(%arg10 : memref<80xi32, #tpu.memory_space<vmem>>)
    %dma_start3A_62 = arith.constant 0 : i32
    %dma_start3A_63 = arith.constant 0 : i32
    %dma_start3A_64 = tpu.memref_slice %arg2[%dma_start3A_62, %dma_start3A_63] : memref<10000x128xf32, #tpu.memory_space<hbm>> -> memref<10000x128xf32, #tpu.memory_space<hbm>>
    tpu.enqueue_indirect_dma source(%dma_start3A_64 : memref<10000x128xf32, #tpu.memory_space<hbm>>) target(%arg14 : memref<80x128xf32, #tpu.memory_space<vmem>>) offsets(%arg8 : memref<80xi32, #tpu.memory_space<vmem>>) semaphore(%arg17 : memref<!tpu.dma_semaphore, #tpu.memory_space<semaphore_mem>>)
    %scan3A_65 = arith.constant 0 : i32
    %scan3A_66 = arith.constant 0 : i32
    %scan3A_67 = arith.constant 62 : i32
    %scan3A_68 = arith.addi %scan3A_66, %scan3A_67 : i32
    %scan3A_69 = arith.constant 1 : i32
    scf.for %scan3A_91 = %scan3A_66 to %scan3A_68 step %scan3A_69  : i32 {
      %mul3A_92 = arith.constant 2 : i32
      %mul3A_93 = arith.muli %scan3A_91, %mul3A_92 : i32
      %dma_wait3A_94 = arith.constant 0 : i32
      %dma_wait3A_95 = arith.constant 0 : i32
      %dma_wait3A_96 = tpu.memref_slice %arg2[%dma_wait3A_94, %dma_wait3A_95] : memref<10000x128xf32, #tpu.memory_space<hbm>> -> memref<10000x128xf32, #tpu.memory_space<hbm>>
      tpu.wait_indirect_dma semaphore(%arg17 : memref<!tpu.dma_semaphore, #tpu.memory_space<semaphore_mem>>) src(%dma_wait3A_96 : memref<10000x128xf32, #tpu.memory_space<hbm>>) dst(%arg14 : memref<80x128xf32, #tpu.memory_space<vmem>>)
      %mul3A_97 = arith.constant 80 : i32
      %mul3A_98 = arith.muli %mul3A_93, %mul3A_97 : i32
      %add3A_99 = arith.addi %mul3A_2, %mul3A_98 : i32
      %dma_wait3A_100 = arith.constant 0 : i32
      %dma_wait3A_101 = tpu.memref_slice %arg5[%add3A_99, %dma_wait3A_100] : memref<320000x16xf32, #tpu.memory_space<hbm>> -> memref<80x16xf32, #tpu.memory_space<hbm>>
      %dma_wait3A_102 = arith.constant 0 : i32
      %dma_wait3A_103 = tpu.memref_slice %arg5[%add3A_99, %dma_wait3A_102] : memref<320000x16xf32, #tpu.memory_space<hbm>> -> memref<80x16xf32, #tpu.memory_space<hbm>>
      tpu.wait_dma2 semaphore(%arg21 : memref<!tpu.dma_semaphore, #tpu.memory_space<semaphore_mem>>) src(%dma_wait3A_103 : memref<80x16xf32, #tpu.memory_space<hbm>>) dst(%arg12 : memref<80x16xf32, #tpu.memory_space<vmem>>)
      %scan3A_104 = arith.constant 0 : i32
      %scan3A_105 = arith.constant 0 : i32
      %scan3A_106 = arith.constant 80 : i32
      %scan3A_107 = arith.addi %scan3A_105, %scan3A_106 : i32
      %scan3A_108 = arith.constant 1 : i32
      scf.for %scan3A_153 = %scan3A_105 to %scan3A_107 step %scan3A_108  : i32 {
        %get3A = arith.index_cast %scan3A_153 : i32 to index
        %get3A_154 = arith.constant 0 : index
        %get3A_155 = tpu.vector_load %arg12[%get3A, %get3A_154] {strides = array<i32>} : memref<80x16xf32, #tpu.memory_space<vmem>>, vector<1x16xf32>,
        %get3A_156 = vector.shape_cast %get3A_155 : vector<1x16xf32> to vector<16xf32>
        %get3A_157 = arith.index_cast %scan3A_153 : i32 to index
        %get3A_158 = arith.constant 0 : index
        %get3A_159 = tpu.vector_load %arg14[%get3A_157, %get3A_158] {strides = array<i32>} : memref<80x128xf32, #tpu.memory_space<vmem>>, vector<1x16xf32>,
        %get3A_160 = vector.shape_cast %get3A_159 : vector<1x16xf32> to vector<16xf32>
        %mul3A_161 = arith.mulf %get3A_160, %get3A_156 : vector<16xf32>
        %swap3A = arith.index_cast %scan3A_153 : i32 to index
        %swap3A_162 = arith.constant 0 : index
        %swap3A_163 = tpu.vector_load %arg14[%swap3A, %swap3A_162] {strides = array<i32>} : memref<80x128xf32, #tpu.memory_space<vmem>>, vector<1x16xf32>,
        %swap3A_164 = vector.shape_cast %swap3A_163 : vector<1x16xf32> to vector<16xf32>
        %swap3A_165 = vector.shape_cast %mul3A_161 : vector<16xf32> to vector<1x16xf32>
        tpu.vector_store %arg14[%swap3A, %swap3A_162], %swap3A_165 {strides = array<i32>} : memref<80x128xf32, #tpu.memory_space<vmem>>, vector<1x16xf32>,
        %get3A_166 = arith.index_cast %scan3A_153 : i32 to index
        %get3A_167 = arith.constant 16 : index
        %get3A_168 = tpu.vector_load %arg14[%get3A_166, %get3A_167] {strides = array<i32>} : memref<80x128xf32, #tpu.memory_space<vmem>>, vector<1x16xf32>,
        %get3A_169 = vector.shape_cast %get3A_168 : vector<1x16xf32> to vector<16xf32>
        %mul3A_170 = arith.mulf %get3A_169, %get3A_156 : vector<16xf32>
        %swap3A_171 = arith.index_cast %scan3A_153 : i32 to index
        %swap3A_172 = arith.constant 16 : index
        %swap3A_173 = tpu.vector_load %arg14[%swap3A_171, %swap3A_172] {strides = array<i32>} : memref<80x128xf32, #tpu.memory_space<vmem>>, vector<1x16xf32>,
        %swap3A_174 = vector.shape_cast %swap3A_173 : vector<1x16xf32> to vector<16xf32>
        %swap3A_175 = vector.shape_cast %mul3A_170 : vector<16xf32> to vector<1x16xf32>
        tpu.vector_store %arg14[%swap3A_171, %swap3A_172], %swap3A_175 {strides = array<i32>} : memref<80x128xf32, #tpu.memory_space<vmem>>, vector<1x16xf32>,
        %get3A_176 = arith.index_cast %scan3A_153 : i32 to index
        %get3A_177 = arith.constant 32 : index
        %get3A_178 = tpu.vector_load %arg14[%get3A_176, %get3A_177] {strides = array<i32>} : memref<80x128xf32, #tpu.memory_space<vmem>>, vector<1x16xf32>,
        %get3A_179 = vector.shape_cast %get3A_178 : vector<1x16xf32> to vector<16xf32>
        %mul3A_180 = arith.mulf %get3A_179, %get3A_156 : vector<16xf32>
        %swap3A_181 = arith.index_cast %scan3A_153 : i32 to index
        %swap3A_182 = arith.constant 32 : index
        %swap3A_183 = tpu.vector_load %arg14[%swap3A_181, %swap3A_182] {strides = array<i32>} : memref<80x128xf32, #tpu.memory_space<vmem>>, vector<1x16xf32>,
        %swap3A_184 = vector.shape_cast %swap3A_183 : vector<1x16xf32> to vector<16xf32>
        %swap3A_185 = vector.shape_cast %mul3A_180 : vector<16xf32> to vector<1x16xf32>
        tpu.vector_store %arg14[%swap3A_181, %swap3A_182], %swap3A_185 {strides = array<i32>} : memref<80x128xf32, #tpu.memory_space<vmem>>, vector<1x16xf32>,
        %get3A_186 = arith.index_cast %scan3A_153 : i32 to index
        %get3A_187 = arith.constant 48 : index
        %get3A_188 = tpu.vector_load %arg14[%get3A_186, %get3A_187] {strides = array<i32>} : memref<80x128xf32, #tpu.memory_space<vmem>>, vector<1x16xf32>,
        %get3A_189 = vector.shape_cast %get3A_188 : vector<1x16xf32> to vector<16xf32>
        %mul3A_190 = arith.mulf %get3A_189, %get3A_156 : vector<16xf32>
        %swap3A_191 = arith.index_cast %scan3A_153 : i32 to index
        %swap3A_192 = arith.constant 48 : index
        %swap3A_193 = tpu.vector_load %arg14[%swap3A_191, %swap3A_192] {strides = array<i32>} : memref<80x128xf32, #tpu.memory_space<vmem>>, vector<1x16xf32>,
        %swap3A_194 = vector.shape_cast %swap3A_193 : vector<1x16xf32> to vector<16xf32>
        %swap3A_195 = vector.shape_cast %mul3A_190 : vector<16xf32> to vector<1x16xf32>
        tpu.vector_store %arg14[%swap3A_191, %swap3A_192], %swap3A_195 {strides = array<i32>} : memref<80x128xf32, #tpu.memory_space<vmem>>, vector<1x16xf32>,
        %get3A_196 = arith.index_cast %scan3A_153 : i32 to index
        %get3A_197 = arith.constant 64 : index
        %get3A_198 = tpu.vector_load %arg14[%get3A_196, %get3A_197] {strides = array<i32>} : memref<80x128xf32, #tpu.memory_space<vmem>>, vector<1x16xf32>,
        %get3A_199 = vector.shape_cast %get3A_198 : vector<1x16xf32> to vector<16xf32>
        %mul3A_200 = arith.mulf %get3A_199, %get3A_156 : vector<16xf32>
        %swap3A_201 = arith.index_cast %scan3A_153 : i32 to index
        %swap3A_202 = arith.constant 64 : index
        %swap3A_203 = tpu.vector_load %arg14[%swap3A_201, %swap3A_202] {strides = array<i32>} : memref<80x128xf32, #tpu.memory_space<vmem>>, vector<1x16xf32>,
        %swap3A_204 = vector.shape_cast %swap3A_203 : vector<1x16xf32> to vector<16xf32>
        %swap3A_205 = vector.shape_cast %mul3A_200 : vector<16xf32> to vector<1x16xf32>
        tpu.vector_store %arg14[%swap3A_201, %swap3A_202], %swap3A_205 {strides = array<i32>} : memref<80x128xf32, #tpu.memory_space<vmem>>, vector<1x16xf32>,
        %get3A_206 = arith.index_cast %scan3A_153 : i32 to index
        %get3A_207 = arith.constant 80 : index
        %get3A_208 = tpu.vector_load %arg14[%get3A_206, %get3A_207] {strides = array<i32>} : memref<80x128xf32, #tpu.memory_space<vmem>>, vector<1x16xf32>,
        %get3A_209 = vector.shape_cast %get3A_208 : vector<1x16xf32> to vector<16xf32>
        %mul3A_210 = arith.mulf %get3A_209, %get3A_156 : vector<16xf32>
        %swap3A_211 = arith.index_cast %scan3A_153 : i32 to index
        %swap3A_212 = arith.constant 80 : index
        %swap3A_213 = tpu.vector_load %arg14[%swap3A_211, %swap3A_212] {strides = array<i32>} : memref<80x128xf32, #tpu.memory_space<vmem>>, vector<1x16xf32>,
        %swap3A_214 = vector.shape_cast %swap3A_213 : vector<1x16xf32> to vector<16xf32>
        %swap3A_215 = vector.shape_cast %mul3A_210 : vector<16xf32> to vector<1x16xf32>
        tpu.vector_store %arg14[%swap3A_211, %swap3A_212], %swap3A_215 {strides = array<i32>} : memref<80x128xf32, #tpu.memory_space<vmem>>, vector<1x16xf32>,
        %get3A_216 = arith.index_cast %scan3A_153 : i32 to index
        %get3A_217 = arith.constant 96 : index
        %get3A_218 = tpu.vector_load %arg14[%get3A_216, %get3A_217] {strides = array<i32>} : memref<80x128xf32, #tpu.memory_space<vmem>>, vector<1x16xf32>,
        %get3A_219 = vector.shape_cast %get3A_218 : vector<1x16xf32> to vector<16xf32>
        %mul3A_220 = arith.mulf %get3A_219, %get3A_156 : vector<16xf32>
        %swap3A_221 = arith.index_cast %scan3A_153 : i32 to index
        %swap3A_222 = arith.constant 96 : index
        %swap3A_223 = tpu.vector_load %arg14[%swap3A_221, %swap3A_222] {strides = array<i32>} : memref<80x128xf32, #tpu.memory_space<vmem>>, vector<1x16xf32>,
        %swap3A_224 = vector.shape_cast %swap3A_223 : vector<1x16xf32> to vector<16xf32>
        %swap3A_225 = vector.shape_cast %mul3A_220 : vector<16xf32> to vector<1x16xf32>
        tpu.vector_store %arg14[%swap3A_221, %swap3A_222], %swap3A_225 {strides = array<i32>} : memref<80x128xf32, #tpu.memory_space<vmem>>, vector<1x16xf32>,
        %get3A_226 = arith.index_cast %scan3A_153 : i32 to index
        %get3A_227 = arith.constant 112 : index
        %get3A_228 = tpu.vector_load %arg14[%get3A_226, %get3A_227] {strides = array<i32>} : memref<80x128xf32, #tpu.memory_space<vmem>>, vector<1x16xf32>,
        %get3A_229 = vector.shape_cast %get3A_228 : vector<1x16xf32> to vector<16xf32>
        %mul3A_230 = arith.mulf %get3A_229, %get3A_156 : vector<16xf32>
        %swap3A_231 = arith.index_cast %scan3A_153 : i32 to index
        %swap3A_232 = arith.constant 112 : index
        %swap3A_233 = tpu.vector_load %arg14[%swap3A_231, %swap3A_232] {strides = array<i32>} : memref<80x128xf32, #tpu.memory_space<vmem>>, vector<1x16xf32>,
        %swap3A_234 = vector.shape_cast %swap3A_233 : vector<1x16xf32> to vector<16xf32>
        %swap3A_235 = vector.shape_cast %mul3A_230 : vector<16xf32> to vector<1x16xf32>
        tpu.vector_store %arg14[%swap3A_231, %swap3A_232], %swap3A_235 {strides = array<i32>} : memref<80x128xf32, #tpu.memory_space<vmem>>, vector<1x16xf32>,
      }
      %scan3A_109 = arith.constant 80 : i32
      "tpu.region"() ({
        %run_scoped3A = tpu.sem_alloc : memref<!tpu.dma_semaphore, #tpu.memory_space<semaphore_mem>>
        %dma_start3A_153 = arith.constant 0 : i32
        %dma_start3A_154 = arith.constant 0 : i32
        %dma_start3A_155 = tpu.memref_slice %arg7[%dma_start3A_153, %dma_start3A_154] : memref<10240x128xf32, #tpu.memory_space<vmem_shared>> -> memref<10240x128xf32, #tpu.memory_space<vmem_shared>>
        tpu.enqueue_indirect_dma source(%arg14 : memref<80x128xf32, #tpu.memory_space<vmem>>) target(%dma_start3A_155 : memref<10240x128xf32, #tpu.memory_space<vmem_shared>>) offsets(%arg10 : memref<80xi32, #tpu.memory_space<vmem>>) semaphore(%run_scoped3A : memref<!tpu.dma_semaphore, #tpu.memory_space<semaphore_mem>>) {add = true}
        %dma_wait3A_156 = arith.constant 0 : i32
        %dma_wait3A_157 = arith.constant 0 : i32
        %dma_wait3A_158 = tpu.memref_slice %arg7[%dma_wait3A_156, %dma_wait3A_157] : memref<10240x128xf32, #tpu.memory_space<vmem_shared>> -> memref<10240x128xf32, #tpu.memory_space<vmem_shared>>
        tpu.wait_indirect_dma semaphore(%run_scoped3A : memref<!tpu.dma_semaphore, #tpu.memory_space<semaphore_mem>>) src(%arg14 : memref<80x128xf32, #tpu.memory_space<vmem>>) dst(%dma_wait3A_158 : memref<10240x128xf32, #tpu.memory_space<vmem_shared>>)
        tpu.yield
      }) : () -> ()
      %add3A_110 = arith.constant 1 : i32
      %add3A_111 = arith.addi %mul3A_93, %add3A_110 : i32
      %lt3A = arith.constant 125 : i32
      %lt3A_112 = arith.cmpi slt, %add3A_111, %lt3A : i32
      %convert_element_type3A = arith.extui %lt3A_112 : i1 to i32
      %cond3A = arith.constant 0 : i32
      %cond3A_113 = arith.cmpi ne, %convert_element_type3A, %cond3A : i32
      scf.if %cond3A_113 {
        %add3A_153 = arith.constant 1 : i32
        %add3A_154 = arith.addi %mul3A_93, %add3A_153 : i32
        %mul3A_155 = arith.constant 80 : i32
        %mul3A_156 = arith.muli %add3A_154, %mul3A_155 : i32
        %add3A_157 = arith.addi %mul3A_2, %mul3A_156 : i32
        %dma_wait3A_158 = tpu.memref_slice %arg3[%add3A_157] : memref<320000xi32, #tpu.memory_space<hbm>> -> memref<80xi32, #tpu.memory_space<hbm>>
        %dma_wait3A_159 = tpu.memref_slice %arg3[%add3A_157] : memref<320000xi32, #tpu.memory_space<hbm>> -> memref<80xi32, #tpu.memory_space<hbm>>
        tpu.wait_dma2 semaphore(%arg26 : memref<!tpu.dma_semaphore, #tpu.memory_space<semaphore_mem>>) src(%dma_wait3A_159 : memref<80xi32, #tpu.memory_space<hbm>>) dst(%arg9 : memref<80xi32, #tpu.memory_space<vmem>>)
        %add3A_160 = arith.constant 1 : i32
        %add3A_161 = arith.addi %mul3A_93, %add3A_160 : i32
        %mul3A_162 = arith.constant 80 : i32
        %mul3A_163 = arith.muli %add3A_161, %mul3A_162 : i32
        %add3A_164 = arith.addi %mul3A_2, %mul3A_163 : i32
        %dma_wait3A_165 = tpu.memref_slice %arg4[%add3A_164] : memref<320000xi32, #tpu.memory_space<hbm>> -> memref<80xi32, #tpu.memory_space<hbm>>
        %dma_wait3A_166 = tpu.memref_slice %arg4[%add3A_164] : memref<320000xi32, #tpu.memory_space<hbm>> -> memref<80xi32, #tpu.memory_space<hbm>>
        tpu.wait_dma2 semaphore(%arg24 : memref<!tpu.dma_semaphore, #tpu.memory_space<semaphore_mem>>) src(%dma_wait3A_166 : memref<80xi32, #tpu.memory_space<hbm>>) dst(%arg11 : memref<80xi32, #tpu.memory_space<vmem>>)
        %add3A_167 = arith.constant 1 : i32
        %add3A_168 = arith.addi %mul3A_93, %add3A_167 : i32
        %dma_start3A_169 = arith.constant 0 : i32
        %dma_start3A_170 = arith.constant 0 : i32
        %dma_start3A_171 = tpu.memref_slice %arg2[%dma_start3A_169, %dma_start3A_170] : memref<10000x128xf32, #tpu.memory_space<hbm>> -> memref<10000x128xf32, #tpu.memory_space<hbm>>
        tpu.enqueue_indirect_dma source(%dma_start3A_171 : memref<10000x128xf32, #tpu.memory_space<hbm>>) target(%arg15 : memref<80x128xf32, #tpu.memory_space<vmem>>) offsets(%arg9 : memref<80xi32, #tpu.memory_space<vmem>>) semaphore(%arg18 : memref<!tpu.dma_semaphore, #tpu.memory_space<semaphore_mem>>)
      } else {
      }
      %add3A_114 = arith.constant 2 : i32
      %add3A_115 = arith.addi %mul3A_93, %add3A_114 : i32
      %lt3A_116 = arith.constant 125 : i32
      %lt3A_117 = arith.cmpi slt, %add3A_115, %lt3A_116 : i32
      %convert_element_type3A_118 = arith.extui %lt3A_117 : i1 to i32
      %cond3A_119 = arith.constant 0 : i32
      %cond3A_120 = arith.cmpi ne, %convert_element_type3A_118, %cond3A_119 : i32
      scf.if %cond3A_120 {
        %add3A_153 = arith.constant 2 : i32
        %add3A_154 = arith.addi %mul3A_93, %add3A_153 : i32
        %mul3A_155 = arith.constant 80 : i32
        %mul3A_156 = arith.muli %add3A_154, %mul3A_155 : i32
        %add3A_157 = arith.addi %mul3A_2, %mul3A_156 : i32
        %dma_start3A_158 = tpu.memref_slice %arg3[%add3A_157] : memref<320000xi32, #tpu.memory_space<hbm>> -> memref<80xi32, #tpu.memory_space<hbm>>
        %dma_start3A_159 = tpu.memref_slice %arg3[%add3A_157] : memref<320000xi32, #tpu.memory_space<hbm>> -> memref<80xi32, #tpu.memory_space<hbm>>
        tpu.enqueue_dma source(%dma_start3A_159 : memref<80xi32, #tpu.memory_space<hbm>>) target(%arg8 : memref<80xi32, #tpu.memory_space<vmem>>) target_semaphore(%arg25 : memref<!tpu.dma_semaphore, #tpu.memory_space<semaphore_mem>>)
        %add3A_160 = arith.constant 2 : i32
        %add3A_161 = arith.addi %mul3A_93, %add3A_160 : i32
        %mul3A_162 = arith.constant 80 : i32
        %mul3A_163 = arith.muli %add3A_161, %mul3A_162 : i32
        %add3A_164 = arith.addi %mul3A_2, %mul3A_163 : i32
        %dma_start3A_165 = tpu.memref_slice %arg4[%add3A_164] : memref<320000xi32, #tpu.memory_space<hbm>> -> memref<80xi32, #tpu.memory_space<hbm>>
        %dma_start3A_166 = tpu.memref_slice %arg4[%add3A_164] : memref<320000xi32, #tpu.memory_space<hbm>> -> memref<80xi32, #tpu.memory_space<hbm>>
        tpu.enqueue_dma source(%dma_start3A_166 : memref<80xi32, #tpu.memory_space<hbm>>) target(%arg10 : memref<80xi32, #tpu.memory_space<vmem>>) target_semaphore(%arg23 : memref<!tpu.dma_semaphore, #tpu.memory_space<semaphore_mem>>)
        %add3A_167 = arith.constant 2 : i32
        %add3A_168 = arith.addi %mul3A_93, %add3A_167 : i32
        %mul3A_169 = arith.constant 80 : i32
        %mul3A_170 = arith.muli %add3A_168, %mul3A_169 : i32
        %add3A_171 = arith.addi %mul3A_2, %mul3A_170 : i32
        %dma_start3A_172 = arith.constant 0 : i32
        %dma_start3A_173 = tpu.memref_slice %arg5[%add3A_171, %dma_start3A_172] : memref<320000x16xf32, #tpu.memory_space<hbm>> -> memref<80x16xf32, #tpu.memory_space<hbm>>
        %dma_start3A_174 = arith.constant 0 : i32
        %dma_start3A_175 = tpu.memref_slice %arg5[%add3A_171, %dma_start3A_174] : memref<320000x16xf32, #tpu.memory_space<hbm>> -> memref<80x16xf32, #tpu.memory_space<hbm>>
        tpu.enqueue_dma source(%dma_start3A_175 : memref<80x16xf32, #tpu.memory_space<hbm>>) target(%arg12 : memref<80x16xf32, #tpu.memory_space<vmem>>) target_semaphore(%arg21 : memref<!tpu.dma_semaphore, #tpu.memory_space<semaphore_mem>>)
      } else {
      }
      %add3A_121 = arith.constant 1 : i32
      %add3A_122 = arith.addi %mul3A_93, %add3A_121 : i32
      %dma_wait3A_123 = arith.constant 0 : i32
      %dma_wait3A_124 = arith.constant 0 : i32
      %dma_wait3A_125 = tpu.memref_slice %arg2[%dma_wait3A_123, %dma_wait3A_124] : memref<10000x128xf32, #tpu.memory_space<hbm>> -> memref<10000x128xf32, #tpu.memory_space<hbm>>
      tpu.wait_indirect_dma semaphore(%arg18 : memref<!tpu.dma_semaphore, #tpu.memory_space<semaphore_mem>>) src(%dma_wait3A_125 : memref<10000x128xf32, #tpu.memory_space<hbm>>) dst(%arg15 : memref<80x128xf32, #tpu.memory_space<vmem>>)
      %mul3A_126 = arith.constant 80 : i32
      %mul3A_127 = arith.muli %add3A_122, %mul3A_126 : i32
      %add3A_128 = arith.addi %mul3A_2, %mul3A_127 : i32
      %dma_wait3A_129 = arith.constant 0 : i32
      %dma_wait3A_130 = tpu.memref_slice %arg5[%add3A_128, %dma_wait3A_129] : memref<320000x16xf32, #tpu.memory_space<hbm>> -> memref<80x16xf32, #tpu.memory_space<hbm>>
      %dma_wait3A_131 = arith.constant 0 : i32
      %dma_wait3A_132 = tpu.memref_slice %arg5[%add3A_128, %dma_wait3A_131] : memref<320000x16xf32, #tpu.memory_space<hbm>> -> memref<80x16xf32, #tpu.memory_space<hbm>>
      tpu.wait_dma2 semaphore(%arg22 : memref<!tpu.dma_semaphore, #tpu.memory_space<semaphore_mem>>) src(%dma_wait3A_132 : memref<80x16xf32, #tpu.memory_space<hbm>>) dst(%arg13 : memref<80x16xf32, #tpu.memory_space<vmem>>)
      %scan3A_133 = arith.constant 0 : i32
      %scan3A_134 = arith.constant 0 : i32
      %scan3A_135 = arith.constant 80 : i32
      %scan3A_136 = arith.addi %scan3A_134, %scan3A_135 : i32
      %scan3A_137 = arith.constant 1 : i32
      scf.for %scan3A_153 = %scan3A_134 to %scan3A_136 step %scan3A_137  : i32 {
        %get3A = arith.index_cast %scan3A_153 : i32 to index
        %get3A_154 = arith.constant 0 : index
        %get3A_155 = tpu.vector_load %arg13[%get3A, %get3A_154] {strides = array<i32>} : memref<80x16xf32, #tpu.memory_space<vmem>>, vector<1x16xf32>,
        %get3A_156 = vector.shape_cast %get3A_155 : vector<1x16xf32> to vector<16xf32>
        %get3A_157 = arith.index_cast %scan3A_153 : i32 to index
        %get3A_158 = arith.constant 0 : index
        %get3A_159 = tpu.vector_load %arg15[%get3A_157, %get3A_158] {strides = array<i32>} : memref<80x128xf32, #tpu.memory_space<vmem>>, vector<1x16xf32>,
        %get3A_160 = vector.shape_cast %get3A_159 : vector<1x16xf32> to vector<16xf32>
        %mul3A_161 = arith.mulf %get3A_160, %get3A_156 : vector<16xf32>
        %swap3A = arith.index_cast %scan3A_153 : i32 to index
        %swap3A_162 = arith.constant 0 : index
        %swap3A_163 = tpu.vector_load %arg15[%swap3A, %swap3A_162] {strides = array<i32>} : memref<80x128xf32, #tpu.memory_space<vmem>>, vector<1x16xf32>,
        %swap3A_164 = vector.shape_cast %swap3A_163 : vector<1x16xf32> to vector<16xf32>
        %swap3A_165 = vector.shape_cast %mul3A_161 : vector<16xf32> to vector<1x16xf32>
        tpu.vector_store %arg15[%swap3A, %swap3A_162], %swap3A_165 {strides = array<i32>} : memref<80x128xf32, #tpu.memory_space<vmem>>, vector<1x16xf32>,
        %get3A_166 = arith.index_cast %scan3A_153 : i32 to index
        %get3A_167 = arith.constant 16 : index
        %get3A_168 = tpu.vector_load %arg15[%get3A_166, %get3A_167] {strides = array<i32>} : memref<80x128xf32, #tpu.memory_space<vmem>>, vector<1x16xf32>,
        %get3A_169 = vector.shape_cast %get3A_168 : vector<1x16xf32> to vector<16xf32>
        %mul3A_170 = arith.mulf %get3A_169, %get3A_156 : vector<16xf32>
        %swap3A_171 = arith.index_cast %scan3A_153 : i32 to index
        %swap3A_172 = arith.constant 16 : index
        %swap3A_173 = tpu.vector_load %arg15[%swap3A_171, %swap3A_172] {strides = array<i32>} : memref<80x128xf32, #tpu.memory_space<vmem>>, vector<1x16xf32>,
        %swap3A_174 = vector.shape_cast %swap3A_173 : vector<1x16xf32> to vector<16xf32>
        %swap3A_175 = vector.shape_cast %mul3A_170 : vector<16xf32> to vector<1x16xf32>
        tpu.vector_store %arg15[%swap3A_171, %swap3A_172], %swap3A_175 {strides = array<i32>} : memref<80x128xf32, #tpu.memory_space<vmem>>, vector<1x16xf32>,
        %get3A_176 = arith.index_cast %scan3A_153 : i32 to index
        %get3A_177 = arith.constant 32 : index
        %get3A_178 = tpu.vector_load %arg15[%get3A_176, %get3A_177] {strides = array<i32>} : memref<80x128xf32, #tpu.memory_space<vmem>>, vector<1x16xf32>,
        %get3A_179 = vector.shape_cast %get3A_178 : vector<1x16xf32> to vector<16xf32>
        %mul3A_180 = arith.mulf %get3A_179, %get3A_156 : vector<16xf32>
        %swap3A_181 = arith.index_cast %scan3A_153 : i32 to index
        %swap3A_182 = arith.constant 32 : index
        %swap3A_183 = tpu.vector_load %arg15[%swap3A_181, %swap3A_182] {strides = array<i32>} : memref<80x128xf32, #tpu.memory_space<vmem>>, vector<1x16xf32>,
        %swap3A_184 = vector.shape_cast %swap3A_183 : vector<1x16xf32> to vector<16xf32>
        %swap3A_185 = vector.shape_cast %mul3A_180 : vector<16xf32> to vector<1x16xf32>
        tpu.vector_store %arg15[%swap3A_181, %swap3A_182], %swap3A_185 {strides = array<i32>} : memref<80x128xf32, #tpu.memory_space<vmem>>, vector<1x16xf32>,
        %get3A_186 = arith.index_cast %scan3A_153 : i32 to index
        %get3A_187 = arith.constant 48 : index
        %get3A_188 = tpu.vector_load %arg15[%get3A_186, %get3A_187] {strides = array<i32>} : memref<80x128xf32, #tpu.memory_space<vmem>>, vector<1x16xf32>,
        %get3A_189 = vector.shape_cast %get3A_188 : vector<1x16xf32> to vector<16xf32>
        %mul3A_190 = arith.mulf %get3A_189, %get3A_156 : vector<16xf32>
        %swap3A_191 = arith.index_cast %scan3A_153 : i32 to index
        %swap3A_192 = arith.constant 48 : index
        %swap3A_193 = tpu.vector_load %arg15[%swap3A_191, %swap3A_192] {strides = array<i32>} : memref<80x128xf32, #tpu.memory_space<vmem>>, vector<1x16xf32>,
        %swap3A_194 = vector.shape_cast %swap3A_193 : vector<1x16xf32> to vector<16xf32>
        %swap3A_195 = vector.shape_cast %mul3A_190 : vector<16xf32> to vector<1x16xf32>
        tpu.vector_store %arg15[%swap3A_191, %swap3A_192], %swap3A_195 {strides = array<i32>} : memref<80x128xf32, #tpu.memory_space<vmem>>, vector<1x16xf32>,
        %get3A_196 = arith.index_cast %scan3A_153 : i32 to index
        %get3A_197 = arith.constant 64 : index
        %get3A_198 = tpu.vector_load %arg15[%get3A_196, %get3A_197] {strides = array<i32>} : memref<80x128xf32, #tpu.memory_space<vmem>>, vector<1x16xf32>,
        %get3A_199 = vector.shape_cast %get3A_198 : vector<1x16xf32> to vector<16xf32>
        %mul3A_200 = arith.mulf %get3A_199, %get3A_156 : vector<16xf32>
        %swap3A_201 = arith.index_cast %scan3A_153 : i32 to index
        %swap3A_202 = arith.constant 64 : index
        %swap3A_203 = tpu.vector_load %arg15[%swap3A_201, %swap3A_202] {strides = array<i32>} : memref<80x128xf32, #tpu.memory_space<vmem>>, vector<1x16xf32>,
        %swap3A_204 = vector.shape_cast %swap3A_203 : vector<1x16xf32> to vector<16xf32>
        %swap3A_205 = vector.shape_cast %mul3A_200 : vector<16xf32> to vector<1x16xf32>
        tpu.vector_store %arg15[%swap3A_201, %swap3A_202], %swap3A_205 {strides = array<i32>} : memref<80x128xf32, #tpu.memory_space<vmem>>, vector<1x16xf32>,
        %get3A_206 = arith.index_cast %scan3A_153 : i32 to index
        %get3A_207 = arith.constant 80 : index
        %get3A_208 = tpu.vector_load %arg15[%get3A_206, %get3A_207] {strides = array<i32>} : memref<80x128xf32, #tpu.memory_space<vmem>>, vector<1x16xf32>,
        %get3A_209 = vector.shape_cast %get3A_208 : vector<1x16xf32> to vector<16xf32>
        %mul3A_210 = arith.mulf %get3A_209, %get3A_156 : vector<16xf32>
        %swap3A_211 = arith.index_cast %scan3A_153 : i32 to index
        %swap3A_212 = arith.constant 80 : index
        %swap3A_213 = tpu.vector_load %arg15[%swap3A_211, %swap3A_212] {strides = array<i32>} : memref<80x128xf32, #tpu.memory_space<vmem>>, vector<1x16xf32>,
        %swap3A_214 = vector.shape_cast %swap3A_213 : vector<1x16xf32> to vector<16xf32>
        %swap3A_215 = vector.shape_cast %mul3A_210 : vector<16xf32> to vector<1x16xf32>
        tpu.vector_store %arg15[%swap3A_211, %swap3A_212], %swap3A_215 {strides = array<i32>} : memref<80x128xf32, #tpu.memory_space<vmem>>, vector<1x16xf32>,
        %get3A_216 = arith.index_cast %scan3A_153 : i32 to index
        %get3A_217 = arith.constant 96 : index
        %get3A_218 = tpu.vector_load %arg15[%get3A_216, %get3A_217] {strides = array<i32>} : memref<80x128xf32, #tpu.memory_space<vmem>>, vector<1x16xf32>,
        %get3A_219 = vector.shape_cast %get3A_218 : vector<1x16xf32> to vector<16xf32>
        %mul3A_220 = arith.mulf %get3A_219, %get3A_156 : vector<16xf32>
        %swap3A_221 = arith.index_cast %scan3A_153 : i32 to index
        %swap3A_222 = arith.constant 96 : index
        %swap3A_223 = tpu.vector_load %arg15[%swap3A_221, %swap3A_222] {strides = array<i32>} : memref<80x128xf32, #tpu.memory_space<vmem>>, vector<1x16xf32>,
        %swap3A_224 = vector.shape_cast %swap3A_223 : vector<1x16xf32> to vector<16xf32>
        %swap3A_225 = vector.shape_cast %mul3A_220 : vector<16xf32> to vector<1x16xf32>
        tpu.vector_store %arg15[%swap3A_221, %swap3A_222], %swap3A_225 {strides = array<i32>} : memref<80x128xf32, #tpu.memory_space<vmem>>, vector<1x16xf32>,
        %get3A_226 = arith.index_cast %scan3A_153 : i32 to index
        %get3A_227 = arith.constant 112 : index
        %get3A_228 = tpu.vector_load %arg15[%get3A_226, %get3A_227] {strides = array<i32>} : memref<80x128xf32, #tpu.memory_space<vmem>>, vector<1x16xf32>,
        %get3A_229 = vector.shape_cast %get3A_228 : vector<1x16xf32> to vector<16xf32>
        %mul3A_230 = arith.mulf %get3A_229, %get3A_156 : vector<16xf32>
        %swap3A_231 = arith.index_cast %scan3A_153 : i32 to index
        %swap3A_232 = arith.constant 112 : index
        %swap3A_233 = tpu.vector_load %arg15[%swap3A_231, %swap3A_232] {strides = array<i32>} : memref<80x128xf32, #tpu.memory_space<vmem>>, vector<1x16xf32>,
        %swap3A_234 = vector.shape_cast %swap3A_233 : vector<1x16xf32> to vector<16xf32>
        %swap3A_235 = vector.shape_cast %mul3A_230 : vector<16xf32> to vector<1x16xf32>
        tpu.vector_store %arg15[%swap3A_231, %swap3A_232], %swap3A_235 {strides = array<i32>} : memref<80x128xf32, #tpu.memory_space<vmem>>, vector<1x16xf32>,
      }
      %scan3A_138 = arith.constant 80 : i32
      "tpu.region"() ({
        %run_scoped3A = tpu.sem_alloc : memref<!tpu.dma_semaphore, #tpu.memory_space<semaphore_mem>>
        %dma_start3A_153 = arith.constant 0 : i32
        %dma_start3A_154 = arith.constant 0 : i32
        %dma_start3A_155 = tpu.memref_slice %arg7[%dma_start3A_153, %dma_start3A_154] : memref<10240x128xf32, #tpu.memory_space<vmem_shared>> -> memref<10240x128xf32, #tpu.memory_space<vmem_shared>>
        tpu.enqueue_indirect_dma source(%arg15 : memref<80x128xf32, #tpu.memory_space<vmem>>) target(%dma_start3A_155 : memref<10240x128xf32, #tpu.memory_space<vmem_shared>>) offsets(%arg11 : memref<80xi32, #tpu.memory_space<vmem>>) semaphore(%run_scoped3A : memref<!tpu.dma_semaphore, #tpu.memory_space<semaphore_mem>>) {add = true}
        %dma_wait3A_156 = arith.constant 0 : i32
        %dma_wait3A_157 = arith.constant 0 : i32
        %dma_wait3A_158 = tpu.memref_slice %arg7[%dma_wait3A_156, %dma_wait3A_157] : memref<10240x128xf32, #tpu.memory_space<vmem_shared>> -> memref<10240x128xf32, #tpu.memory_space<vmem_shared>>
        tpu.wait_indirect_dma semaphore(%run_scoped3A : memref<!tpu.dma_semaphore, #tpu.memory_space<semaphore_mem>>) src(%arg15 : memref<80x128xf32, #tpu.memory_space<vmem>>) dst(%dma_wait3A_158 : memref<10240x128xf32, #tpu.memory_space<vmem_shared>>)
        tpu.yield
      }) : () -> ()
      %add3A_139 = arith.constant 1 : i32
      %add3A_140 = arith.addi %add3A_122, %add3A_139 : i32
      %lt3A_141 = arith.constant 125 : i32
      %lt3A_142 = arith.cmpi slt, %add3A_140, %lt3A_141 : i32
      %convert_element_type3A_143 = arith.extui %lt3A_142 : i1 to i32
      %cond3A_144 = arith.constant 0 : i32
      %cond3A_145 = arith.cmpi ne, %convert_element_type3A_143, %cond3A_144 : i32
      scf.if %cond3A_145 {
        %add3A_153 = arith.constant 1 : i32
        %add3A_154 = arith.addi %add3A_122, %add3A_153 : i32
        %mul3A_155 = arith.constant 80 : i32
        %mul3A_156 = arith.muli %add3A_154, %mul3A_155 : i32
        %add3A_157 = arith.addi %mul3A_2, %mul3A_156 : i32
        %dma_wait3A_158 = tpu.memref_slice %arg3[%add3A_157] : memref<320000xi32, #tpu.memory_space<hbm>> -> memref<80xi32, #tpu.memory_space<hbm>>
        %dma_wait3A_159 = tpu.memref_slice %arg3[%add3A_157] : memref<320000xi32, #tpu.memory_space<hbm>> -> memref<80xi32, #tpu.memory_space<hbm>>
        tpu.wait_dma2 semaphore(%arg25 : memref<!tpu.dma_semaphore, #tpu.memory_space<semaphore_mem>>) src(%dma_wait3A_159 : memref<80xi32, #tpu.memory_space<hbm>>) dst(%arg8 : memref<80xi32, #tpu.memory_space<vmem>>)
        %add3A_160 = arith.constant 1 : i32
        %add3A_161 = arith.addi %add3A_122, %add3A_160 : i32
        %mul3A_162 = arith.constant 80 : i32
        %mul3A_163 = arith.muli %add3A_161, %mul3A_162 : i32
        %add3A_164 = arith.addi %mul3A_2, %mul3A_163 : i32
        %dma_wait3A_165 = tpu.memref_slice %arg4[%add3A_164] : memref<320000xi32, #tpu.memory_space<hbm>> -> memref<80xi32, #tpu.memory_space<hbm>>
        %dma_wait3A_166 = tpu.memref_slice %arg4[%add3A_164] : memref<320000xi32, #tpu.memory_space<hbm>> -> memref<80xi32, #tpu.memory_space<hbm>>
        tpu.wait_dma2 semaphore(%arg23 : memref<!tpu.dma_semaphore, #tpu.memory_space<semaphore_mem>>) src(%dma_wait3A_166 : memref<80xi32, #tpu.memory_space<hbm>>) dst(%arg10 : memref<80xi32, #tpu.memory_space<vmem>>)
        %add3A_167 = arith.constant 1 : i32
        %add3A_168 = arith.addi %add3A_122, %add3A_167 : i32
        %dma_start3A_169 = arith.constant 0 : i32
        %dma_start3A_170 = arith.constant 0 : i32
        %dma_start3A_171 = tpu.memref_slice %arg2[%dma_start3A_169, %dma_start3A_170] : memref<10000x128xf32, #tpu.memory_space<hbm>> -> memref<10000x128xf32, #tpu.memory_space<hbm>>
        tpu.enqueue_indirect_dma source(%dma_start3A_171 : memref<10000x128xf32, #tpu.memory_space<hbm>>) target(%arg14 : memref<80x128xf32, #tpu.memory_space<vmem>>) offsets(%arg8 : memref<80xi32, #tpu.memory_space<vmem>>) semaphore(%arg17 : memref<!tpu.dma_semaphore, #tpu.memory_space<semaphore_mem>>)
      } else {
      }
      %add3A_146 = arith.constant 2 : i32
      %add3A_147 = arith.addi %add3A_122, %add3A_146 : i32
      %lt3A_148 = arith.constant 125 : i32
      %lt3A_149 = arith.cmpi slt, %add3A_147, %lt3A_148 : i32
      %convert_element_type3A_150 = arith.extui %lt3A_149 : i1 to i32
      %cond3A_151 = arith.constant 0 : i32
      %cond3A_152 = arith.cmpi ne, %convert_element_type3A_150, %cond3A_151 : i32
      scf.if %cond3A_152 {
        %add3A_153 = arith.constant 2 : i32
        %add3A_154 = arith.addi %add3A_122, %add3A_153 : i32
        %mul3A_155 = arith.constant 80 : i32
        %mul3A_156 = arith.muli %add3A_154, %mul3A_155 : i32
        %add3A_157 = arith.addi %mul3A_2, %mul3A_156 : i32
        %dma_start3A_158 = tpu.memref_slice %arg3[%add3A_157] : memref<320000xi32, #tpu.memory_space<hbm>> -> memref<80xi32, #tpu.memory_space<hbm>>
        %dma_start3A_159 = tpu.memref_slice %arg3[%add3A_157] : memref<320000xi32, #tpu.memory_space<hbm>> -> memref<80xi32, #tpu.memory_space<hbm>>
        tpu.enqueue_dma source(%dma_start3A_159 : memref<80xi32, #tpu.memory_space<hbm>>) target(%arg9 : memref<80xi32, #tpu.memory_space<vmem>>) target_semaphore(%arg26 : memref<!tpu.dma_semaphore, #tpu.memory_space<semaphore_mem>>)
        %add3A_160 = arith.constant 2 : i32
        %add3A_161 = arith.addi %add3A_122, %add3A_160 : i32
        %mul3A_162 = arith.constant 80 : i32
        %mul3A_163 = arith.muli %add3A_161, %mul3A_162 : i32
        %add3A_164 = arith.addi %mul3A_2, %mul3A_163 : i32
        %dma_start3A_165 = tpu.memref_slice %arg4[%add3A_164] : memref<320000xi32, #tpu.memory_space<hbm>> -> memref<80xi32, #tpu.memory_space<hbm>>
        %dma_start3A_166 = tpu.memref_slice %arg4[%add3A_164] : memref<320000xi32, #tpu.memory_space<hbm>> -> memref<80xi32, #tpu.memory_space<hbm>>
        tpu.enqueue_dma source(%dma_start3A_166 : memref<80xi32, #tpu.memory_space<hbm>>) target(%arg11 : memref<80xi32, #tpu.memory_space<vmem>>) target_semaphore(%arg24 : memref<!tpu.dma_semaphore, #tpu.memory_space<semaphore_mem>>)
        %add3A_167 = arith.constant 2 : i32
        %add3A_168 = arith.addi %add3A_122, %add3A_167 : i32
        %mul3A_169 = arith.constant 80 : i32
        %mul3A_170 = arith.muli %add3A_168, %mul3A_169 : i32
        %add3A_171 = arith.addi %mul3A_2, %mul3A_170 : i32
        %dma_start3A_172 = arith.constant 0 : i32
        %dma_start3A_173 = tpu.memref_slice %arg5[%add3A_171, %dma_start3A_172] : memref<320000x16xf32, #tpu.memory_space<hbm>> -> memref<80x16xf32, #tpu.memory_space<hbm>>
        %dma_start3A_174 = arith.constant 0 : i32
        %dma_start3A_175 = tpu.memref_slice %arg5[%add3A_171, %dma_start3A_174] : memref<320000x16xf32, #tpu.memory_space<hbm>> -> memref<80x16xf32, #tpu.memory_space<hbm>>
        tpu.enqueue_dma source(%dma_start3A_175 : memref<80x16xf32, #tpu.memory_space<hbm>>) target(%arg13 : memref<80x16xf32, #tpu.memory_space<vmem>>) target_semaphore(%arg22 : memref<!tpu.dma_semaphore, #tpu.memory_space<semaphore_mem>>)
      } else {
      }
    }
    %scan3A_70 = arith.constant 62 : i32
    %dma_wait3A_71 = arith.constant 0 : i32
    %dma_wait3A_72 = arith.constant 0 : i32
    %dma_wait3A_73 = tpu.memref_slice %arg2[%dma_wait3A_71, %dma_wait3A_72] : memref<10000x128xf32, #tpu.memory_space<hbm>> -> memref<10000x128xf32, #tpu.memory_space<hbm>>
    tpu.wait_indirect_dma semaphore(%arg17 : memref<!tpu.dma_semaphore, #tpu.memory_space<semaphore_mem>>) src(%dma_wait3A_73 : memref<10000x128xf32, #tpu.memory_space<hbm>>) dst(%arg14 : memref<80x128xf32, #tpu.memory_space<vmem>>)
    %add3A_74 = arith.constant 9920 : i32
    %add3A_75 = arith.addi %mul3A_2, %add3A_74 : i32
    %dma_wait3A_76 = arith.constant 0 : i32
    %dma_wait3A_77 = tpu.memref_slice %arg5[%add3A_75, %dma_wait3A_76] : memref<320000x16xf32, #tpu.memory_space<hbm>> -> memref<80x16xf32, #tpu.memory_space<hbm>>
    %dma_wait3A_78 = arith.constant 0 : i32
    %dma_wait3A_79 = tpu.memref_slice %arg5[%add3A_75, %dma_wait3A_78] : memref<320000x16xf32, #tpu.memory_space<hbm>> -> memref<80x16xf32, #tpu.memory_space<hbm>>
    tpu.wait_dma2 semaphore(%arg21 : memref<!tpu.dma_semaphore, #tpu.memory_space<semaphore_mem>>) src(%dma_wait3A_79 : memref<80x16xf32, #tpu.memory_space<hbm>>) dst(%arg12 : memref<80x16xf32, #tpu.memory_space<vmem>>)
    %scan3A_80 = arith.constant 0 : i32
    %scan3A_81 = arith.constant 0 : i32
    %scan3A_82 = arith.constant 80 : i32
    %scan3A_83 = arith.addi %scan3A_81, %scan3A_82 : i32
    %scan3A_84 = arith.constant 1 : i32
    scf.for %scan3A_91 = %scan3A_81 to %scan3A_83 step %scan3A_84  : i32 {
      %get3A = arith.index_cast %scan3A_91 : i32 to index
      %get3A_92 = arith.constant 0 : index
      %get3A_93 = tpu.vector_load %arg12[%get3A, %get3A_92] {strides = array<i32>} : memref<80x16xf32, #tpu.memory_space<vmem>>, vector<1x16xf32>,
      %get3A_94 = vector.shape_cast %get3A_93 : vector<1x16xf32> to vector<16xf32>
      %get3A_95 = arith.index_cast %scan3A_91 : i32 to index
      %get3A_96 = arith.constant 0 : index
      %get3A_97 = tpu.vector_load %arg14[%get3A_95, %get3A_96] {strides = array<i32>} : memref<80x128xf32, #tpu.memory_space<vmem>>, vector<1x16xf32>,
      %get3A_98 = vector.shape_cast %get3A_97 : vector<1x16xf32> to vector<16xf32>
      %mul3A_99 = arith.mulf %get3A_98, %get3A_94 : vector<16xf32>
      %swap3A = arith.index_cast %scan3A_91 : i32 to index
      %swap3A_100 = arith.constant 0 : index
      %swap3A_101 = tpu.vector_load %arg14[%swap3A, %swap3A_100] {strides = array<i32>} : memref<80x128xf32, #tpu.memory_space<vmem>>, vector<1x16xf32>,
      %swap3A_102 = vector.shape_cast %swap3A_101 : vector<1x16xf32> to vector<16xf32>
      %swap3A_103 = vector.shape_cast %mul3A_99 : vector<16xf32> to vector<1x16xf32>
      tpu.vector_store %arg14[%swap3A, %swap3A_100], %swap3A_103 {strides = array<i32>} : memref<80x128xf32, #tpu.memory_space<vmem>>, vector<1x16xf32>,
      %get3A_104 = arith.index_cast %scan3A_91 : i32 to index
      %get3A_105 = arith.constant 16 : index
      %get3A_106 = tpu.vector_load %arg14[%get3A_104, %get3A_105] {strides = array<i32>} : memref<80x128xf32, #tpu.memory_space<vmem>>, vector<1x16xf32>,
      %get3A_107 = vector.shape_cast %get3A_106 : vector<1x16xf32> to vector<16xf32>
      %mul3A_108 = arith.mulf %get3A_107, %get3A_94 : vector<16xf32>
      %swap3A_109 = arith.index_cast %scan3A_91 : i32 to index
      %swap3A_110 = arith.constant 16 : index
      %swap3A_111 = tpu.vector_load %arg14[%swap3A_109, %swap3A_110] {strides = array<i32>} : memref<80x128xf32, #tpu.memory_space<vmem>>, vector<1x16xf32>,
      %swap3A_112 = vector.shape_cast %swap3A_111 : vector<1x16xf32> to vector<16xf32>
      %swap3A_113 = vector.shape_cast %mul3A_108 : vector<16xf32> to vector<1x16xf32>
      tpu.vector_store %arg14[%swap3A_109, %swap3A_110], %swap3A_113 {strides = array<i32>} : memref<80x128xf32, #tpu.memory_space<vmem>>, vector<1x16xf32>,
      %get3A_114 = arith.index_cast %scan3A_91 : i32 to index
      %get3A_115 = arith.constant 32 : index
      %get3A_116 = tpu.vector_load %arg14[%get3A_114, %get3A_115] {strides = array<i32>} : memref<80x128xf32, #tpu.memory_space<vmem>>, vector<1x16xf32>,
      %get3A_117 = vector.shape_cast %get3A_116 : vector<1x16xf32> to vector<16xf32>
      %mul3A_118 = arith.mulf %get3A_117, %get3A_94 : vector<16xf32>
      %swap3A_119 = arith.index_cast %scan3A_91 : i32 to index
      %swap3A_120 = arith.constant 32 : index
      %swap3A_121 = tpu.vector_load %arg14[%swap3A_119, %swap3A_120] {strides = array<i32>} : memref<80x128xf32, #tpu.memory_space<vmem>>, vector<1x16xf32>,
      %swap3A_122 = vector.shape_cast %swap3A_121 : vector<1x16xf32> to vector<16xf32>
      %swap3A_123 = vector.shape_cast %mul3A_118 : vector<16xf32> to vector<1x16xf32>
      tpu.vector_store %arg14[%swap3A_119, %swap3A_120], %swap3A_123 {strides = array<i32>} : memref<80x128xf32, #tpu.memory_space<vmem>>, vector<1x16xf32>,
      %get3A_124 = arith.index_cast %scan3A_91 : i32 to index
      %get3A_125 = arith.constant 48 : index
      %get3A_126 = tpu.vector_load %arg14[%get3A_124, %get3A_125] {strides = array<i32>} : memref<80x128xf32, #tpu.memory_space<vmem>>, vector<1x16xf32>,
      %get3A_127 = vector.shape_cast %get3A_126 : vector<1x16xf32> to vector<16xf32>
      %mul3A_128 = arith.mulf %get3A_127, %get3A_94 : vector<16xf32>
      %swap3A_129 = arith.index_cast %scan3A_91 : i32 to index
      %swap3A_130 = arith.constant 48 : index
      %swap3A_131 = tpu.vector_load %arg14[%swap3A_129, %swap3A_130] {strides = array<i32>} : memref<80x128xf32, #tpu.memory_space<vmem>>, vector<1x16xf32>,
      %swap3A_132 = vector.shape_cast %swap3A_131 : vector<1x16xf32> to vector<16xf32>
      %swap3A_133 = vector.shape_cast %mul3A_128 : vector<16xf32> to vector<1x16xf32>
      tpu.vector_store %arg14[%swap3A_129, %swap3A_130], %swap3A_133 {strides = array<i32>} : memref<80x128xf32, #tpu.memory_space<vmem>>, vector<1x16xf32>,
      %get3A_134 = arith.index_cast %scan3A_91 : i32 to index
      %get3A_135 = arith.constant 64 : index
      %get3A_136 = tpu.vector_load %arg14[%get3A_134, %get3A_135] {strides = array<i32>} : memref<80x128xf32, #tpu.memory_space<vmem>>, vector<1x16xf32>,
      %get3A_137 = vector.shape_cast %get3A_136 : vector<1x16xf32> to vector<16xf32>
      %mul3A_138 = arith.mulf %get3A_137, %get3A_94 : vector<16xf32>
      %swap3A_139 = arith.index_cast %scan3A_91 : i32 to index
      %swap3A_140 = arith.constant 64 : index
      %swap3A_141 = tpu.vector_load %arg14[%swap3A_139, %swap3A_140] {strides = array<i32>} : memref<80x128xf32, #tpu.memory_space<vmem>>, vector<1x16xf32>,
      %swap3A_142 = vector.shape_cast %swap3A_141 : vector<1x16xf32> to vector<16xf32>
      %swap3A_143 = vector.shape_cast %mul3A_138 : vector<16xf32> to vector<1x16xf32>
      tpu.vector_store %arg14[%swap3A_139, %swap3A_140], %swap3A_143 {strides = array<i32>} : memref<80x128xf32, #tpu.memory_space<vmem>>, vector<1x16xf32>,
      %get3A_144 = arith.index_cast %scan3A_91 : i32 to index
      %get3A_145 = arith.constant 80 : index
      %get3A_146 = tpu.vector_load %arg14[%get3A_144, %get3A_145] {strides = array<i32>} : memref<80x128xf32, #tpu.memory_space<vmem>>, vector<1x16xf32>,
      %get3A_147 = vector.shape_cast %get3A_146 : vector<1x16xf32> to vector<16xf32>
      %mul3A_148 = arith.mulf %get3A_147, %get3A_94 : vector<16xf32>
      %swap3A_149 = arith.index_cast %scan3A_91 : i32 to index
      %swap3A_150 = arith.constant 80 : index
      %swap3A_151 = tpu.vector_load %arg14[%swap3A_149, %swap3A_150] {strides = array<i32>} : memref<80x128xf32, #tpu.memory_space<vmem>>, vector<1x16xf32>,
      %swap3A_152 = vector.shape_cast %swap3A_151 : vector<1x16xf32> to vector<16xf32>
      %swap3A_153 = vector.shape_cast %mul3A_148 : vector<16xf32> to vector<1x16xf32>
      tpu.vector_store %arg14[%swap3A_149, %swap3A_150], %swap3A_153 {strides = array<i32>} : memref<80x128xf32, #tpu.memory_space<vmem>>, vector<1x16xf32>,
      %get3A_154 = arith.index_cast %scan3A_91 : i32 to index
      %get3A_155 = arith.constant 96 : index
      %get3A_156 = tpu.vector_load %arg14[%get3A_154, %get3A_155] {strides = array<i32>} : memref<80x128xf32, #tpu.memory_space<vmem>>, vector<1x16xf32>,
      %get3A_157 = vector.shape_cast %get3A_156 : vector<1x16xf32> to vector<16xf32>
      %mul3A_158 = arith.mulf %get3A_157, %get3A_94 : vector<16xf32>
      %swap3A_159 = arith.index_cast %scan3A_91 : i32 to index
      %swap3A_160 = arith.constant 96 : index
      %swap3A_161 = tpu.vector_load %arg14[%swap3A_159, %swap3A_160] {strides = array<i32>} : memref<80x128xf32, #tpu.memory_space<vmem>>, vector<1x16xf32>,
      %swap3A_162 = vector.shape_cast %swap3A_161 : vector<1x16xf32> to vector<16xf32>
      %swap3A_163 = vector.shape_cast %mul3A_158 : vector<16xf32> to vector<1x16xf32>
      tpu.vector_store %arg14[%swap3A_159, %swap3A_160], %swap3A_163 {strides = array<i32>} : memref<80x128xf32, #tpu.memory_space<vmem>>, vector<1x16xf32>,
      %get3A_164 = arith.index_cast %scan3A_91 : i32 to index
      %get3A_165 = arith.constant 112 : index
      %get3A_166 = tpu.vector_load %arg14[%get3A_164, %get3A_165] {strides = array<i32>} : memref<80x128xf32, #tpu.memory_space<vmem>>, vector<1x16xf32>,
      %get3A_167 = vector.shape_cast %get3A_166 : vector<1x16xf32> to vector<16xf32>
      %mul3A_168 = arith.mulf %get3A_167, %get3A_94 : vector<16xf32>
      %swap3A_169 = arith.index_cast %scan3A_91 : i32 to index
      %swap3A_170 = arith.constant 112 : index
      %swap3A_171 = tpu.vector_load %arg14[%swap3A_169, %swap3A_170] {strides = array<i32>} : memref<80x128xf32, #tpu.memory_space<vmem>>, vector<1x16xf32>,
      %swap3A_172 = vector.shape_cast %swap3A_171 : vector<1x16xf32> to vector<16xf32>
      %swap3A_173 = vector.shape_cast %mul3A_168 : vector<16xf32> to vector<1x16xf32>
      tpu.vector_store %arg14[%swap3A_169, %swap3A_170], %swap3A_173 {strides = array<i32>} : memref<80x128xf32, #tpu.memory_space<vmem>>, vector<1x16xf32>,
    }
    %scan3A_85 = arith.constant 80 : i32
    "tpu.region"() ({
      %run_scoped3A = tpu.sem_alloc : memref<!tpu.dma_semaphore, #tpu.memory_space<semaphore_mem>>
      %dma_start3A_91 = arith.constant 0 : i32
      %dma_start3A_92 = arith.constant 0 : i32
      %dma_start3A_93 = tpu.memref_slice %arg7[%dma_start3A_91, %dma_start3A_92] : memref<10240x128xf32, #tpu.memory_space<vmem_shared>> -> memref<10240x128xf32, #tpu.memory_space<vmem_shared>>
      tpu.enqueue_indirect_dma source(%arg14 : memref<80x128xf32, #tpu.memory_space<vmem>>) target(%dma_start3A_93 : memref<10240x128xf32, #tpu.memory_space<vmem_shared>>) offsets(%arg10 : memref<80xi32, #tpu.memory_space<vmem>>) semaphore(%run_scoped3A : memref<!tpu.dma_semaphore, #tpu.memory_space<semaphore_mem>>) {add = true}
      %dma_wait3A_94 = arith.constant 0 : i32
      %dma_wait3A_95 = arith.constant 0 : i32
      %dma_wait3A_96 = tpu.memref_slice %arg7[%dma_wait3A_94, %dma_wait3A_95] : memref<10240x128xf32, #tpu.memory_space<vmem_shared>> -> memref<10240x128xf32, #tpu.memory_space<vmem_shared>>
      tpu.wait_indirect_dma semaphore(%run_scoped3A : memref<!tpu.dma_semaphore, #tpu.memory_space<semaphore_mem>>) src(%arg14 : memref<80x128xf32, #tpu.memory_space<vmem>>) dst(%dma_wait3A_96 : memref<10240x128xf32, #tpu.memory_space<vmem_shared>>)
      tpu.yield
    }) : () -> ()
    %barrier3A_86 = arith.constant 0 : index
    tpu.barrier barrier_id(%barrier3A_86)
    %mul3A_87 = arith.constant 640 : i32
    %mul3A_88 = arith.muli %arg1, %mul3A_87 : i32
    %mul3A_89 = arith.constant 640 : i32
    %mul3A_90 = arith.muli %arg1, %mul3A_89 : i32
    "tpu.region"() ({
      %run_scoped3A = tpu.sem_alloc : memref<!tpu.dma_semaphore, #tpu.memory_space<semaphore_mem>>
      %dma_start3A_91 = arith.constant 0 : i32
      %dma_start3A_92 = tpu.memref_slice %arg6[%arg0, %mul3A_90, %dma_start3A_91] : memref<2x10240x128xf32, #tpu.memory_space<hbm>> -> memref<1x640x128xf32, #tpu.memory_space<hbm>>
      %dma_start3A_93 = tpu.memref_squeeze %dma_start3A_92 : memref<1x640x128xf32, #tpu.memory_space<hbm>> -> memref<640x128xf32, #tpu.memory_space<hbm>>
      %dma_start3A_94 = arith.constant 0 : i32
      %dma_start3A_95 = tpu.memref_slice %arg7[%mul3A_88, %dma_start3A_94] : memref<10240x128xf32, #tpu.memory_space<vmem_shared>> -> memref<640x128xf32, #tpu.memory_space<vmem_shared>>
      tpu.enqueue_dma source(%dma_start3A_95 : memref<640x128xf32, #tpu.memory_space<vmem_shared>>) target(%dma_start3A_93 : memref<640x128xf32, #tpu.memory_space<hbm>>) target_semaphore(%run_scoped3A : memref<!tpu.dma_semaphore, #tpu.memory_space<semaphore_mem>>)
      %dma_wait3A_96 = arith.constant 0 : i32
      %dma_wait3A_97 = tpu.memref_slice %arg6[%arg0, %mul3A_90, %dma_wait3A_96] : memref<2x10240x128xf32, #tpu.memory_space<hbm>> -> memref<1x640x128xf32, #tpu.memory_space<hbm>>
      %dma_wait3A_98 = tpu.memref_squeeze %dma_wait3A_97 : memref<1x640x128xf32, #tpu.memory_space<hbm>> -> memref<640x128xf32, #tpu.memory_space<hbm>>
      %dma_wait3A_99 = arith.constant 0 : i32
      %dma_wait3A_100 = tpu.memref_slice %arg7[%mul3A_88, %dma_wait3A_99] : memref<10240x128xf32, #tpu.memory_space<vmem_shared>> -> memref<640x128xf32, #tpu.memory_space<vmem_shared>>
      tpu.wait_dma2 semaphore(%run_scoped3A : memref<!tpu.dma_semaphore, #tpu.memory_space<semaphore_mem>>) src(%dma_wait3A_100 : memref<640x128xf32, #tpu.memory_space<vmem_shared>>) dst(%dma_wait3A_98 : memref<640x128xf32, #tpu.memory_space<hbm>>)
      tpu.yield
    }) : () -> ()
    return
  }
}

#map = affine_map<(d0, d1) -> (0, 0)>
#map1 = affine_map<(d0, d1) -> (0)>
#map2 = affine_map<(d0, d1) -> (0, 0, 0)>
module attributes {stable_mosaic.version = 14 : i64} {
  func.func @edge_kernel(%arg0: i32, %arg1: i32, %arg2: memref<10000x128xf32, #tpu.memory_space<hbm>>, %arg3: memref<320000xi32, #tpu.memory_space<hbm>>, %arg4: memref<320000xi32, #tpu.memory_space<hbm>>, %arg5: memref<320000x16xf32, #tpu.memory_space<hbm>>, %arg6: memref<2x10240x128xf32, #tpu.memory_space<hbm>>, %arg7: memref<10240x128xf32, #tpu.memory_space<vmem_shared>>, %arg8: memref<80xi32, #tpu.memory_space<vmem>>, %arg9: memref<80xi32, #tpu.memory_space<vmem>>, %arg10: memref<80xi32, #tpu.memory_space<vmem>>, %arg11: memref<80xi32, #tpu.memory_space<vmem>>, %arg12: memref<80x16xf32, #tpu.memory_space<vmem>>, %arg13: memref<80x16xf32, #tpu.memory_space<vmem>>, %arg14: memref<80x128xf32, #tpu.memory_space<vmem>>, %arg15: memref<80x128xf32, #tpu.memory_space<vmem>>, %arg16: memref<128x128xf32, #tpu.memory_space<vmem>>, %arg17: memref<!tpu.dma_semaphore, #tpu.memory_space<semaphore_mem>>, %arg18: memref<!tpu.dma_semaphore, #tpu.memory_space<semaphore_mem>>, %arg19: memref<!tpu.dma_semaphore, #tpu.memory_space<semaphore_mem>>, %arg20: memref<!tpu.dma_semaphore, #tpu.memory_space<semaphore_mem>>, %arg21: memref<!tpu.dma_semaphore, #tpu.memory_space<semaphore_mem>>, %arg22: memref<!tpu.dma_semaphore, #tpu.memory_space<semaphore_mem>>, %arg23: memref<!tpu.dma_semaphore, #tpu.memory_space<semaphore_mem>>, %arg24: memref<!tpu.dma_semaphore, #tpu.memory_space<semaphore_mem>>, %arg25: memref<!tpu.dma_semaphore, #tpu.memory_space<semaphore_mem>>, %arg26: memref<!tpu.dma_semaphore, #tpu.memory_space<semaphore_mem>>) attributes {dimension_semantics = [#tpu.dimension_semantics<core_parallel>, #tpu.dimension_semantics<subcore_parallel>], iteration_bounds = array<i64: 2, 16>, scalar_prefetch = 0 : i64, scratch_operands = 20 : i64, tpu.core_type = #tpu.core_type<sc_vector_subcore>, window_params = [{transform_indices = #map}, {transform_indices = #map1}, {transform_indices = #map1}, {transform_indices = #map}, {transform_indices = #map2}]} {
    %mul3A = arith.constant 2 : i32
    %mul3A_0 = arith.muli %arg1, %mul3A : i32
    %add3A = arith.addi %mul3A_0, %arg0 : i32
    %mul3A_1 = arith.constant 10000 : i32
    %mul3A_2 = arith.muli %add3A, %mul3A_1 : i32
    %scan3A = arith.constant 0 : i32
    %scan3A_3 = arith.constant 0 : i32
    %scan3A_4 = arith.constant 128 : i32
    %scan3A_5 = arith.addi %scan3A_3, %scan3A_4 : i32
    %scan3A_6 = arith.constant 1 : i32
    scf.for %scan3A_91 = %scan3A_3 to %scan3A_5 step %scan3A_6  : i32 {
      %broadcast_in_dim3A = arith.constant 0.000000e+00 : f32
      %broadcast_in_dim3A_92 = vector.broadcast %broadcast_in_dim3A : f32 to vector<16xf32>
      %swap3A = arith.index_cast %scan3A_91 : i32 to index
      %swap3A_93 = arith.constant 0 : index
      %swap3A_94 = tpu.vector_load %arg16[%swap3A, %swap3A_93] {strides = array<i32>} : memref<128x128xf32, #tpu.memory_space<vmem>>, vector<1x16xf32>,
      %swap3A_95 = vector.shape_cast %swap3A_94 : vector<1x16xf32> to vector<16xf32>
      %swap3A_96 = vector.shape_cast %broadcast_in_dim3A_92 : vector<16xf32> to vector<1x16xf32>
      tpu.vector_store %arg16[%swap3A, %swap3A_93], %swap3A_96 {strides = array<i32>} : memref<128x128xf32, #tpu.memory_space<vmem>>, vector<1x16xf32>,
      %broadcast_in_dim3A_97 = arith.constant 0.000000e+00 : f32
      %broadcast_in_dim3A_98 = vector.broadcast %broadcast_in_dim3A_97 : f32 to vector<16xf32>
      %swap3A_99 = arith.index_cast %scan3A_91 : i32 to index
      %swap3A_100 = arith.constant 16 : index
      %swap3A_101 = tpu.vector_load %arg16[%swap3A_99, %swap3A_100] {strides = array<i32>} : memref<128x128xf32, #tpu.memory_space<vmem>>, vector<1x16xf32>,
      %swap3A_102 = vector.shape_cast %swap3A_101 : vector<1x16xf32> to vector<16xf32>
      %swap3A_103 = vector.shape_cast %broadcast_in_dim3A_98 : vector<16xf32> to vector<1x16xf32>
      tpu.vector_store %arg16[%swap3A_99, %swap3A_100], %swap3A_103 {strides = array<i32>} : memref<128x128xf32, #tpu.memory_space<vmem>>, vector<1x16xf32>,
      %broadcast_in_dim3A_104 = arith.constant 0.000000e+00 : f32
      %broadcast_in_dim3A_105 = vector.broadcast %broadcast_in_dim3A_104 : f32 to vector<16xf32>
      %swap3A_106 = arith.index_cast %scan3A_91 : i32 to index
      %swap3A_107 = arith.constant 32 : index
      %swap3A_108 = tpu.vector_load %arg16[%swap3A_106, %swap3A_107] {strides = array<i32>} : memref<128x128xf32, #tpu.memory_space<vmem>>, vector<1x16xf32>,
      %swap3A_109 = vector.shape_cast %swap3A_108 : vector<1x16xf32> to vector<16xf32>
      %swap3A_110 = vector.shape_cast %broadcast_in_dim3A_105 : vector<16xf32> to vector<1x16xf32>
      tpu.vector_store %arg16[%swap3A_106, %swap3A_107], %swap3A_110 {strides = array<i32>} : memref<128x128xf32, #tpu.memory_space<vmem>>, vector<1x16xf32>,
      %broadcast_in_dim3A_111 = arith.constant 0.000000e+00 : f32
      %broadcast_in_dim3A_112 = vector.broadcast %broadcast_in_dim3A_111 : f32 to vector<16xf32>
      %swap3A_113 = arith.index_cast %scan3A_91 : i32 to index
      %swap3A_114 = arith.constant 48 : index
      %swap3A_115 = tpu.vector_load %arg16[%swap3A_113, %swap3A_114] {strides = array<i32>} : memref<128x128xf32, #tpu.memory_space<vmem>>, vector<1x16xf32>,
      %swap3A_116 = vector.shape_cast %swap3A_115 : vector<1x16xf32> to vector<16xf32>
      %swap3A_117 = vector.shape_cast %broadcast_in_dim3A_112 : vector<16xf32> to vector<1x16xf32>
      tpu.vector_store %arg16[%swap3A_113, %swap3A_114], %swap3A_117 {strides = array<i32>} : memref<128x128xf32, #tpu.memory_space<vmem>>, vector<1x16xf32>,
      %broadcast_in_dim3A_118 = arith.constant 0.000000e+00 : f32
      %broadcast_in_dim3A_119 = vector.broadcast %broadcast_in_dim3A_118 : f32 to vector<16xf32>
      %swap3A_120 = arith.index_cast %scan3A_91 : i32 to index
      %swap3A_121 = arith.constant 64 : index
      %swap3A_122 = tpu.vector_load %arg16[%swap3A_120, %swap3A_121] {strides = array<i32>} : memref<128x128xf32, #tpu.memory_space<vmem>>, vector<1x16xf32>,
      %swap3A_123 = vector.shape_cast %swap3A_122 : vector<1x16xf32> to vector<16xf32>
      %swap3A_124 = vector.shape_cast %broadcast_in_dim3A_119 : vector<16xf32> to vector<1x16xf32>
      tpu.vector_store %arg16[%swap3A_120, %swap3A_121], %swap3A_124 {strides = array<i32>} : memref<128x128xf32, #tpu.memory_space<vmem>>, vector<1x16xf32>,
      %broadcast_in_dim3A_125 = arith.constant 0.000000e+00 : f32
      %broadcast_in_dim3A_126 = vector.broadcast %broadcast_in_dim3A_125 : f32 to vector<16xf32>
      %swap3A_127 = arith.index_cast %scan3A_91 : i32 to index
      %swap3A_128 = arith.constant 80 : index
      %swap3A_129 = tpu.vector_load %arg16[%swap3A_127, %swap3A_128] {strides = array<i32>} : memref<128x128xf32, #tpu.memory_space<vmem>>, vector<1x16xf32>,
      %swap3A_130 = vector.shape_cast %swap3A_129 : vector<1x16xf32> to vector<16xf32>
      %swap3A_131 = vector.shape_cast %broadcast_in_dim3A_126 : vector<16xf32> to vector<1x16xf32>
      tpu.vector_store %arg16[%swap3A_127, %swap3A_128], %swap3A_131 {strides = array<i32>} : memref<128x128xf32, #tpu.memory_space<vmem>>, vector<1x16xf32>,
      %broadcast_in_dim3A_132 = arith.constant 0.000000e+00 : f32
      %broadcast_in_dim3A_133 = vector.broadcast %broadcast_in_dim3A_132 : f32 to vector<16xf32>
      %swap3A_134 = arith.index_cast %scan3A_91 : i32 to index
      %swap3A_135 = arith.constant 96 : index
      %swap3A_136 = tpu.vector_load %arg16[%swap3A_134, %swap3A_135] {strides = array<i32>} : memref<128x128xf32, #tpu.memory_space<vmem>>, vector<1x16xf32>,
      %swap3A_137 = vector.shape_cast %swap3A_136 : vector<1x16xf32> to vector<16xf32>
      %swap3A_138 = vector.shape_cast %broadcast_in_dim3A_133 : vector<16xf32> to vector<1x16xf32>
      tpu.vector_store %arg16[%swap3A_134, %swap3A_135], %swap3A_138 {strides = array<i32>} : memref<128x128xf32, #tpu.memory_space<vmem>>, vector<1x16xf32>,
      %broadcast_in_dim3A_139 = arith.constant 0.000000e+00 : f32
      %broadcast_in_dim3A_140 = vector.broadcast %broadcast_in_dim3A_139 : f32 to vector<16xf32>
      %swap3A_141 = arith.index_cast %scan3A_91 : i32 to index
      %swap3A_142 = arith.constant 112 : index
      %swap3A_143 = tpu.vector_load %arg16[%swap3A_141, %swap3A_142] {strides = array<i32>} : memref<128x128xf32, #tpu.memory_space<vmem>>, vector<1x16xf32>,
      %swap3A_144 = vector.shape_cast %swap3A_143 : vector<1x16xf32> to vector<16xf32>
      %swap3A_145 = vector.shape_cast %broadcast_in_dim3A_140 : vector<16xf32> to vector<1x16xf32>
      tpu.vector_store %arg16[%swap3A_141, %swap3A_142], %swap3A_145 {strides = array<i32>} : memref<128x128xf32, #tpu.memory_space<vmem>>, vector<1x16xf32>,
    }
    %scan3A_7 = arith.constant 128 : i32
    %mul3A_8 = arith.constant 640 : i32
    %mul3A_9 = arith.muli %arg1, %mul3A_8 : i32
    %add3A_10 = arith.constant 0 : i32
    %add3A_11 = arith.addi %mul3A_9, %add3A_10 : i32
    "tpu.region"() ({
      %run_scoped3A = tpu.sem_alloc : memref<!tpu.dma_semaphore, #tpu.memory_space<semaphore_mem>>
      %dma_start3A_91 = arith.constant 0 : i32
      %dma_start3A_92 = tpu.memref_slice %arg7[%add3A_11, %dma_start3A_91] : memref<10240x128xf32, #tpu.memory_space<vmem_shared>> -> memref<128x128xf32, #tpu.memory_space<vmem_shared>>
      %dma_start3A_93 = arith.constant 0 : i32
      %dma_start3A_94 = tpu.memref_slice %arg7[%add3A_11, %dma_start3A_93] : memref<10240x128xf32, #tpu.memory_space<vmem_shared>> -> memref<128x128xf32, #tpu.memory_space<vmem_shared>>
      tpu.enqueue_dma source(%arg16 : memref<128x128xf32, #tpu.memory_space<vmem>>) target(%dma_start3A_94 : memref<128x128xf32, #tpu.memory_space<vmem_shared>>) target_semaphore(%run_scoped3A : memref<!tpu.dma_semaphore, #tpu.memory_space<semaphore_mem>>)
      %dma_wait3A_95 = arith.constant 0 : i32
      %dma_wait3A_96 = tpu.memref_slice %arg7[%add3A_11, %dma_wait3A_95] : memref<10240x128xf32, #tpu.memory_space<vmem_shared>> -> memref<128x128xf32, #tpu.memory_space<vmem_shared>>
      %dma_wait3A_97 = arith.constant 0 : i32
      %dma_wait3A_98 = tpu.memref_slice %arg7[%add3A_11, %dma_wait3A_97] : memref<10240x128xf32, #tpu.memory_space<vmem_shared>> -> memref<128x128xf32, #tpu.memory_space<vmem_shared>>
      tpu.wait_dma2 semaphore(%run_scoped3A : memref<!tpu.dma_semaphore, #tpu.memory_space<semaphore_mem>>) src(%arg16 : memref<128x128xf32, #tpu.memory_space<vmem>>) dst(%dma_wait3A_98 : memref<128x128xf32, #tpu.memory_space<vmem_shared>>)
      tpu.yield
    }) : () -> ()
    %mul3A_12 = arith.constant 640 : i32
    %mul3A_13 = arith.muli %arg1, %mul3A_12 : i32
    %add3A_14 = arith.constant 128 : i32
    %add3A_15 = arith.addi %mul3A_13, %add3A_14 : i32
    "tpu.region"() ({
      %run_scoped3A = tpu.sem_alloc : memref<!tpu.dma_semaphore, #tpu.memory_space<semaphore_mem>>
      %dma_start3A_91 = arith.constant 0 : i32
      %dma_start3A_92 = tpu.memref_slice %arg7[%add3A_15, %dma_start3A_91] : memref<10240x128xf32, #tpu.memory_space<vmem_shared>> -> memref<128x128xf32, #tpu.memory_space<vmem_shared>>
      %dma_start3A_93 = arith.constant 0 : i32
      %dma_start3A_94 = tpu.memref_slice %arg7[%add3A_15, %dma_start3A_93] : memref<10240x128xf32, #tpu.memory_space<vmem_shared>> -> memref<128x128xf32, #tpu.memory_space<vmem_shared>>
      tpu.enqueue_dma source(%arg16 : memref<128x128xf32, #tpu.memory_space<vmem>>) target(%dma_start3A_94 : memref<128x128xf32, #tpu.memory_space<vmem_shared>>) target_semaphore(%run_scoped3A : memref<!tpu.dma_semaphore, #tpu.memory_space<semaphore_mem>>)
      %dma_wait3A_95 = arith.constant 0 : i32
      %dma_wait3A_96 = tpu.memref_slice %arg7[%add3A_15, %dma_wait3A_95] : memref<10240x128xf32, #tpu.memory_space<vmem_shared>> -> memref<128x128xf32, #tpu.memory_space<vmem_shared>>
      %dma_wait3A_97 = arith.constant 0 : i32
      %dma_wait3A_98 = tpu.memref_slice %arg7[%add3A_15, %dma_wait3A_97] : memref<10240x128xf32, #tpu.memory_space<vmem_shared>> -> memref<128x128xf32, #tpu.memory_space<vmem_shared>>
      tpu.wait_dma2 semaphore(%run_scoped3A : memref<!tpu.dma_semaphore, #tpu.memory_space<semaphore_mem>>) src(%arg16 : memref<128x128xf32, #tpu.memory_space<vmem>>) dst(%dma_wait3A_98 : memref<128x128xf32, #tpu.memory_space<vmem_shared>>)
      tpu.yield
    }) : () -> ()
    %mul3A_16 = arith.constant 640 : i32
    %mul3A_17 = arith.muli %arg1, %mul3A_16 : i32
    %add3A_18 = arith.constant 256 : i32
    %add3A_19 = arith.addi %mul3A_17, %add3A_18 : i32
    "tpu.region"() ({
      %run_scoped3A = tpu.sem_alloc : memref<!tpu.dma_semaphore, #tpu.memory_space<semaphore_mem>>
      %dma_start3A_91 = arith.constant 0 : i32
      %dma_start3A_92 = tpu.memref_slice %arg7[%add3A_19, %dma_start3A_91] : memref<10240x128xf32, #tpu.memory_space<vmem_shared>> -> memref<128x128xf32, #tpu.memory_space<vmem_shared>>
      %dma_start3A_93 = arith.constant 0 : i32
      %dma_start3A_94 = tpu.memref_slice %arg7[%add3A_19, %dma_start3A_93] : memref<10240x128xf32, #tpu.memory_space<vmem_shared>> -> memref<128x128xf32, #tpu.memory_space<vmem_shared>>
      tpu.enqueue_dma source(%arg16 : memref<128x128xf32, #tpu.memory_space<vmem>>) target(%dma_start3A_94 : memref<128x128xf32, #tpu.memory_space<vmem_shared>>) target_semaphore(%run_scoped3A : memref<!tpu.dma_semaphore, #tpu.memory_space<semaphore_mem>>)
      %dma_wait3A_95 = arith.constant 0 : i32
      %dma_wait3A_96 = tpu.memref_slice %arg7[%add3A_19, %dma_wait3A_95] : memref<10240x128xf32, #tpu.memory_space<vmem_shared>> -> memref<128x128xf32, #tpu.memory_space<vmem_shared>>
      %dma_wait3A_97 = arith.constant 0 : i32
      %dma_wait3A_98 = tpu.memref_slice %arg7[%add3A_19, %dma_wait3A_97] : memref<10240x128xf32, #tpu.memory_space<vmem_shared>> -> memref<128x128xf32, #tpu.memory_space<vmem_shared>>
      tpu.wait_dma2 semaphore(%run_scoped3A : memref<!tpu.dma_semaphore, #tpu.memory_space<semaphore_mem>>) src(%arg16 : memref<128x128xf32, #tpu.memory_space<vmem>>) dst(%dma_wait3A_98 : memref<128x128xf32, #tpu.memory_space<vmem_shared>>)
      tpu.yield
    }) : () -> ()
    %mul3A_20 = arith.constant 640 : i32
    %mul3A_21 = arith.muli %arg1, %mul3A_20 : i32
    %add3A_22 = arith.constant 384 : i32
    %add3A_23 = arith.addi %mul3A_21, %add3A_22 : i32
    "tpu.region"() ({
      %run_scoped3A = tpu.sem_alloc : memref<!tpu.dma_semaphore, #tpu.memory_space<semaphore_mem>>
      %dma_start3A_91 = arith.constant 0 : i32
      %dma_start3A_92 = tpu.memref_slice %arg7[%add3A_23, %dma_start3A_91] : memref<10240x128xf32, #tpu.memory_space<vmem_shared>> -> memref<128x128xf32, #tpu.memory_space<vmem_shared>>
      %dma_start3A_93 = arith.constant 0 : i32
      %dma_start3A_94 = tpu.memref_slice %arg7[%add3A_23, %dma_start3A_93] : memref<10240x128xf32, #tpu.memory_space<vmem_shared>> -> memref<128x128xf32, #tpu.memory_space<vmem_shared>>
      tpu.enqueue_dma source(%arg16 : memref<128x128xf32, #tpu.memory_space<vmem>>) target(%dma_start3A_94 : memref<128x128xf32, #tpu.memory_space<vmem_shared>>) target_semaphore(%run_scoped3A : memref<!tpu.dma_semaphore, #tpu.memory_space<semaphore_mem>>)
      %dma_wait3A_95 = arith.constant 0 : i32
      %dma_wait3A_96 = tpu.memref_slice %arg7[%add3A_23, %dma_wait3A_95] : memref<10240x128xf32, #tpu.memory_space<vmem_shared>> -> memref<128x128xf32, #tpu.memory_space<vmem_shared>>
      %dma_wait3A_97 = arith.constant 0 : i32
      %dma_wait3A_98 = tpu.memref_slice %arg7[%add3A_23, %dma_wait3A_97] : memref<10240x128xf32, #tpu.memory_space<vmem_shared>> -> memref<128x128xf32, #tpu.memory_space<vmem_shared>>
      tpu.wait_dma2 semaphore(%run_scoped3A : memref<!tpu.dma_semaphore, #tpu.memory_space<semaphore_mem>>) src(%arg16 : memref<128x128xf32, #tpu.memory_space<vmem>>) dst(%dma_wait3A_98 : memref<128x128xf32, #tpu.memory_space<vmem_shared>>)
      tpu.yield
    }) : () -> ()
    %mul3A_24 = arith.constant 640 : i32
    %mul3A_25 = arith.muli %arg1, %mul3A_24 : i32
    %add3A_26 = arith.constant 512 : i32
    %add3A_27 = arith.addi %mul3A_25, %add3A_26 : i32
    "tpu.region"() ({
      %run_scoped3A = tpu.sem_alloc : memref<!tpu.dma_semaphore, #tpu.memory_space<semaphore_mem>>
      %dma_start3A_91 = arith.constant 0 : i32
      %dma_start3A_92 = tpu.memref_slice %arg7[%add3A_27, %dma_start3A_91] : memref<10240x128xf32, #tpu.memory_space<vmem_shared>> -> memref<128x128xf32, #tpu.memory_space<vmem_shared>>
      %dma_start3A_93 = arith.constant 0 : i32
      %dma_start3A_94 = tpu.memref_slice %arg7[%add3A_27, %dma_start3A_93] : memref<10240x128xf32, #tpu.memory_space<vmem_shared>> -> memref<128x128xf32, #tpu.memory_space<vmem_shared>>
      tpu.enqueue_dma source(%arg16 : memref<128x128xf32, #tpu.memory_space<vmem>>) target(%dma_start3A_94 : memref<128x128xf32, #tpu.memory_space<vmem_shared>>) target_semaphore(%run_scoped3A : memref<!tpu.dma_semaphore, #tpu.memory_space<semaphore_mem>>)
      %dma_wait3A_95 = arith.constant 0 : i32
      %dma_wait3A_96 = tpu.memref_slice %arg7[%add3A_27, %dma_wait3A_95] : memref<10240x128xf32, #tpu.memory_space<vmem_shared>> -> memref<128x128xf32, #tpu.memory_space<vmem_shared>>
      %dma_wait3A_97 = arith.constant 0 : i32
      %dma_wait3A_98 = tpu.memref_slice %arg7[%add3A_27, %dma_wait3A_97] : memref<10240x128xf32, #tpu.memory_space<vmem_shared>> -> memref<128x128xf32, #tpu.memory_space<vmem_shared>>
      tpu.wait_dma2 semaphore(%run_scoped3A : memref<!tpu.dma_semaphore, #tpu.memory_space<semaphore_mem>>) src(%arg16 : memref<128x128xf32, #tpu.memory_space<vmem>>) dst(%dma_wait3A_98 : memref<128x128xf32, #tpu.memory_space<vmem_shared>>)
      tpu.yield
    }) : () -> ()
    %barrier3A = arith.constant 0 : index
    tpu.barrier barrier_id(%barrier3A)
    %add3A_28 = arith.constant 0 : i32
    %add3A_29 = arith.addi %mul3A_2, %add3A_28 : i32
    %dma_start3A = tpu.memref_slice %arg3[%add3A_29] : memref<320000xi32, #tpu.memory_space<hbm>> -> memref<80xi32, #tpu.memory_space<hbm>>
    %dma_start3A_30 = tpu.memref_slice %arg3[%add3A_29] : memref<320000xi32, #tpu.memory_space<hbm>> -> memref<80xi32, #tpu.memory_space<hbm>>
    tpu.enqueue_dma source(%dma_start3A_30 : memref<80xi32, #tpu.memory_space<hbm>>) target(%arg8 : memref<80xi32, #tpu.memory_space<vmem>>) target_semaphore(%arg25 : memref<!tpu.dma_semaphore, #tpu.memory_space<semaphore_mem>>)
    %add3A_31 = arith.constant 0 : i32
    %add3A_32 = arith.addi %mul3A_2, %add3A_31 : i32
    %dma_start3A_33 = tpu.memref_slice %arg4[%add3A_32] : memref<320000xi32, #tpu.memory_space<hbm>> -> memref<80xi32, #tpu.memory_space<hbm>>
    %dma_start3A_34 = tpu.memref_slice %arg4[%add3A_32] : memref<320000xi32, #tpu.memory_space<hbm>> -> memref<80xi32, #tpu.memory_space<hbm>>
    tpu.enqueue_dma source(%dma_start3A_34 : memref<80xi32, #tpu.memory_space<hbm>>) target(%arg10 : memref<80xi32, #tpu.memory_space<vmem>>) target_semaphore(%arg23 : memref<!tpu.dma_semaphore, #tpu.memory_space<semaphore_mem>>)
    %add3A_35 = arith.constant 0 : i32
    %add3A_36 = arith.addi %mul3A_2, %add3A_35 : i32
    %dma_start3A_37 = arith.constant 0 : i32
    %dma_start3A_38 = tpu.memref_slice %arg5[%add3A_36, %dma_start3A_37] : memref<320000x16xf32, #tpu.memory_space<hbm>> -> memref<80x16xf32, #tpu.memory_space<hbm>>
    %dma_start3A_39 = arith.constant 0 : i32
    %dma_start3A_40 = tpu.memref_slice %arg5[%add3A_36, %dma_start3A_39] : memref<320000x16xf32, #tpu.memory_space<hbm>> -> memref<80x16xf32, #tpu.memory_space<hbm>>
    tpu.enqueue_dma source(%dma_start3A_40 : memref<80x16xf32, #tpu.memory_space<hbm>>) target(%arg12 : memref<80x16xf32, #tpu.memory_space<vmem>>) target_semaphore(%arg21 : memref<!tpu.dma_semaphore, #tpu.memory_space<semaphore_mem>>)
    %add3A_41 = arith.constant 80 : i32
    %add3A_42 = arith.addi %mul3A_2, %add3A_41 : i32
    %dma_start3A_43 = tpu.memref_slice %arg3[%add3A_42] : memref<320000xi32, #tpu.memory_space<hbm>> -> memref<80xi32, #tpu.memory_space<hbm>>
    %dma_start3A_44 = tpu.memref_slice %arg3[%add3A_42] : memref<320000xi32, #tpu.memory_space<hbm>> -> memref<80xi32, #tpu.memory_space<hbm>>
    tpu.enqueue_dma source(%dma_start3A_44 : memref<80xi32, #tpu.memory_space<hbm>>) target(%arg9 : memref<80xi32, #tpu.memory_space<vmem>>) target_semaphore(%arg26 : memref<!tpu.dma_semaphore, #tpu.memory_space<semaphore_mem>>)
    %add3A_45 = arith.constant 80 : i32
    %add3A_46 = arith.addi %mul3A_2, %add3A_45 : i32
    %dma_start3A_47 = tpu.memref_slice %arg4[%add3A_46] : memref<320000xi32, #tpu.memory_space<hbm>> -> memref<80xi32, #tpu.memory_space<hbm>>
    %dma_start3A_48 = tpu.memref_slice %arg4[%add3A_46] : memref<320000xi32, #tpu.memory_space<hbm>> -> memref<80xi32, #tpu.memory_space<hbm>>
    tpu.enqueue_dma source(%dma_start3A_48 : memref<80xi32, #tpu.memory_space<hbm>>) target(%arg11 : memref<80xi32, #tpu.memory_space<vmem>>) target_semaphore(%arg24 : memref<!tpu.dma_semaphore, #tpu.memory_space<semaphore_mem>>)
    %add3A_49 = arith.constant 80 : i32
    %add3A_50 = arith.addi %mul3A_2, %add3A_49 : i32
    %dma_start3A_51 = arith.constant 0 : i32
    %dma_start3A_52 = tpu.memref_slice %arg5[%add3A_50, %dma_start3A_51] : memref<320000x16xf32, #tpu.memory_space<hbm>> -> memref<80x16xf32, #tpu.memory_space<hbm>>
    %dma_start3A_53 = arith.constant 0 : i32
    %dma_start3A_54 = tpu.memref_slice %arg5[%add3A_50, %dma_start3A_53] : memref<320000x16xf32, #tpu.memory_space<hbm>> -> memref<80x16xf32, #tpu.memory_space<hbm>>
    tpu.enqueue_dma source(%dma_start3A_54 : memref<80x16xf32, #tpu.memory_space<hbm>>) target(%arg13 : memref<80x16xf32, #tpu.memory_space<vmem>>) target_semaphore(%arg22 : memref<!tpu.dma_semaphore, #tpu.memory_space<semaphore_mem>>)
    %add3A_55 = arith.constant 0 : i32
    %add3A_56 = arith.addi %mul3A_2, %add3A_55 : i32
    %dma_wait3A = tpu.memref_slice %arg3[%add3A_56] : memref<320000xi32, #tpu.memory_space<hbm>> -> memref<80xi32, #tpu.memory_space<hbm>>
    %dma_wait3A_57 = tpu.memref_slice %arg3[%add3A_56] : memref<320000xi32, #tpu.memory_space<hbm>> -> memref<80xi32, #tpu.memory_space<hbm>>
    tpu.wait_dma2 semaphore(%arg25 : memref<!tpu.dma_semaphore, #tpu.memory_space<semaphore_mem>>) src(%dma_wait3A_57 : memref<80xi32, #tpu.memory_space<hbm>>) dst(%arg8 : memref<80xi32, #tpu.memory_space<vmem>>)
    %add3A_58 = arith.constant 0 : i32
    %add3A_59 = arith.addi %mul3A_2, %add3A_58 : i32
    %dma_wait3A_60 = tpu.memref_slice %arg4[%add3A_59] : memref<320000xi32, #tpu.memory_space<hbm>> -> memref<80xi32, #tpu.memory_space<hbm>>
    %dma_wait3A_61 = tpu.memref_slice %arg4[%add3A_59] : memref<320000xi32, #tpu.memory_space<hbm>> -> memref<80xi32, #tpu.memory_space<hbm>>
    tpu.wait_dma2 semaphore(%arg23 : memref<!tpu.dma_semaphore, #tpu.memory_space<semaphore_mem>>) src(%dma_wait3A_61 : memref<80xi32, #tpu.memory_space<hbm>>) dst(%arg10 : memref<80xi32, #tpu.memory_space<vmem>>)
    %dma_start3A_62 = arith.constant 0 : i32
    %dma_start3A_63 = arith.constant 0 : i32
    %dma_start3A_64 = tpu.memref_slice %arg2[%dma_start3A_62, %dma_start3A_63] : memref<10000x128xf32, #tpu.memory_space<hbm>> -> memref<10000x128xf32, #tpu.memory_space<hbm>>
    tpu.enqueue_indirect_dma source(%dma_start3A_64 : memref<10000x128xf32, #tpu.memory_space<hbm>>) target(%arg14 : memref<80x128xf32, #tpu.memory_space<vmem>>) offsets(%arg8 : memref<80xi32, #tpu.memory_space<vmem>>) semaphore(%arg17 : memref<!tpu.dma_semaphore, #tpu.memory_space<semaphore_mem>>)
    %scan3A_65 = arith.constant 0 : i32
    %scan3A_66 = arith.constant 0 : i32
    %scan3A_67 = arith.constant 62 : i32
    %scan3A_68 = arith.addi %scan3A_66, %scan3A_67 : i32
    %scan3A_69 = arith.constant 1 : i32
    scf.for %scan3A_91 = %scan3A_66 to %scan3A_68 step %scan3A_69  : i32 {
      %mul3A_92 = arith.constant 2 : i32
      %mul3A_93 = arith.muli %scan3A_91, %mul3A_92 : i32
      %dma_wait3A_94 = arith.constant 0 : i32
      %dma_wait3A_95 = arith.constant 0 : i32
      %dma_wait3A_96 = tpu.memref_slice %arg2[%dma_wait3A_94, %dma_wait3A_95] : memref<10000x128xf32, #tpu.memory_space<hbm>> -> memref<10000x128xf32, #tpu.memory_space<hbm>>
      tpu.wait_indirect_dma semaphore(%arg17 : memref<!tpu.dma_semaphore, #tpu.memory_space<semaphore_mem>>) src(%dma_wait3A_96 : memref<10000x128xf32, #tpu.memory_space<hbm>>) dst(%arg14 : memref<80x128xf32, #tpu.memory_space<vmem>>)
      %mul3A_97 = arith.constant 80 : i32
      %mul3A_98 = arith.muli %mul3A_93, %mul3A_97 : i32
      %add3A_99 = arith.addi %mul3A_2, %mul3A_98 : i32
      %dma_wait3A_100 = arith.constant 0 : i32
      %dma_wait3A_101 = tpu.memref_slice %arg5[%add3A_99, %dma_wait3A_100] : memref<320000x16xf32, #tpu.memory_space<hbm>> -> memref<80x16xf32, #tpu.memory_space<hbm>>
      %dma_wait3A_102 = arith.constant 0 : i32
      %dma_wait3A_103 = tpu.memref_slice %arg5[%add3A_99, %dma_wait3A_102] : memref<320000x16xf32, #tpu.memory_space<hbm>> -> memref<80x16xf32, #tpu.memory_space<hbm>>
      tpu.wait_dma2 semaphore(%arg21 : memref<!tpu.dma_semaphore, #tpu.memory_space<semaphore_mem>>) src(%dma_wait3A_103 : memref<80x16xf32, #tpu.memory_space<hbm>>) dst(%arg12 : memref<80x16xf32, #tpu.memory_space<vmem>>)
      %scan3A_104 = arith.constant 0 : i32
      %scan3A_105 = arith.constant 0 : i32
      %scan3A_106 = arith.constant 80 : i32
      %scan3A_107 = arith.addi %scan3A_105, %scan3A_106 : i32
      %scan3A_108 = arith.constant 1 : i32
      scf.for %scan3A_153 = %scan3A_105 to %scan3A_107 step %scan3A_108  : i32 {
        %get3A = arith.index_cast %scan3A_153 : i32 to index
        %get3A_154 = arith.constant 0 : index
        %get3A_155 = tpu.vector_load %arg12[%get3A, %get3A_154] {strides = array<i32>} : memref<80x16xf32, #tpu.memory_space<vmem>>, vector<1x16xf32>,
        %get3A_156 = vector.shape_cast %get3A_155 : vector<1x16xf32> to vector<16xf32>
        %get3A_157 = arith.index_cast %scan3A_153 : i32 to index
        %get3A_158 = arith.constant 0 : index
        %get3A_159 = tpu.vector_load %arg14[%get3A_157, %get3A_158] {strides = array<i32>} : memref<80x128xf32, #tpu.memory_space<vmem>>, vector<1x16xf32>,
        %get3A_160 = vector.shape_cast %get3A_159 : vector<1x16xf32> to vector<16xf32>
        %mul3A_161 = arith.mulf %get3A_160, %get3A_156 : vector<16xf32>
        %swap3A = arith.index_cast %scan3A_153 : i32 to index
        %swap3A_162 = arith.constant 0 : index
        %swap3A_163 = tpu.vector_load %arg14[%swap3A, %swap3A_162] {strides = array<i32>} : memref<80x128xf32, #tpu.memory_space<vmem>>, vector<1x16xf32>,
        %swap3A_164 = vector.shape_cast %swap3A_163 : vector<1x16xf32> to vector<16xf32>
        %swap3A_165 = vector.shape_cast %mul3A_161 : vector<16xf32> to vector<1x16xf32>
        tpu.vector_store %arg14[%swap3A, %swap3A_162], %swap3A_165 {strides = array<i32>} : memref<80x128xf32, #tpu.memory_space<vmem>>, vector<1x16xf32>,
        %get3A_166 = arith.index_cast %scan3A_153 : i32 to index
        %get3A_167 = arith.constant 16 : index
        %get3A_168 = tpu.vector_load %arg14[%get3A_166, %get3A_167] {strides = array<i32>} : memref<80x128xf32, #tpu.memory_space<vmem>>, vector<1x16xf32>,
        %get3A_169 = vector.shape_cast %get3A_168 : vector<1x16xf32> to vector<16xf32>
        %mul3A_170 = arith.mulf %get3A_169, %get3A_156 : vector<16xf32>
        %swap3A_171 = arith.index_cast %scan3A_153 : i32 to index
        %swap3A_172 = arith.constant 16 : index
        %swap3A_173 = tpu.vector_load %arg14[%swap3A_171, %swap3A_172] {strides = array<i32>} : memref<80x128xf32, #tpu.memory_space<vmem>>, vector<1x16xf32>,
        %swap3A_174 = vector.shape_cast %swap3A_173 : vector<1x16xf32> to vector<16xf32>
        %swap3A_175 = vector.shape_cast %mul3A_170 : vector<16xf32> to vector<1x16xf32>
        tpu.vector_store %arg14[%swap3A_171, %swap3A_172], %swap3A_175 {strides = array<i32>} : memref<80x128xf32, #tpu.memory_space<vmem>>, vector<1x16xf32>,
        %get3A_176 = arith.index_cast %scan3A_153 : i32 to index
        %get3A_177 = arith.constant 32 : index
        %get3A_178 = tpu.vector_load %arg14[%get3A_176, %get3A_177] {strides = array<i32>} : memref<80x128xf32, #tpu.memory_space<vmem>>, vector<1x16xf32>,
        %get3A_179 = vector.shape_cast %get3A_178 : vector<1x16xf32> to vector<16xf32>
        %mul3A_180 = arith.mulf %get3A_179, %get3A_156 : vector<16xf32>
        %swap3A_181 = arith.index_cast %scan3A_153 : i32 to index
        %swap3A_182 = arith.constant 32 : index
        %swap3A_183 = tpu.vector_load %arg14[%swap3A_181, %swap3A_182] {strides = array<i32>} : memref<80x128xf32, #tpu.memory_space<vmem>>, vector<1x16xf32>,
        %swap3A_184 = vector.shape_cast %swap3A_183 : vector<1x16xf32> to vector<16xf32>
        %swap3A_185 = vector.shape_cast %mul3A_180 : vector<16xf32> to vector<1x16xf32>
        tpu.vector_store %arg14[%swap3A_181, %swap3A_182], %swap3A_185 {strides = array<i32>} : memref<80x128xf32, #tpu.memory_space<vmem>>, vector<1x16xf32>,
        %get3A_186 = arith.index_cast %scan3A_153 : i32 to index
        %get3A_187 = arith.constant 48 : index
        %get3A_188 = tpu.vector_load %arg14[%get3A_186, %get3A_187] {strides = array<i32>} : memref<80x128xf32, #tpu.memory_space<vmem>>, vector<1x16xf32>,
        %get3A_189 = vector.shape_cast %get3A_188 : vector<1x16xf32> to vector<16xf32>
        %mul3A_190 = arith.mulf %get3A_189, %get3A_156 : vector<16xf32>
        %swap3A_191 = arith.index_cast %scan3A_153 : i32 to index
        %swap3A_192 = arith.constant 48 : index
        %swap3A_193 = tpu.vector_load %arg14[%swap3A_191, %swap3A_192] {strides = array<i32>} : memref<80x128xf32, #tpu.memory_space<vmem>>, vector<1x16xf32>,
        %swap3A_194 = vector.shape_cast %swap3A_193 : vector<1x16xf32> to vector<16xf32>
        %swap3A_195 = vector.shape_cast %mul3A_190 : vector<16xf32> to vector<1x16xf32>
        tpu.vector_store %arg14[%swap3A_191, %swap3A_192], %swap3A_195 {strides = array<i32>} : memref<80x128xf32, #tpu.memory_space<vmem>>, vector<1x16xf32>,
        %get3A_196 = arith.index_cast %scan3A_153 : i32 to index
        %get3A_197 = arith.constant 64 : index
        %get3A_198 = tpu.vector_load %arg14[%get3A_196, %get3A_197] {strides = array<i32>} : memref<80x128xf32, #tpu.memory_space<vmem>>, vector<1x16xf32>,
        %get3A_199 = vector.shape_cast %get3A_198 : vector<1x16xf32> to vector<16xf32>
        %mul3A_200 = arith.mulf %get3A_199, %get3A_156 : vector<16xf32>
        %swap3A_201 = arith.index_cast %scan3A_153 : i32 to index
        %swap3A_202 = arith.constant 64 : index
        %swap3A_203 = tpu.vector_load %arg14[%swap3A_201, %swap3A_202] {strides = array<i32>} : memref<80x128xf32, #tpu.memory_space<vmem>>, vector<1x16xf32>,
        %swap3A_204 = vector.shape_cast %swap3A_203 : vector<1x16xf32> to vector<16xf32>
        %swap3A_205 = vector.shape_cast %mul3A_200 : vector<16xf32> to vector<1x16xf32>
        tpu.vector_store %arg14[%swap3A_201, %swap3A_202], %swap3A_205 {strides = array<i32>} : memref<80x128xf32, #tpu.memory_space<vmem>>, vector<1x16xf32>,
        %get3A_206 = arith.index_cast %scan3A_153 : i32 to index
        %get3A_207 = arith.constant 80 : index
        %get3A_208 = tpu.vector_load %arg14[%get3A_206, %get3A_207] {strides = array<i32>} : memref<80x128xf32, #tpu.memory_space<vmem>>, vector<1x16xf32>,
        %get3A_209 = vector.shape_cast %get3A_208 : vector<1x16xf32> to vector<16xf32>
        %mul3A_210 = arith.mulf %get3A_209, %get3A_156 : vector<16xf32>
        %swap3A_211 = arith.index_cast %scan3A_153 : i32 to index
        %swap3A_212 = arith.constant 80 : index
        %swap3A_213 = tpu.vector_load %arg14[%swap3A_211, %swap3A_212] {strides = array<i32>} : memref<80x128xf32, #tpu.memory_space<vmem>>, vector<1x16xf32>,
        %swap3A_214 = vector.shape_cast %swap3A_213 : vector<1x16xf32> to vector<16xf32>
        %swap3A_215 = vector.shape_cast %mul3A_210 : vector<16xf32> to vector<1x16xf32>
        tpu.vector_store %arg14[%swap3A_211, %swap3A_212], %swap3A_215 {strides = array<i32>} : memref<80x128xf32, #tpu.memory_space<vmem>>, vector<1x16xf32>,
        %get3A_216 = arith.index_cast %scan3A_153 : i32 to index
        %get3A_217 = arith.constant 96 : index
        %get3A_218 = tpu.vector_load %arg14[%get3A_216, %get3A_217] {strides = array<i32>} : memref<80x128xf32, #tpu.memory_space<vmem>>, vector<1x16xf32>,
        %get3A_219 = vector.shape_cast %get3A_218 : vector<1x16xf32> to vector<16xf32>
        %mul3A_220 = arith.mulf %get3A_219, %get3A_156 : vector<16xf32>
        %swap3A_221 = arith.index_cast %scan3A_153 : i32 to index
        %swap3A_222 = arith.constant 96 : index
        %swap3A_223 = tpu.vector_load %arg14[%swap3A_221, %swap3A_222] {strides = array<i32>} : memref<80x128xf32, #tpu.memory_space<vmem>>, vector<1x16xf32>,
        %swap3A_224 = vector.shape_cast %swap3A_223 : vector<1x16xf32> to vector<16xf32>
        %swap3A_225 = vector.shape_cast %mul3A_220 : vector<16xf32> to vector<1x16xf32>
        tpu.vector_store %arg14[%swap3A_221, %swap3A_222], %swap3A_225 {strides = array<i32>} : memref<80x128xf32, #tpu.memory_space<vmem>>, vector<1x16xf32>,
        %get3A_226 = arith.index_cast %scan3A_153 : i32 to index
        %get3A_227 = arith.constant 112 : index
        %get3A_228 = tpu.vector_load %arg14[%get3A_226, %get3A_227] {strides = array<i32>} : memref<80x128xf32, #tpu.memory_space<vmem>>, vector<1x16xf32>,
        %get3A_229 = vector.shape_cast %get3A_228 : vector<1x16xf32> to vector<16xf32>
        %mul3A_230 = arith.mulf %get3A_229, %get3A_156 : vector<16xf32>
        %swap3A_231 = arith.index_cast %scan3A_153 : i32 to index
        %swap3A_232 = arith.constant 112 : index
        %swap3A_233 = tpu.vector_load %arg14[%swap3A_231, %swap3A_232] {strides = array<i32>} : memref<80x128xf32, #tpu.memory_space<vmem>>, vector<1x16xf32>,
        %swap3A_234 = vector.shape_cast %swap3A_233 : vector<1x16xf32> to vector<16xf32>
        %swap3A_235 = vector.shape_cast %mul3A_230 : vector<16xf32> to vector<1x16xf32>
        tpu.vector_store %arg14[%swap3A_231, %swap3A_232], %swap3A_235 {strides = array<i32>} : memref<80x128xf32, #tpu.memory_space<vmem>>, vector<1x16xf32>,
      }
      %scan3A_109 = arith.constant 80 : i32
      "tpu.region"() ({
        %run_scoped3A = tpu.sem_alloc : memref<!tpu.dma_semaphore, #tpu.memory_space<semaphore_mem>>
        %dma_start3A_153 = arith.constant 0 : i32
        %dma_start3A_154 = arith.constant 0 : i32
        %dma_start3A_155 = tpu.memref_slice %arg7[%dma_start3A_153, %dma_start3A_154] : memref<10240x128xf32, #tpu.memory_space<vmem_shared>> -> memref<10240x128xf32, #tpu.memory_space<vmem_shared>>
        tpu.enqueue_indirect_dma source(%arg14 : memref<80x128xf32, #tpu.memory_space<vmem>>) target(%dma_start3A_155 : memref<10240x128xf32, #tpu.memory_space<vmem_shared>>) offsets(%arg10 : memref<80xi32, #tpu.memory_space<vmem>>) semaphore(%run_scoped3A : memref<!tpu.dma_semaphore, #tpu.memory_space<semaphore_mem>>) {add = true}
        %dma_wait3A_156 = arith.constant 0 : i32
        %dma_wait3A_157 = arith.constant 0 : i32
        %dma_wait3A_158 = tpu.memref_slice %arg7[%dma_wait3A_156, %dma_wait3A_157] : memref<10240x128xf32, #tpu.memory_space<vmem_shared>> -> memref<10240x128xf32, #tpu.memory_space<vmem_shared>>
        tpu.wait_indirect_dma semaphore(%run_scoped3A : memref<!tpu.dma_semaphore, #tpu.memory_space<semaphore_mem>>) src(%arg14 : memref<80x128xf32, #tpu.memory_space<vmem>>) dst(%dma_wait3A_158 : memref<10240x128xf32, #tpu.memory_space<vmem_shared>>)
        tpu.yield
      }) : () -> ()
      %add3A_110 = arith.constant 1 : i32
      %add3A_111 = arith.addi %mul3A_93, %add3A_110 : i32
      %lt3A = arith.constant 125 : i32
      %lt3A_112 = arith.cmpi slt, %add3A_111, %lt3A : i32
      %convert_element_type3A = arith.extui %lt3A_112 : i1 to i32
      %cond3A = arith.constant 0 : i32
      %cond3A_113 = arith.cmpi ne, %convert_element_type3A, %cond3A : i32
      scf.if %cond3A_113 {
        %add3A_153 = arith.constant 1 : i32
        %add3A_154 = arith.addi %mul3A_93, %add3A_153 : i32
        %mul3A_155 = arith.constant 80 : i32
        %mul3A_156 = arith.muli %add3A_154, %mul3A_155 : i32
        %add3A_157 = arith.addi %mul3A_2, %mul3A_156 : i32
        %dma_wait3A_158 = tpu.memref_slice %arg3[%add3A_157] : memref<320000xi32, #tpu.memory_space<hbm>> -> memref<80xi32, #tpu.memory_space<hbm>>
        %dma_wait3A_159 = tpu.memref_slice %arg3[%add3A_157] : memref<320000xi32, #tpu.memory_space<hbm>> -> memref<80xi32, #tpu.memory_space<hbm>>
        tpu.wait_dma2 semaphore(%arg26 : memref<!tpu.dma_semaphore, #tpu.memory_space<semaphore_mem>>) src(%dma_wait3A_159 : memref<80xi32, #tpu.memory_space<hbm>>) dst(%arg9 : memref<80xi32, #tpu.memory_space<vmem>>)
        %add3A_160 = arith.constant 1 : i32
        %add3A_161 = arith.addi %mul3A_93, %add3A_160 : i32
        %mul3A_162 = arith.constant 80 : i32
        %mul3A_163 = arith.muli %add3A_161, %mul3A_162 : i32
        %add3A_164 = arith.addi %mul3A_2, %mul3A_163 : i32
        %dma_wait3A_165 = tpu.memref_slice %arg4[%add3A_164] : memref<320000xi32, #tpu.memory_space<hbm>> -> memref<80xi32, #tpu.memory_space<hbm>>
        %dma_wait3A_166 = tpu.memref_slice %arg4[%add3A_164] : memref<320000xi32, #tpu.memory_space<hbm>> -> memref<80xi32, #tpu.memory_space<hbm>>
        tpu.wait_dma2 semaphore(%arg24 : memref<!tpu.dma_semaphore, #tpu.memory_space<semaphore_mem>>) src(%dma_wait3A_166 : memref<80xi32, #tpu.memory_space<hbm>>) dst(%arg11 : memref<80xi32, #tpu.memory_space<vmem>>)
        %add3A_167 = arith.constant 1 : i32
        %add3A_168 = arith.addi %mul3A_93, %add3A_167 : i32
        %dma_start3A_169 = arith.constant 0 : i32
        %dma_start3A_170 = arith.constant 0 : i32
        %dma_start3A_171 = tpu.memref_slice %arg2[%dma_start3A_169, %dma_start3A_170] : memref<10000x128xf32, #tpu.memory_space<hbm>> -> memref<10000x128xf32, #tpu.memory_space<hbm>>
        tpu.enqueue_indirect_dma source(%dma_start3A_171 : memref<10000x128xf32, #tpu.memory_space<hbm>>) target(%arg15 : memref<80x128xf32, #tpu.memory_space<vmem>>) offsets(%arg9 : memref<80xi32, #tpu.memory_space<vmem>>) semaphore(%arg18 : memref<!tpu.dma_semaphore, #tpu.memory_space<semaphore_mem>>)
      } else {
      }
      %add3A_114 = arith.constant 2 : i32
      %add3A_115 = arith.addi %mul3A_93, %add3A_114 : i32
      %lt3A_116 = arith.constant 125 : i32
      %lt3A_117 = arith.cmpi slt, %add3A_115, %lt3A_116 : i32
      %convert_element_type3A_118 = arith.extui %lt3A_117 : i1 to i32
      %cond3A_119 = arith.constant 0 : i32
      %cond3A_120 = arith.cmpi ne, %convert_element_type3A_118, %cond3A_119 : i32
      scf.if %cond3A_120 {
        %add3A_153 = arith.constant 2 : i32
        %add3A_154 = arith.addi %mul3A_93, %add3A_153 : i32
        %mul3A_155 = arith.constant 80 : i32
        %mul3A_156 = arith.muli %add3A_154, %mul3A_155 : i32
        %add3A_157 = arith.addi %mul3A_2, %mul3A_156 : i32
        %dma_start3A_158 = tpu.memref_slice %arg3[%add3A_157] : memref<320000xi32, #tpu.memory_space<hbm>> -> memref<80xi32, #tpu.memory_space<hbm>>
        %dma_start3A_159 = tpu.memref_slice %arg3[%add3A_157] : memref<320000xi32, #tpu.memory_space<hbm>> -> memref<80xi32, #tpu.memory_space<hbm>>
        tpu.enqueue_dma source(%dma_start3A_159 : memref<80xi32, #tpu.memory_space<hbm>>) target(%arg8 : memref<80xi32, #tpu.memory_space<vmem>>) target_semaphore(%arg25 : memref<!tpu.dma_semaphore, #tpu.memory_space<semaphore_mem>>)
        %add3A_160 = arith.constant 2 : i32
        %add3A_161 = arith.addi %mul3A_93, %add3A_160 : i32
        %mul3A_162 = arith.constant 80 : i32
        %mul3A_163 = arith.muli %add3A_161, %mul3A_162 : i32
        %add3A_164 = arith.addi %mul3A_2, %mul3A_163 : i32
        %dma_start3A_165 = tpu.memref_slice %arg4[%add3A_164] : memref<320000xi32, #tpu.memory_space<hbm>> -> memref<80xi32, #tpu.memory_space<hbm>>
        %dma_start3A_166 = tpu.memref_slice %arg4[%add3A_164] : memref<320000xi32, #tpu.memory_space<hbm>> -> memref<80xi32, #tpu.memory_space<hbm>>
        tpu.enqueue_dma source(%dma_start3A_166 : memref<80xi32, #tpu.memory_space<hbm>>) target(%arg10 : memref<80xi32, #tpu.memory_space<vmem>>) target_semaphore(%arg23 : memref<!tpu.dma_semaphore, #tpu.memory_space<semaphore_mem>>)
        %add3A_167 = arith.constant 2 : i32
        %add3A_168 = arith.addi %mul3A_93, %add3A_167 : i32
        %mul3A_169 = arith.constant 80 : i32
        %mul3A_170 = arith.muli %add3A_168, %mul3A_169 : i32
        %add3A_171 = arith.addi %mul3A_2, %mul3A_170 : i32
        %dma_start3A_172 = arith.constant 0 : i32
        %dma_start3A_173 = tpu.memref_slice %arg5[%add3A_171, %dma_start3A_172] : memref<320000x16xf32, #tpu.memory_space<hbm>> -> memref<80x16xf32, #tpu.memory_space<hbm>>
        %dma_start3A_174 = arith.constant 0 : i32
        %dma_start3A_175 = tpu.memref_slice %arg5[%add3A_171, %dma_start3A_174] : memref<320000x16xf32, #tpu.memory_space<hbm>> -> memref<80x16xf32, #tpu.memory_space<hbm>>
        tpu.enqueue_dma source(%dma_start3A_175 : memref<80x16xf32, #tpu.memory_space<hbm>>) target(%arg12 : memref<80x16xf32, #tpu.memory_space<vmem>>) target_semaphore(%arg21 : memref<!tpu.dma_semaphore, #tpu.memory_space<semaphore_mem>>)
      } else {
      }
      %add3A_121 = arith.constant 1 : i32
      %add3A_122 = arith.addi %mul3A_93, %add3A_121 : i32
      %dma_wait3A_123 = arith.constant 0 : i32
      %dma_wait3A_124 = arith.constant 0 : i32
      %dma_wait3A_125 = tpu.memref_slice %arg2[%dma_wait3A_123, %dma_wait3A_124] : memref<10000x128xf32, #tpu.memory_space<hbm>> -> memref<10000x128xf32, #tpu.memory_space<hbm>>
      tpu.wait_indirect_dma semaphore(%arg18 : memref<!tpu.dma_semaphore, #tpu.memory_space<semaphore_mem>>) src(%dma_wait3A_125 : memref<10000x128xf32, #tpu.memory_space<hbm>>) dst(%arg15 : memref<80x128xf32, #tpu.memory_space<vmem>>)
      %mul3A_126 = arith.constant 80 : i32
      %mul3A_127 = arith.muli %add3A_122, %mul3A_126 : i32
      %add3A_128 = arith.addi %mul3A_2, %mul3A_127 : i32
      %dma_wait3A_129 = arith.constant 0 : i32
      %dma_wait3A_130 = tpu.memref_slice %arg5[%add3A_128, %dma_wait3A_129] : memref<320000x16xf32, #tpu.memory_space<hbm>> -> memref<80x16xf32, #tpu.memory_space<hbm>>
      %dma_wait3A_131 = arith.constant 0 : i32
      %dma_wait3A_132 = tpu.memref_slice %arg5[%add3A_128, %dma_wait3A_131] : memref<320000x16xf32, #tpu.memory_space<hbm>> -> memref<80x16xf32, #tpu.memory_space<hbm>>
      tpu.wait_dma2 semaphore(%arg22 : memref<!tpu.dma_semaphore, #tpu.memory_space<semaphore_mem>>) src(%dma_wait3A_132 : memref<80x16xf32, #tpu.memory_space<hbm>>) dst(%arg13 : memref<80x16xf32, #tpu.memory_space<vmem>>)
      %scan3A_133 = arith.constant 0 : i32
      %scan3A_134 = arith.constant 0 : i32
      %scan3A_135 = arith.constant 80 : i32
      %scan3A_136 = arith.addi %scan3A_134, %scan3A_135 : i32
      %scan3A_137 = arith.constant 1 : i32
      scf.for %scan3A_153 = %scan3A_134 to %scan3A_136 step %scan3A_137  : i32 {
        %get3A = arith.index_cast %scan3A_153 : i32 to index
        %get3A_154 = arith.constant 0 : index
        %get3A_155 = tpu.vector_load %arg13[%get3A, %get3A_154] {strides = array<i32>} : memref<80x16xf32, #tpu.memory_space<vmem>>, vector<1x16xf32>,
        %get3A_156 = vector.shape_cast %get3A_155 : vector<1x16xf32> to vector<16xf32>
        %get3A_157 = arith.index_cast %scan3A_153 : i32 to index
        %get3A_158 = arith.constant 0 : index
        %get3A_159 = tpu.vector_load %arg15[%get3A_157, %get3A_158] {strides = array<i32>} : memref<80x128xf32, #tpu.memory_space<vmem>>, vector<1x16xf32>,
        %get3A_160 = vector.shape_cast %get3A_159 : vector<1x16xf32> to vector<16xf32>
        %mul3A_161 = arith.mulf %get3A_160, %get3A_156 : vector<16xf32>
        %swap3A = arith.index_cast %scan3A_153 : i32 to index
        %swap3A_162 = arith.constant 0 : index
        %swap3A_163 = tpu.vector_load %arg15[%swap3A, %swap3A_162] {strides = array<i32>} : memref<80x128xf32, #tpu.memory_space<vmem>>, vector<1x16xf32>,
        %swap3A_164 = vector.shape_cast %swap3A_163 : vector<1x16xf32> to vector<16xf32>
        %swap3A_165 = vector.shape_cast %mul3A_161 : vector<16xf32> to vector<1x16xf32>
        tpu.vector_store %arg15[%swap3A, %swap3A_162], %swap3A_165 {strides = array<i32>} : memref<80x128xf32, #tpu.memory_space<vmem>>, vector<1x16xf32>,
        %get3A_166 = arith.index_cast %scan3A_153 : i32 to index
        %get3A_167 = arith.constant 16 : index
        %get3A_168 = tpu.vector_load %arg15[%get3A_166, %get3A_167] {strides = array<i32>} : memref<80x128xf32, #tpu.memory_space<vmem>>, vector<1x16xf32>,
        %get3A_169 = vector.shape_cast %get3A_168 : vector<1x16xf32> to vector<16xf32>
        %mul3A_170 = arith.mulf %get3A_169, %get3A_156 : vector<16xf32>
        %swap3A_171 = arith.index_cast %scan3A_153 : i32 to index
        %swap3A_172 = arith.constant 16 : index
        %swap3A_173 = tpu.vector_load %arg15[%swap3A_171, %swap3A_172] {strides = array<i32>} : memref<80x128xf32, #tpu.memory_space<vmem>>, vector<1x16xf32>,
        %swap3A_174 = vector.shape_cast %swap3A_173 : vector<1x16xf32> to vector<16xf32>
        %swap3A_175 = vector.shape_cast %mul3A_170 : vector<16xf32> to vector<1x16xf32>
        tpu.vector_store %arg15[%swap3A_171, %swap3A_172], %swap3A_175 {strides = array<i32>} : memref<80x128xf32, #tpu.memory_space<vmem>>, vector<1x16xf32>,
        %get3A_176 = arith.index_cast %scan3A_153 : i32 to index
        %get3A_177 = arith.constant 32 : index
        %get3A_178 = tpu.vector_load %arg15[%get3A_176, %get3A_177] {strides = array<i32>} : memref<80x128xf32, #tpu.memory_space<vmem>>, vector<1x16xf32>,
        %get3A_179 = vector.shape_cast %get3A_178 : vector<1x16xf32> to vector<16xf32>
        %mul3A_180 = arith.mulf %get3A_179, %get3A_156 : vector<16xf32>
        %swap3A_181 = arith.index_cast %scan3A_153 : i32 to index
        %swap3A_182 = arith.constant 32 : index
        %swap3A_183 = tpu.vector_load %arg15[%swap3A_181, %swap3A_182] {strides = array<i32>} : memref<80x128xf32, #tpu.memory_space<vmem>>, vector<1x16xf32>,
        %swap3A_184 = vector.shape_cast %swap3A_183 : vector<1x16xf32> to vector<16xf32>
        %swap3A_185 = vector.shape_cast %mul3A_180 : vector<16xf32> to vector<1x16xf32>
        tpu.vector_store %arg15[%swap3A_181, %swap3A_182], %swap3A_185 {strides = array<i32>} : memref<80x128xf32, #tpu.memory_space<vmem>>, vector<1x16xf32>,
        %get3A_186 = arith.index_cast %scan3A_153 : i32 to index
        %get3A_187 = arith.constant 48 : index
        %get3A_188 = tpu.vector_load %arg15[%get3A_186, %get3A_187] {strides = array<i32>} : memref<80x128xf32, #tpu.memory_space<vmem>>, vector<1x16xf32>,
        %get3A_189 = vector.shape_cast %get3A_188 : vector<1x16xf32> to vector<16xf32>
        %mul3A_190 = arith.mulf %get3A_189, %get3A_156 : vector<16xf32>
        %swap3A_191 = arith.index_cast %scan3A_153 : i32 to index
        %swap3A_192 = arith.constant 48 : index
        %swap3A_193 = tpu.vector_load %arg15[%swap3A_191, %swap3A_192] {strides = array<i32>} : memref<80x128xf32, #tpu.memory_space<vmem>>, vector<1x16xf32>,
        %swap3A_194 = vector.shape_cast %swap3A_193 : vector<1x16xf32> to vector<16xf32>
        %swap3A_195 = vector.shape_cast %mul3A_190 : vector<16xf32> to vector<1x16xf32>
        tpu.vector_store %arg15[%swap3A_191, %swap3A_192], %swap3A_195 {strides = array<i32>} : memref<80x128xf32, #tpu.memory_space<vmem>>, vector<1x16xf32>,
        %get3A_196 = arith.index_cast %scan3A_153 : i32 to index
        %get3A_197 = arith.constant 64 : index
        %get3A_198 = tpu.vector_load %arg15[%get3A_196, %get3A_197] {strides = array<i32>} : memref<80x128xf32, #tpu.memory_space<vmem>>, vector<1x16xf32>,
        %get3A_199 = vector.shape_cast %get3A_198 : vector<1x16xf32> to vector<16xf32>
        %mul3A_200 = arith.mulf %get3A_199, %get3A_156 : vector<16xf32>
        %swap3A_201 = arith.index_cast %scan3A_153 : i32 to index
        %swap3A_202 = arith.constant 64 : index
        %swap3A_203 = tpu.vector_load %arg15[%swap3A_201, %swap3A_202] {strides = array<i32>} : memref<80x128xf32, #tpu.memory_space<vmem>>, vector<1x16xf32>,
        %swap3A_204 = vector.shape_cast %swap3A_203 : vector<1x16xf32> to vector<16xf32>
        %swap3A_205 = vector.shape_cast %mul3A_200 : vector<16xf32> to vector<1x16xf32>
        tpu.vector_store %arg15[%swap3A_201, %swap3A_202], %swap3A_205 {strides = array<i32>} : memref<80x128xf32, #tpu.memory_space<vmem>>, vector<1x16xf32>,
        %get3A_206 = arith.index_cast %scan3A_153 : i32 to index
        %get3A_207 = arith.constant 80 : index
        %get3A_208 = tpu.vector_load %arg15[%get3A_206, %get3A_207] {strides = array<i32>} : memref<80x128xf32, #tpu.memory_space<vmem>>, vector<1x16xf32>,
        %get3A_209 = vector.shape_cast %get3A_208 : vector<1x16xf32> to vector<16xf32>
        %mul3A_210 = arith.mulf %get3A_209, %get3A_156 : vector<16xf32>
        %swap3A_211 = arith.index_cast %scan3A_153 : i32 to index
        %swap3A_212 = arith.constant 80 : index
        %swap3A_213 = tpu.vector_load %arg15[%swap3A_211, %swap3A_212] {strides = array<i32>} : memref<80x128xf32, #tpu.memory_space<vmem>>, vector<1x16xf32>,
        %swap3A_214 = vector.shape_cast %swap3A_213 : vector<1x16xf32> to vector<16xf32>
        %swap3A_215 = vector.shape_cast %mul3A_210 : vector<16xf32> to vector<1x16xf32>
        tpu.vector_store %arg15[%swap3A_211, %swap3A_212], %swap3A_215 {strides = array<i32>} : memref<80x128xf32, #tpu.memory_space<vmem>>, vector<1x16xf32>,
        %get3A_216 = arith.index_cast %scan3A_153 : i32 to index
        %get3A_217 = arith.constant 96 : index
        %get3A_218 = tpu.vector_load %arg15[%get3A_216, %get3A_217] {strides = array<i32>} : memref<80x128xf32, #tpu.memory_space<vmem>>, vector<1x16xf32>,
        %get3A_219 = vector.shape_cast %get3A_218 : vector<1x16xf32> to vector<16xf32>
        %mul3A_220 = arith.mulf %get3A_219, %get3A_156 : vector<16xf32>
        %swap3A_221 = arith.index_cast %scan3A_153 : i32 to index
        %swap3A_222 = arith.constant 96 : index
        %swap3A_223 = tpu.vector_load %arg15[%swap3A_221, %swap3A_222] {strides = array<i32>} : memref<80x128xf32, #tpu.memory_space<vmem>>, vector<1x16xf32>,
        %swap3A_224 = vector.shape_cast %swap3A_223 : vector<1x16xf32> to vector<16xf32>
        %swap3A_225 = vector.shape_cast %mul3A_220 : vector<16xf32> to vector<1x16xf32>
        tpu.vector_store %arg15[%swap3A_221, %swap3A_222], %swap3A_225 {strides = array<i32>} : memref<80x128xf32, #tpu.memory_space<vmem>>, vector<1x16xf32>,
        %get3A_226 = arith.index_cast %scan3A_153 : i32 to index
        %get3A_227 = arith.constant 112 : index
        %get3A_228 = tpu.vector_load %arg15[%get3A_226, %get3A_227] {strides = array<i32>} : memref<80x128xf32, #tpu.memory_space<vmem>>, vector<1x16xf32>,
        %get3A_229 = vector.shape_cast %get3A_228 : vector<1x16xf32> to vector<16xf32>
        %mul3A_230 = arith.mulf %get3A_229, %get3A_156 : vector<16xf32>
        %swap3A_231 = arith.index_cast %scan3A_153 : i32 to index
        %swap3A_232 = arith.constant 112 : index
        %swap3A_233 = tpu.vector_load %arg15[%swap3A_231, %swap3A_232] {strides = array<i32>} : memref<80x128xf32, #tpu.memory_space<vmem>>, vector<1x16xf32>,
        %swap3A_234 = vector.shape_cast %swap3A_233 : vector<1x16xf32> to vector<16xf32>
        %swap3A_235 = vector.shape_cast %mul3A_230 : vector<16xf32> to vector<1x16xf32>
        tpu.vector_store %arg15[%swap3A_231, %swap3A_232], %swap3A_235 {strides = array<i32>} : memref<80x128xf32, #tpu.memory_space<vmem>>, vector<1x16xf32>,
      }
      %scan3A_138 = arith.constant 80 : i32
      "tpu.region"() ({
        %run_scoped3A = tpu.sem_alloc : memref<!tpu.dma_semaphore, #tpu.memory_space<semaphore_mem>>
        %dma_start3A_153 = arith.constant 0 : i32
        %dma_start3A_154 = arith.constant 0 : i32
        %dma_start3A_155 = tpu.memref_slice %arg7[%dma_start3A_153, %dma_start3A_154] : memref<10240x128xf32, #tpu.memory_space<vmem_shared>> -> memref<10240x128xf32, #tpu.memory_space<vmem_shared>>
        tpu.enqueue_indirect_dma source(%arg15 : memref<80x128xf32, #tpu.memory_space<vmem>>) target(%dma_start3A_155 : memref<10240x128xf32, #tpu.memory_space<vmem_shared>>) offsets(%arg11 : memref<80xi32, #tpu.memory_space<vmem>>) semaphore(%run_scoped3A : memref<!tpu.dma_semaphore, #tpu.memory_space<semaphore_mem>>) {add = true}
        %dma_wait3A_156 = arith.constant 0 : i32
        %dma_wait3A_157 = arith.constant 0 : i32
        %dma_wait3A_158 = tpu.memref_slice %arg7[%dma_wait3A_156, %dma_wait3A_157] : memref<10240x128xf32, #tpu.memory_space<vmem_shared>> -> memref<10240x128xf32, #tpu.memory_space<vmem_shared>>
        tpu.wait_indirect_dma semaphore(%run_scoped3A : memref<!tpu.dma_semaphore, #tpu.memory_space<semaphore_mem>>) src(%arg15 : memref<80x128xf32, #tpu.memory_space<vmem>>) dst(%dma_wait3A_158 : memref<10240x128xf32, #tpu.memory_space<vmem_shared>>)
        tpu.yield
      }) : () -> ()
      %add3A_139 = arith.constant 1 : i32
      %add3A_140 = arith.addi %add3A_122, %add3A_139 : i32
      %lt3A_141 = arith.constant 125 : i32
      %lt3A_142 = arith.cmpi slt, %add3A_140, %lt3A_141 : i32
      %convert_element_type3A_143 = arith.extui %lt3A_142 : i1 to i32
      %cond3A_144 = arith.constant 0 : i32
      %cond3A_145 = arith.cmpi ne, %convert_element_type3A_143, %cond3A_144 : i32
      scf.if %cond3A_145 {
        %add3A_153 = arith.constant 1 : i32
        %add3A_154 = arith.addi %add3A_122, %add3A_153 : i32
        %mul3A_155 = arith.constant 80 : i32
        %mul3A_156 = arith.muli %add3A_154, %mul3A_155 : i32
        %add3A_157 = arith.addi %mul3A_2, %mul3A_156 : i32
        %dma_wait3A_158 = tpu.memref_slice %arg3[%add3A_157] : memref<320000xi32, #tpu.memory_space<hbm>> -> memref<80xi32, #tpu.memory_space<hbm>>
        %dma_wait3A_159 = tpu.memref_slice %arg3[%add3A_157] : memref<320000xi32, #tpu.memory_space<hbm>> -> memref<80xi32, #tpu.memory_space<hbm>>
        tpu.wait_dma2 semaphore(%arg25 : memref<!tpu.dma_semaphore, #tpu.memory_space<semaphore_mem>>) src(%dma_wait3A_159 : memref<80xi32, #tpu.memory_space<hbm>>) dst(%arg8 : memref<80xi32, #tpu.memory_space<vmem>>)
        %add3A_160 = arith.constant 1 : i32
        %add3A_161 = arith.addi %add3A_122, %add3A_160 : i32
        %mul3A_162 = arith.constant 80 : i32
        %mul3A_163 = arith.muli %add3A_161, %mul3A_162 : i32
        %add3A_164 = arith.addi %mul3A_2, %mul3A_163 : i32
        %dma_wait3A_165 = tpu.memref_slice %arg4[%add3A_164] : memref<320000xi32, #tpu.memory_space<hbm>> -> memref<80xi32, #tpu.memory_space<hbm>>
        %dma_wait3A_166 = tpu.memref_slice %arg4[%add3A_164] : memref<320000xi32, #tpu.memory_space<hbm>> -> memref<80xi32, #tpu.memory_space<hbm>>
        tpu.wait_dma2 semaphore(%arg23 : memref<!tpu.dma_semaphore, #tpu.memory_space<semaphore_mem>>) src(%dma_wait3A_166 : memref<80xi32, #tpu.memory_space<hbm>>) dst(%arg10 : memref<80xi32, #tpu.memory_space<vmem>>)
        %add3A_167 = arith.constant 1 : i32
        %add3A_168 = arith.addi %add3A_122, %add3A_167 : i32
        %dma_start3A_169 = arith.constant 0 : i32
        %dma_start3A_170 = arith.constant 0 : i32
        %dma_start3A_171 = tpu.memref_slice %arg2[%dma_start3A_169, %dma_start3A_170] : memref<10000x128xf32, #tpu.memory_space<hbm>> -> memref<10000x128xf32, #tpu.memory_space<hbm>>
        tpu.enqueue_indirect_dma source(%dma_start3A_171 : memref<10000x128xf32, #tpu.memory_space<hbm>>) target(%arg14 : memref<80x128xf32, #tpu.memory_space<vmem>>) offsets(%arg8 : memref<80xi32, #tpu.memory_space<vmem>>) semaphore(%arg17 : memref<!tpu.dma_semaphore, #tpu.memory_space<semaphore_mem>>)
      } else {
      }
      %add3A_146 = arith.constant 2 : i32
      %add3A_147 = arith.addi %add3A_122, %add3A_146 : i32
      %lt3A_148 = arith.constant 125 : i32
      %lt3A_149 = arith.cmpi slt, %add3A_147, %lt3A_148 : i32
      %convert_element_type3A_150 = arith.extui %lt3A_149 : i1 to i32
      %cond3A_151 = arith.constant 0 : i32
      %cond3A_152 = arith.cmpi ne, %convert_element_type3A_150, %cond3A_151 : i32
      scf.if %cond3A_152 {
        %add3A_153 = arith.constant 2 : i32
        %add3A_154 = arith.addi %add3A_122, %add3A_153 : i32
        %mul3A_155 = arith.constant 80 : i32
        %mul3A_156 = arith.muli %add3A_154, %mul3A_155 : i32
        %add3A_157 = arith.addi %mul3A_2, %mul3A_156 : i32
        %dma_start3A_158 = tpu.memref_slice %arg3[%add3A_157] : memref<320000xi32, #tpu.memory_space<hbm>> -> memref<80xi32, #tpu.memory_space<hbm>>
        %dma_start3A_159 = tpu.memref_slice %arg3[%add3A_157] : memref<320000xi32, #tpu.memory_space<hbm>> -> memref<80xi32, #tpu.memory_space<hbm>>
        tpu.enqueue_dma source(%dma_start3A_159 : memref<80xi32, #tpu.memory_space<hbm>>) target(%arg9 : memref<80xi32, #tpu.memory_space<vmem>>) target_semaphore(%arg26 : memref<!tpu.dma_semaphore, #tpu.memory_space<semaphore_mem>>)
        %add3A_160 = arith.constant 2 : i32
        %add3A_161 = arith.addi %add3A_122, %add3A_160 : i32
        %mul3A_162 = arith.constant 80 : i32
        %mul3A_163 = arith.muli %add3A_161, %mul3A_162 : i32
        %add3A_164 = arith.addi %mul3A_2, %mul3A_163 : i32
        %dma_start3A_165 = tpu.memref_slice %arg4[%add3A_164] : memref<320000xi32, #tpu.memory_space<hbm>> -> memref<80xi32, #tpu.memory_space<hbm>>
        %dma_start3A_166 = tpu.memref_slice %arg4[%add3A_164] : memref<320000xi32, #tpu.memory_space<hbm>> -> memref<80xi32, #tpu.memory_space<hbm>>
        tpu.enqueue_dma source(%dma_start3A_166 : memref<80xi32, #tpu.memory_space<hbm>>) target(%arg11 : memref<80xi32, #tpu.memory_space<vmem>>) target_semaphore(%arg24 : memref<!tpu.dma_semaphore, #tpu.memory_space<semaphore_mem>>)
        %add3A_167 = arith.constant 2 : i32
        %add3A_168 = arith.addi %add3A_122, %add3A_167 : i32
        %mul3A_169 = arith.constant 80 : i32
        %mul3A_170 = arith.muli %add3A_168, %mul3A_169 : i32
        %add3A_171 = arith.addi %mul3A_2, %mul3A_170 : i32
        %dma_start3A_172 = arith.constant 0 : i32
        %dma_start3A_173 = tpu.memref_slice %arg5[%add3A_171, %dma_start3A_172] : memref<320000x16xf32, #tpu.memory_space<hbm>> -> memref<80x16xf32, #tpu.memory_space<hbm>>
        %dma_start3A_174 = arith.constant 0 : i32
        %dma_start3A_175 = tpu.memref_slice %arg5[%add3A_171, %dma_start3A_174] : memref<320000x16xf32, #tpu.memory_space<hbm>> -> memref<80x16xf32, #tpu.memory_space<hbm>>
        tpu.enqueue_dma source(%dma_start3A_175 : memref<80x16xf32, #tpu.memory_space<hbm>>) target(%arg13 : memref<80x16xf32, #tpu.memory_space<vmem>>) target_semaphore(%arg22 : memref<!tpu.dma_semaphore, #tpu.memory_space<semaphore_mem>>)
      } else {
      }
    }
    %scan3A_70 = arith.constant 62 : i32
    %dma_wait3A_71 = arith.constant 0 : i32
    %dma_wait3A_72 = arith.constant 0 : i32
    %dma_wait3A_73 = tpu.memref_slice %arg2[%dma_wait3A_71, %dma_wait3A_72] : memref<10000x128xf32, #tpu.memory_space<hbm>> -> memref<10000x128xf32, #tpu.memory_space<hbm>>
    tpu.wait_indirect_dma semaphore(%arg17 : memref<!tpu.dma_semaphore, #tpu.memory_space<semaphore_mem>>) src(%dma_wait3A_73 : memref<10000x128xf32, #tpu.memory_space<hbm>>) dst(%arg14 : memref<80x128xf32, #tpu.memory_space<vmem>>)
    %add3A_74 = arith.constant 9920 : i32
    %add3A_75 = arith.addi %mul3A_2, %add3A_74 : i32
    %dma_wait3A_76 = arith.constant 0 : i32
    %dma_wait3A_77 = tpu.memref_slice %arg5[%add3A_75, %dma_wait3A_76] : memref<320000x16xf32, #tpu.memory_space<hbm>> -> memref<80x16xf32, #tpu.memory_space<hbm>>
    %dma_wait3A_78 = arith.constant 0 : i32
    %dma_wait3A_79 = tpu.memref_slice %arg5[%add3A_75, %dma_wait3A_78] : memref<320000x16xf32, #tpu.memory_space<hbm>> -> memref<80x16xf32, #tpu.memory_space<hbm>>
    tpu.wait_dma2 semaphore(%arg21 : memref<!tpu.dma_semaphore, #tpu.memory_space<semaphore_mem>>) src(%dma_wait3A_79 : memref<80x16xf32, #tpu.memory_space<hbm>>) dst(%arg12 : memref<80x16xf32, #tpu.memory_space<vmem>>)
    %scan3A_80 = arith.constant 0 : i32
    %scan3A_81 = arith.constant 0 : i32
    %scan3A_82 = arith.constant 80 : i32
    %scan3A_83 = arith.addi %scan3A_81, %scan3A_82 : i32
    %scan3A_84 = arith.constant 1 : i32
    scf.for %scan3A_91 = %scan3A_81 to %scan3A_83 step %scan3A_84  : i32 {
      %get3A = arith.index_cast %scan3A_91 : i32 to index
      %get3A_92 = arith.constant 0 : index
      %get3A_93 = tpu.vector_load %arg12[%get3A, %get3A_92] {strides = array<i32>} : memref<80x16xf32, #tpu.memory_space<vmem>>, vector<1x16xf32>,
      %get3A_94 = vector.shape_cast %get3A_93 : vector<1x16xf32> to vector<16xf32>
      %get3A_95 = arith.index_cast %scan3A_91 : i32 to index
      %get3A_96 = arith.constant 0 : index
      %get3A_97 = tpu.vector_load %arg14[%get3A_95, %get3A_96] {strides = array<i32>} : memref<80x128xf32, #tpu.memory_space<vmem>>, vector<1x16xf32>,
      %get3A_98 = vector.shape_cast %get3A_97 : vector<1x16xf32> to vector<16xf32>
      %mul3A_99 = arith.mulf %get3A_98, %get3A_94 : vector<16xf32>
      %swap3A = arith.index_cast %scan3A_91 : i32 to index
      %swap3A_100 = arith.constant 0 : index
      %swap3A_101 = tpu.vector_load %arg14[%swap3A, %swap3A_100] {strides = array<i32>} : memref<80x128xf32, #tpu.memory_space<vmem>>, vector<1x16xf32>,
      %swap3A_102 = vector.shape_cast %swap3A_101 : vector<1x16xf32> to vector<16xf32>
      %swap3A_103 = vector.shape_cast %mul3A_99 : vector<16xf32> to vector<1x16xf32>
      tpu.vector_store %arg14[%swap3A, %swap3A_100], %swap3A_103 {strides = array<i32>} : memref<80x128xf32, #tpu.memory_space<vmem>>, vector<1x16xf32>,
      %get3A_104 = arith.index_cast %scan3A_91 : i32 to index
      %get3A_105 = arith.constant 16 : index
      %get3A_106 = tpu.vector_load %arg14[%get3A_104, %get3A_105] {strides = array<i32>} : memref<80x128xf32, #tpu.memory_space<vmem>>, vector<1x16xf32>,
      %get3A_107 = vector.shape_cast %get3A_106 : vector<1x16xf32> to vector<16xf32>
      %mul3A_108 = arith.mulf %get3A_107, %get3A_94 : vector<16xf32>
      %swap3A_109 = arith.index_cast %scan3A_91 : i32 to index
      %swap3A_110 = arith.constant 16 : index
      %swap3A_111 = tpu.vector_load %arg14[%swap3A_109, %swap3A_110] {strides = array<i32>} : memref<80x128xf32, #tpu.memory_space<vmem>>, vector<1x16xf32>,
      %swap3A_112 = vector.shape_cast %swap3A_111 : vector<1x16xf32> to vector<16xf32>
      %swap3A_113 = vector.shape_cast %mul3A_108 : vector<16xf32> to vector<1x16xf32>
      tpu.vector_store %arg14[%swap3A_109, %swap3A_110], %swap3A_113 {strides = array<i32>} : memref<80x128xf32, #tpu.memory_space<vmem>>, vector<1x16xf32>,
      %get3A_114 = arith.index_cast %scan3A_91 : i32 to index
      %get3A_115 = arith.constant 32 : index
      %get3A_116 = tpu.vector_load %arg14[%get3A_114, %get3A_115] {strides = array<i32>} : memref<80x128xf32, #tpu.memory_space<vmem>>, vector<1x16xf32>,
      %get3A_117 = vector.shape_cast %get3A_116 : vector<1x16xf32> to vector<16xf32>
      %mul3A_118 = arith.mulf %get3A_117, %get3A_94 : vector<16xf32>
      %swap3A_119 = arith.index_cast %scan3A_91 : i32 to index
      %swap3A_120 = arith.constant 32 : index
      %swap3A_121 = tpu.vector_load %arg14[%swap3A_119, %swap3A_120] {strides = array<i32>} : memref<80x128xf32, #tpu.memory_space<vmem>>, vector<1x16xf32>,
      %swap3A_122 = vector.shape_cast %swap3A_121 : vector<1x16xf32> to vector<16xf32>
      %swap3A_123 = vector.shape_cast %mul3A_118 : vector<16xf32> to vector<1x16xf32>
      tpu.vector_store %arg14[%swap3A_119, %swap3A_120], %swap3A_123 {strides = array<i32>} : memref<80x128xf32, #tpu.memory_space<vmem>>, vector<1x16xf32>,
      %get3A_124 = arith.index_cast %scan3A_91 : i32 to index
      %get3A_125 = arith.constant 48 : index
      %get3A_126 = tpu.vector_load %arg14[%get3A_124, %get3A_125] {strides = array<i32>} : memref<80x128xf32, #tpu.memory_space<vmem>>, vector<1x16xf32>,
      %get3A_127 = vector.shape_cast %get3A_126 : vector<1x16xf32> to vector<16xf32>
      %mul3A_128 = arith.mulf %get3A_127, %get3A_94 : vector<16xf32>
      %swap3A_129 = arith.index_cast %scan3A_91 : i32 to index
      %swap3A_130 = arith.constant 48 : index
      %swap3A_131 = tpu.vector_load %arg14[%swap3A_129, %swap3A_130] {strides = array<i32>} : memref<80x128xf32, #tpu.memory_space<vmem>>, vector<1x16xf32>,
      %swap3A_132 = vector.shape_cast %swap3A_131 : vector<1x16xf32> to vector<16xf32>
      %swap3A_133 = vector.shape_cast %mul3A_128 : vector<16xf32> to vector<1x16xf32>
      tpu.vector_store %arg14[%swap3A_129, %swap3A_130], %swap3A_133 {strides = array<i32>} : memref<80x128xf32, #tpu.memory_space<vmem>>, vector<1x16xf32>,
      %get3A_134 = arith.index_cast %scan3A_91 : i32 to index
      %get3A_135 = arith.constant 64 : index
      %get3A_136 = tpu.vector_load %arg14[%get3A_134, %get3A_135] {strides = array<i32>} : memref<80x128xf32, #tpu.memory_space<vmem>>, vector<1x16xf32>,
      %get3A_137 = vector.shape_cast %get3A_136 : vector<1x16xf32> to vector<16xf32>
      %mul3A_138 = arith.mulf %get3A_137, %get3A_94 : vector<16xf32>
      %swap3A_139 = arith.index_cast %scan3A_91 : i32 to index
      %swap3A_140 = arith.constant 64 : index
      %swap3A_141 = tpu.vector_load %arg14[%swap3A_139, %swap3A_140] {strides = array<i32>} : memref<80x128xf32, #tpu.memory_space<vmem>>, vector<1x16xf32>,
      %swap3A_142 = vector.shape_cast %swap3A_141 : vector<1x16xf32> to vector<16xf32>
      %swap3A_143 = vector.shape_cast %mul3A_138 : vector<16xf32> to vector<1x16xf32>
      tpu.vector_store %arg14[%swap3A_139, %swap3A_140], %swap3A_143 {strides = array<i32>} : memref<80x128xf32, #tpu.memory_space<vmem>>, vector<1x16xf32>,
      %get3A_144 = arith.index_cast %scan3A_91 : i32 to index
      %get3A_145 = arith.constant 80 : index
      %get3A_146 = tpu.vector_load %arg14[%get3A_144, %get3A_145] {strides = array<i32>} : memref<80x128xf32, #tpu.memory_space<vmem>>, vector<1x16xf32>,
      %get3A_147 = vector.shape_cast %get3A_146 : vector<1x16xf32> to vector<16xf32>
      %mul3A_148 = arith.mulf %get3A_147, %get3A_94 : vector<16xf32>
      %swap3A_149 = arith.index_cast %scan3A_91 : i32 to index
      %swap3A_150 = arith.constant 80 : index
      %swap3A_151 = tpu.vector_load %arg14[%swap3A_149, %swap3A_150] {strides = array<i32>} : memref<80x128xf32, #tpu.memory_space<vmem>>, vector<1x16xf32>,
      %swap3A_152 = vector.shape_cast %swap3A_151 : vector<1x16xf32> to vector<16xf32>
      %swap3A_153 = vector.shape_cast %mul3A_148 : vector<16xf32> to vector<1x16xf32>
      tpu.vector_store %arg14[%swap3A_149, %swap3A_150], %swap3A_153 {strides = array<i32>} : memref<80x128xf32, #tpu.memory_space<vmem>>, vector<1x16xf32>,
      %get3A_154 = arith.index_cast %scan3A_91 : i32 to index
      %get3A_155 = arith.constant 96 : index
      %get3A_156 = tpu.vector_load %arg14[%get3A_154, %get3A_155] {strides = array<i32>} : memref<80x128xf32, #tpu.memory_space<vmem>>, vector<1x16xf32>,
      %get3A_157 = vector.shape_cast %get3A_156 : vector<1x16xf32> to vector<16xf32>
      %mul3A_158 = arith.mulf %get3A_157, %get3A_94 : vector<16xf32>
      %swap3A_159 = arith.index_cast %scan3A_91 : i32 to index
      %swap3A_160 = arith.constant 96 : index
      %swap3A_161 = tpu.vector_load %arg14[%swap3A_159, %swap3A_160] {strides = array<i32>} : memref<80x128xf32, #tpu.memory_space<vmem>>, vector<1x16xf32>,
      %swap3A_162 = vector.shape_cast %swap3A_161 : vector<1x16xf32> to vector<16xf32>
      %swap3A_163 = vector.shape_cast %mul3A_158 : vector<16xf32> to vector<1x16xf32>
      tpu.vector_store %arg14[%swap3A_159, %swap3A_160], %swap3A_163 {strides = array<i32>} : memref<80x128xf32, #tpu.memory_space<vmem>>, vector<1x16xf32>,
      %get3A_164 = arith.index_cast %scan3A_91 : i32 to index
      %get3A_165 = arith.constant 112 : index
      %get3A_166 = tpu.vector_load %arg14[%get3A_164, %get3A_165] {strides = array<i32>} : memref<80x128xf32, #tpu.memory_space<vmem>>, vector<1x16xf32>,
      %get3A_167 = vector.shape_cast %get3A_166 : vector<1x16xf32> to vector<16xf32>
      %mul3A_168 = arith.mulf %get3A_167, %get3A_94 : vector<16xf32>
      %swap3A_169 = arith.index_cast %scan3A_91 : i32 to index
      %swap3A_170 = arith.constant 112 : index
      %swap3A_171 = tpu.vector_load %arg14[%swap3A_169, %swap3A_170] {strides = array<i32>} : memref<80x128xf32, #tpu.memory_space<vmem>>, vector<1x16xf32>,
      %swap3A_172 = vector.shape_cast %swap3A_171 : vector<1x16xf32> to vector<16xf32>
      %swap3A_173 = vector.shape_cast %mul3A_168 : vector<16xf32> to vector<1x16xf32>
      tpu.vector_store %arg14[%swap3A_169, %swap3A_170], %swap3A_173 {strides = array<i32>} : memref<80x128xf32, #tpu.memory_space<vmem>>, vector<1x16xf32>,
    }
    %scan3A_85 = arith.constant 80 : i32
    "tpu.region"() ({
      %run_scoped3A = tpu.sem_alloc : memref<!tpu.dma_semaphore, #tpu.memory_space<semaphore_mem>>
      %dma_start3A_91 = arith.constant 0 : i32
      %dma_start3A_92 = arith.constant 0 : i32
      %dma_start3A_93 = tpu.memref_slice %arg7[%dma_start3A_91, %dma_start3A_92] : memref<10240x128xf32, #tpu.memory_space<vmem_shared>> -> memref<10240x128xf32, #tpu.memory_space<vmem_shared>>
      tpu.enqueue_indirect_dma source(%arg14 : memref<80x128xf32, #tpu.memory_space<vmem>>) target(%dma_start3A_93 : memref<10240x128xf32, #tpu.memory_space<vmem_shared>>) offsets(%arg10 : memref<80xi32, #tpu.memory_space<vmem>>) semaphore(%run_scoped3A : memref<!tpu.dma_semaphore, #tpu.memory_space<semaphore_mem>>) {add = true}
      %dma_wait3A_94 = arith.constant 0 : i32
      %dma_wait3A_95 = arith.constant 0 : i32
      %dma_wait3A_96 = tpu.memref_slice %arg7[%dma_wait3A_94, %dma_wait3A_95] : memref<10240x128xf32, #tpu.memory_space<vmem_shared>> -> memref<10240x128xf32, #tpu.memory_space<vmem_shared>>
      tpu.wait_indirect_dma semaphore(%run_scoped3A : memref<!tpu.dma_semaphore, #tpu.memory_space<semaphore_mem>>) src(%arg14 : memref<80x128xf32, #tpu.memory_space<vmem>>) dst(%dma_wait3A_96 : memref<10240x128xf32, #tpu.memory_space<vmem_shared>>)
      tpu.yield
    }) : () -> ()
    %barrier3A_86 = arith.constant 0 : index
    tpu.barrier barrier_id(%barrier3A_86)
    %mul3A_87 = arith.constant 640 : i32
    %mul3A_88 = arith.muli %arg1, %mul3A_87 : i32
    %mul3A_89 = arith.constant 640 : i32
    %mul3A_90 = arith.muli %arg1, %mul3A_89 : i32
    "tpu.region"() ({
      %run_scoped3A = tpu.sem_alloc : memref<!tpu.dma_semaphore, #tpu.memory_space<semaphore_mem>>
      %dma_start3A_91 = arith.constant 0 : i32
      %dma_start3A_92 = tpu.memref_slice %arg6[%arg0, %mul3A_90, %dma_start3A_91] : memref<2x10240x128xf32, #tpu.memory_space<hbm>> -> memref<1x640x128xf32, #tpu.memory_space<hbm>>
      %dma_start3A_93 = tpu.memref_squeeze %dma_start3A_92 : memref<1x640x128xf32, #tpu.memory_space<hbm>> -> memref<640x128xf32, #tpu.memory_space<hbm>>
      %dma_start3A_94 = arith.constant 0 : i32
      %dma_start3A_95 = tpu.memref_slice %arg7[%mul3A_88, %dma_start3A_94] : memref<10240x128xf32, #tpu.memory_space<vmem_shared>> -> memref<640x128xf32, #tpu.memory_space<vmem_shared>>
      tpu.enqueue_dma source(%dma_start3A_95 : memref<640x128xf32, #tpu.memory_space<vmem_shared>>) target(%dma_start3A_93 : memref<640x128xf32, #tpu.memory_space<hbm>>) target_semaphore(%run_scoped3A : memref<!tpu.dma_semaphore, #tpu.memory_space<semaphore_mem>>)
      %dma_wait3A_96 = arith.constant 0 : i32
      %dma_wait3A_97 = tpu.memref_slice %arg6[%arg0, %mul3A_90, %dma_wait3A_96] : memref<2x10240x128xf32, #tpu.memory_space<hbm>> -> memref<1x640x128xf32, #tpu.memory_space<hbm>>
      %dma_wait3A_98 = tpu.memref_squeeze %dma_wait3A_97 : memref<1x640x128xf32, #tpu.memory_space<hbm>> -> memref<640x128xf32, #tpu.memory_space<hbm>>
      %dma_wait3A_99 = arith.constant 0 : i32
      %dma_wait3A_100 = tpu.memref_slice %arg7[%mul3A_88, %dma_wait3A_99] : memref<10240x128xf32, #tpu.memory_space<vmem_shared>> -> memref<640x128xf32, #tpu.memory_space<vmem_shared>>
      tpu.wait_dma2 semaphore(%run_scoped3A : memref<!tpu.dma_semaphore, #tpu.memory_space<semaphore_mem>>) src(%dma_wait3A_100 : memref<640x128xf32, #tpu.memory_space<vmem_shared>>) dst(%dma_wait3A_98 : memref<640x128xf32, #tpu.memory_space<hbm>>)
      tpu.yield
    }) : () -> ()
    return
  }
}

module attributes {stable_mosaic.version = 14 : i64} {
  func.func @body(%arg0: i32, %arg1: memref<2x1000x1xf32, #tpu.memory_space<vmem>>, %arg2: memref<1000x128xf32, #tpu.memory_space<vmem>>, %arg3: memref<128x128xf32, #tpu.memory_space<vmem>>, %arg4: memref<1000x128xf32, #tpu.memory_space<vmem>>, %arg5: memref<1000x1xf32, #tpu.memory_space<vmem>>) attributes {dimension_semantics = [#tpu.dimension_semantics<arbitrary>], iteration_bounds = array<i64: 10>, scalar_prefetch = 0 : i64, scratch_operands = 0 : i64, tpu.core_type = #tpu.core_type<tc>, window_params = [{transform_indices = @transform_0, window_bounds = array<i64: 2, 1000, 1>}, {transform_indices = @transform_1, window_bounds = array<i64: 1000, 128>}, {pipeline_mode = #tpu.pipeline_mode<synchronous>, transform_indices = @transform_2, window_bounds = array<i64: 128, 128>}, {transform_indices = @transform_3, window_bounds = array<i64: 1000, 128>}, {transform_indices = @transform_4, window_bounds = array<i64: 1000, 1>}]} {
    %get3A = arith.constant 0 : index
    %get3A_0 = arith.constant 0 : index
    %get3A_1 = arith.constant 0 : index
    %get3A_2 = vector.load %arg1[%get3A, %get3A_0, %get3A_1] : memref<2x1000x1xf32, #tpu.memory_space<vmem>>, vector<1x1000x1xf32>
    %get3A_3 = vector.shape_cast %get3A_2 : vector<1x1000x1xf32> to vector<1000x1xf32>
    %get3A_4 = arith.constant 1 : index
    %get3A_5 = arith.constant 0 : index
    %get3A_6 = arith.constant 0 : index
    %get3A_7 = vector.load %arg1[%get3A_4, %get3A_5, %get3A_6] : memref<2x1000x1xf32, #tpu.memory_space<vmem>>, vector<1x1000x1xf32>
    %get3A_8 = vector.shape_cast %get3A_7 : vector<1x1000x1xf32> to vector<1000x1xf32>
    %add3A = arith.addf %get3A_3, %get3A_8 : vector<1000x1xf32>
    %add3A_9 = arith.constant 1.000000e+00 : f32
    %add3A_10 = vector.broadcast %add3A_9 : f32 to vector<1000x1xf32>
    %add3A_11 = arith.addf %add3A, %add3A_10 : vector<1000x1xf32>
    %gt3A = arith.constant 0.000000e+00 : f32
    %gt3A_12 = vector.broadcast %gt3A : f32 to vector<1000x1xf32>
    %gt3A_13 = arith.cmpf ogt, %add3A_11, %gt3A_12 : vector<1000x1xf32>
    %rsqrt3A = math.rsqrt %add3A_11 : vector<1000x1xf32>
    %jit3A = arith.constant 0.000000e+00 : f32
    %broadcast_in_dim3A = vector.broadcast %jit3A : f32 to vector<1000x1xf32>
    %select_n3A = arith.select %gt3A_13, %rsqrt3A, %broadcast_in_dim3A : vector<1000x1xi1>, vector<1000x1xf32>
    %get3A_14 = arith.constant 0 : index
    %get3A_15 = arith.constant 0 : index
    %get3A_16 = vector.load %arg2[%get3A_14, %get3A_15] : memref<1000x128xf32, #tpu.memory_space<vmem>>, vector<1000x128xf32>
    %get3A_17 = arith.constant 0 : index
    %get3A_18 = arith.constant 0 : index
    %get3A_19 = vector.load %arg3[%get3A_17, %get3A_18] : memref<128x128xf32, #tpu.memory_space<vmem>>, vector<128x128xf32>
    %dot_general3A = arith.constant dense<0.000000e+00> : vector<1000x128xf32>
    %dot_general3A_20 = tpu.matmul %get3A_16, %get3A_19, %dot_general3A {dimension_numbers = #tpu.dot_dimension_numbers<[1], [0], [0], [1], [0, 0, 1, 1], [], []>, transpose_lhs_hint = false} : vector<1000x128xf32>, vector<128x128xf32>, vector<1000x128xf32> -> vector<1000x128xf32>
    %mul3A = vector.broadcast %select_n3A : vector<1000x1xf32> to vector<1000x128xf32>
    %mul3A_21 = arith.mulf %dot_general3A_20, %mul3A : vector<1000x128xf32>
    %swap3A = arith.constant 0 : index
    %swap3A_22 = arith.constant 0 : index
    %swap3A_23 = vector.load %arg4[%swap3A, %swap3A_22] : memref<1000x128xf32, #tpu.memory_space<vmem>>, vector<1000x128xf32>
    tpu.vector_store %arg4[%swap3A, %swap3A_22], %mul3A_21 {strides = array<i32>} : memref<1000x128xf32, #tpu.memory_space<vmem>>, vector<1000x128xf32>,
    %swap3A_24 = arith.constant 0 : index
    %swap3A_25 = arith.constant 0 : index
    %swap3A_26 = vector.load %arg5[%swap3A_24, %swap3A_25] : memref<1000x1xf32, #tpu.memory_space<vmem>>, vector<1000x1xf32>
    tpu.vector_store %arg5[%swap3A_24, %swap3A_25], %select_n3A {strides = array<i32>} : memref<1000x1xf32, #tpu.memory_space<vmem>>, vector<1000x1xf32>,
    return
  }
  func.func @transform_0(%arg0: i32) -> (i32, i32, i32) {
    %c0_i32 = arith.constant 0 : i32
    %c0_i32_0 = arith.constant 0 : i32
    %c0_i32_1 = arith.constant 0 : i32
    return %c0_i32, %arg0, %c0_i32_0 : i32, i32, i32
  }
  func.func @transform_1(%arg0: i32) -> (i32, i32) {
    %c0_i32 = arith.constant 0 : i32
    %c0_i32_0 = arith.constant 0 : i32
    return %arg0, %c0_i32 : i32, i32
  }
  func.func @transform_2(%arg0: i32) -> (i32, i32) {
    %c0_i32 = arith.constant 0 : i32
    %c0_i32_0 = arith.constant 0 : i32
    %c0_i32_1 = arith.constant 0 : i32
    return %c0_i32, %c0_i32_0 : i32, i32
  }
  func.func @transform_3(%arg0: i32) -> (i32, i32) {
    %c0_i32 = arith.constant 0 : i32
    %c0_i32_0 = arith.constant 0 : i32
    return %arg0, %c0_i32 : i32, i32
  }
  func.func @transform_4(%arg0: i32) -> (i32, i32) {
    %c0_i32 = arith.constant 0 : i32
    %c0_i32_0 = arith.constant 0 : i32
    return %arg0, %c0_i32 : i32, i32
  }
}

module attributes {stable_mosaic.version = 14 : i64} {
  func.func @body(%arg0: i32, %arg1: memref<2x1000x128xf32, #tpu.memory_space<vmem>>, %arg2: memref<1000x128xf32, #tpu.memory_space<vmem>>, %arg3: memref<1000x1xf32, #tpu.memory_space<vmem>>, %arg4: memref<1x128xf32, #tpu.memory_space<vmem>>, %arg5: memref<1000x128xf32, #tpu.memory_space<vmem>>, %arg6: memref<1x1x128xf32, #tpu.memory_space<vmem>>, %arg7: memref<1x1x128xf32, #tpu.memory_space<vmem>>) attributes {dimension_semantics = [#tpu.dimension_semantics<arbitrary>], iteration_bounds = array<i64: 10>, scalar_prefetch = 0 : i64, scratch_operands = 0 : i64, tpu.core_type = #tpu.core_type<tc>, window_params = [{transform_indices = @transform_0, window_bounds = array<i64: 2, 1000, 128>}, {transform_indices = @transform_1, window_bounds = array<i64: 1000, 128>}, {transform_indices = @transform_2, window_bounds = array<i64: 1000, 1>}, {pipeline_mode = #tpu.pipeline_mode<synchronous>, transform_indices = @transform_3, window_bounds = array<i64: 1, 128>}, {transform_indices = @transform_4, window_bounds = array<i64: 1000, 128>}, {transform_indices = @transform_5, window_bounds = array<i64: 1, 1, 128>}, {transform_indices = @transform_6, window_bounds = array<i64: 1, 1, 128>}]} {
    %get3A = arith.constant 0 : index
    %get3A_0 = arith.constant 0 : index
    %get3A_1 = arith.constant 0 : index
    %get3A_2 = vector.load %arg1[%get3A, %get3A_0, %get3A_1] : memref<2x1000x128xf32, #tpu.memory_space<vmem>>, vector<1x1000x128xf32>
    %get3A_3 = vector.shape_cast %get3A_2 : vector<1x1000x128xf32> to vector<1000x128xf32>
    %get3A_4 = arith.constant 1 : index
    %get3A_5 = arith.constant 0 : index
    %get3A_6 = arith.constant 0 : index
    %get3A_7 = vector.load %arg1[%get3A_4, %get3A_5, %get3A_6] : memref<2x1000x128xf32, #tpu.memory_space<vmem>>, vector<1x1000x128xf32>
    %get3A_8 = vector.shape_cast %get3A_7 : vector<1x1000x128xf32> to vector<1000x128xf32>
    %add3A = arith.addf %get3A_3, %get3A_8 : vector<1000x128xf32>
    %get3A_9 = arith.constant 0 : index
    %get3A_10 = arith.constant 0 : index
    %get3A_11 = vector.load %arg2[%get3A_9, %get3A_10] : memref<1000x128xf32, #tpu.memory_space<vmem>>, vector<1000x128xf32>
    %add3A_12 = arith.addf %add3A, %get3A_11 : vector<1000x128xf32>
    %get3A_13 = arith.constant 0 : index
    %get3A_14 = arith.constant 0 : index
    %get3A_15 = vector.load %arg3[%get3A_13, %get3A_14] : memref<1000x1xf32, #tpu.memory_space<vmem>>, vector<1000x1xf32>
    %mul3A = vector.broadcast %get3A_15 : vector<1000x1xf32> to vector<1000x128xf32>
    %mul3A_16 = arith.mulf %mul3A, %add3A_12 : vector<1000x128xf32>
    %get3A_17 = arith.constant 0 : index
    %get3A_18 = arith.constant 0 : index
    %get3A_19 = vector.load %arg4[%get3A_17, %get3A_18] : memref<1x128xf32, #tpu.memory_space<vmem>>, vector<1x128xf32>
    %add3A_20 = vector.broadcast %get3A_19 : vector<1x128xf32> to vector<1000x128xf32>
    %add3A_21 = arith.addf %mul3A_16, %add3A_20 : vector<1000x128xf32>
    %max3A = arith.constant 0.000000e+00 : f32
    %max3A_22 = vector.broadcast %max3A : f32 to vector<1000x128xf32>
    %max3A_23 = arith.maximumf %add3A_21, %max3A_22 : vector<1000x128xf32>
    %swap3A = arith.constant 0 : index
    %swap3A_24 = arith.constant 0 : index
    %swap3A_25 = vector.load %arg5[%swap3A, %swap3A_24] : memref<1000x128xf32, #tpu.memory_space<vmem>>, vector<1000x128xf32>
    tpu.vector_store %arg5[%swap3A, %swap3A_24], %max3A_23 {strides = array<i32>} : memref<1000x128xf32, #tpu.memory_space<vmem>>, vector<1000x128xf32>,
    %reduce_sum3A = arith.constant dense<0.000000e+00> : vector<128xf32>
    %reduce_sum3A_26 = vector.multi_reduction <add>, %max3A_23, %reduce_sum3A [0] : vector<1000x128xf32> to vector<128xf32>
    %broadcast_in_dim3A = vector.shape_cast %reduce_sum3A_26 : vector<128xf32> to vector<1x128xf32>
    %swap3A_27 = arith.constant 0 : index
    %swap3A_28 = arith.constant 0 : index
    %swap3A_29 = arith.constant 0 : index
    %swap3A_30 = vector.load %arg6[%swap3A_27, %swap3A_28, %swap3A_29] : memref<1x1x128xf32, #tpu.memory_space<vmem>>, vector<1x1x128xf32>
    %swap3A_31 = vector.shape_cast %swap3A_30 : vector<1x1x128xf32> to vector<1x128xf32>
    %swap3A_32 = vector.shape_cast %broadcast_in_dim3A : vector<1x128xf32> to vector<1x1x128xf32>
    tpu.vector_store %arg6[%swap3A_27, %swap3A_28, %swap3A_29], %swap3A_32 {strides = array<i32>} : memref<1x1x128xf32, #tpu.memory_space<vmem>>, vector<1x1x128xf32>,
    %mul3A_33 = arith.mulf %max3A_23, %max3A_23 : vector<1000x128xf32>
    %reduce_sum3A_34 = arith.constant dense<0.000000e+00> : vector<128xf32>
    %reduce_sum3A_35 = vector.multi_reduction <add>, %mul3A_33, %reduce_sum3A_34 [0] : vector<1000x128xf32> to vector<128xf32>
    %broadcast_in_dim3A_36 = vector.shape_cast %reduce_sum3A_35 : vector<128xf32> to vector<1x128xf32>
    %swap3A_37 = arith.constant 0 : index
    %swap3A_38 = arith.constant 0 : index
    %swap3A_39 = arith.constant 0 : index
    %swap3A_40 = vector.load %arg7[%swap3A_37, %swap3A_38, %swap3A_39] : memref<1x1x128xf32, #tpu.memory_space<vmem>>, vector<1x1x128xf32>
    %swap3A_41 = vector.shape_cast %swap3A_40 : vector<1x1x128xf32> to vector<1x128xf32>
    %swap3A_42 = vector.shape_cast %broadcast_in_dim3A_36 : vector<1x128xf32> to vector<1x1x128xf32>
    tpu.vector_store %arg7[%swap3A_37, %swap3A_38, %swap3A_39], %swap3A_42 {strides = array<i32>} : memref<1x1x128xf32, #tpu.memory_space<vmem>>, vector<1x1x128xf32>,
    return
  }
  func.func @transform_0(%arg0: i32) -> (i32, i32, i32) {
    %c0_i32 = arith.constant 0 : i32
    %c0_i32_0 = arith.constant 0 : i32
    %c0_i32_1 = arith.constant 0 : i32
    return %c0_i32, %arg0, %c0_i32_0 : i32, i32, i32
  }
  func.func @transform_1(%arg0: i32) -> (i32, i32) {
    %c0_i32 = arith.constant 0 : i32
    %c0_i32_0 = arith.constant 0 : i32
    return %arg0, %c0_i32 : i32, i32
  }
  func.func @transform_2(%arg0: i32) -> (i32, i32) {
    %c0_i32 = arith.constant 0 : i32
    %c0_i32_0 = arith.constant 0 : i32
    return %arg0, %c0_i32 : i32, i32
  }
  func.func @transform_3(%arg0: i32) -> (i32, i32) {
    %c0_i32 = arith.constant 0 : i32
    %c0_i32_0 = arith.constant 0 : i32
    %c0_i32_1 = arith.constant 0 : i32
    return %c0_i32, %c0_i32_0 : i32, i32
  }
  func.func @transform_4(%arg0: i32) -> (i32, i32) {
    %c0_i32 = arith.constant 0 : i32
    %c0_i32_0 = arith.constant 0 : i32
    return %arg0, %c0_i32 : i32, i32
  }
  func.func @transform_5(%arg0: i32) -> (i32, i32, i32) {
    %c0_i32 = arith.constant 0 : i32
    %c0_i32_0 = arith.constant 0 : i32
    %c0_i32_1 = arith.constant 0 : i32
    return %arg0, %c0_i32, %c0_i32_0 : i32, i32, i32
  }
  func.func @transform_6(%arg0: i32) -> (i32, i32, i32) {
    %c0_i32 = arith.constant 0 : i32
    %c0_i32_0 = arith.constant 0 : i32
    %c0_i32_1 = arith.constant 0 : i32
    return %arg0, %c0_i32, %c0_i32_0 : i32, i32, i32
  }
}

module attributes {stable_mosaic.version = 14 : i64} {
  func.func @body(%arg0: i32, %arg1: memref<10x1x128xf32, #tpu.memory_space<vmem>>, %arg2: memref<10x1x128xf32, #tpu.memory_space<vmem>>, %arg3: memref<1x128xf32, #tpu.memory_space<vmem>>, %arg4: memref<1x128xf32, #tpu.memory_space<vmem>>, %arg5: memref<1000x1xf32, #tpu.memory_space<vmem>>, %arg6: memref<1000x128xf32, #tpu.memory_space<vmem>>, %arg7: memref<128x128xf32, #tpu.memory_space<vmem>>, %arg8: memref<1000x128xf32, #tpu.memory_space<vmem>>, %arg9: memref<1000x128xf32, #tpu.memory_space<vmem>>) attributes {dimension_semantics = [#tpu.dimension_semantics<arbitrary>], iteration_bounds = array<i64: 10>, scalar_prefetch = 0 : i64, scratch_operands = 0 : i64, tpu.core_type = #tpu.core_type<tc>, window_params = [{pipeline_mode = #tpu.pipeline_mode<synchronous>, transform_indices = @transform_0, window_bounds = array<i64: 10, 1, 128>}, {pipeline_mode = #tpu.pipeline_mode<synchronous>, transform_indices = @transform_1, window_bounds = array<i64: 10, 1, 128>}, {pipeline_mode = #tpu.pipeline_mode<synchronous>, transform_indices = @transform_2, window_bounds = array<i64: 1, 128>}, {pipeline_mode = #tpu.pipeline_mode<synchronous>, transform_indices = @transform_3, window_bounds = array<i64: 1, 128>}, {transform_indices = @transform_4, window_bounds = array<i64: 1000, 1>}, {transform_indices = @transform_5, window_bounds = array<i64: 1000, 128>}, {pipeline_mode = #tpu.pipeline_mode<synchronous>, transform_indices = @transform_6, window_bounds = array<i64: 128, 128>}, {transform_indices = @transform_7, window_bounds = array<i64: 1000, 128>}, {transform_indices = @transform_8, window_bounds = array<i64: 1000, 128>}]} {
    %get3A = arith.constant 0 : index
    %get3A_0 = arith.constant 0 : index
    %get3A_1 = arith.constant 0 : index
    %get3A_2 = vector.load %arg1[%get3A, %get3A_0, %get3A_1] : memref<10x1x128xf32, #tpu.memory_space<vmem>>, vector<10x1x128xf32>
    %reduce_sum3A = arith.constant dense<0.000000e+00> : vector<1x128xf32>
    %reduce_sum3A_3 = vector.multi_reduction <add>, %get3A_2, %reduce_sum3A [0] : vector<10x1x128xf32> to vector<1x128xf32>
    %get3A_4 = arith.constant 0 : index
    %get3A_5 = arith.constant 0 : index
    %get3A_6 = arith.constant 0 : index
    %get3A_7 = vector.load %arg2[%get3A_4, %get3A_5, %get3A_6] : memref<10x1x128xf32, #tpu.memory_space<vmem>>, vector<10x1x128xf32>
    %reduce_sum3A_8 = arith.constant dense<0.000000e+00> : vector<1x128xf32>
    %reduce_sum3A_9 = vector.multi_reduction <add>, %get3A_7, %reduce_sum3A_8 [0] : vector<10x1x128xf32> to vector<1x128xf32>
    %div3A = arith.constant 1.000000e+04 : f32
    %div3A_10 = vector.broadcast %div3A : f32 to vector<1x128xf32>
    %div3A_11 = arith.divf %reduce_sum3A_3, %div3A_10 : vector<1x128xf32>
    %div3A_12 = arith.constant 1.000000e+04 : f32
    %div3A_13 = vector.broadcast %div3A_12 : f32 to vector<1x128xf32>
    %div3A_14 = arith.divf %reduce_sum3A_9, %div3A_13 : vector<1x128xf32>
    %mul3A = arith.mulf %div3A_11, %div3A_11 : vector<1x128xf32>
    %sub3A = arith.subf %div3A_14, %mul3A : vector<1x128xf32>
    %get3A_15 = arith.constant 0 : index
    %get3A_16 = arith.constant 0 : index
    %get3A_17 = vector.load %arg3[%get3A_15, %get3A_16] : memref<1x128xf32, #tpu.memory_space<vmem>>, vector<1x128xf32>
    %add3A = arith.constant 9.99999974E-6 : f32
    %add3A_18 = vector.broadcast %add3A : f32 to vector<1x128xf32>
    %add3A_19 = arith.addf %sub3A, %add3A_18 : vector<1x128xf32>
    %rsqrt3A = math.rsqrt %add3A_19 : vector<1x128xf32>
    %mul3A_20 = arith.mulf %get3A_17, %rsqrt3A : vector<1x128xf32>
    %get3A_21 = arith.constant 0 : index
    %get3A_22 = arith.constant 0 : index
    %get3A_23 = vector.load %arg6[%get3A_21, %get3A_22] : memref<1000x128xf32, #tpu.memory_space<vmem>>, vector<1000x128xf32>
    %sub3A_24 = vector.broadcast %div3A_11 : vector<1x128xf32> to vector<1000x128xf32>
    %sub3A_25 = arith.subf %get3A_23, %sub3A_24 : vector<1000x128xf32>
    %mul3A_26 = vector.broadcast %mul3A_20 : vector<1x128xf32> to vector<1000x128xf32>
    %mul3A_27 = arith.mulf %sub3A_25, %mul3A_26 : vector<1000x128xf32>
    %get3A_28 = arith.constant 0 : index
    %get3A_29 = arith.constant 0 : index
    %get3A_30 = vector.load %arg4[%get3A_28, %get3A_29] : memref<1x128xf32, #tpu.memory_space<vmem>>, vector<1x128xf32>
    %add3A_31 = vector.broadcast %get3A_30 : vector<1x128xf32> to vector<1000x128xf32>
    %add3A_32 = arith.addf %mul3A_27, %add3A_31 : vector<1000x128xf32>
    %swap3A = arith.constant 0 : index
    %swap3A_33 = arith.constant 0 : index
    %swap3A_34 = vector.load %arg8[%swap3A, %swap3A_33] : memref<1000x128xf32, #tpu.memory_space<vmem>>, vector<1000x128xf32>
    tpu.vector_store %arg8[%swap3A, %swap3A_33], %add3A_32 {strides = array<i32>} : memref<1000x128xf32, #tpu.memory_space<vmem>>, vector<1000x128xf32>,
    %get3A_35 = arith.constant 0 : index
    %get3A_36 = arith.constant 0 : index
    %get3A_37 = vector.load %arg7[%get3A_35, %get3A_36] : memref<128x128xf32, #tpu.memory_space<vmem>>, vector<128x128xf32>
    %dot_general3A = arith.constant dense<0.000000e+00> : vector<1000x128xf32>
    %dot_general3A_38 = tpu.matmul %add3A_32, %get3A_37, %dot_general3A {dimension_numbers = #tpu.dot_dimension_numbers<[1], [0], [0], [1], [0, 0, 1, 1], [], []>, transpose_lhs_hint = false} : vector<1000x128xf32>, vector<128x128xf32>, vector<1000x128xf32> -> vector<1000x128xf32>
    %get3A_39 = arith.constant 0 : index
    %get3A_40 = arith.constant 0 : index
    %get3A_41 = vector.load %arg5[%get3A_39, %get3A_40] : memref<1000x1xf32, #tpu.memory_space<vmem>>, vector<1000x1xf32>
    %mul3A_42 = vector.broadcast %get3A_41 : vector<1000x1xf32> to vector<1000x128xf32>
    %mul3A_43 = arith.mulf %dot_general3A_38, %mul3A_42 : vector<1000x128xf32>
    %swap3A_44 = arith.constant 0 : index
    %swap3A_45 = arith.constant 0 : index
    %swap3A_46 = vector.load %arg9[%swap3A_44, %swap3A_45] : memref<1000x128xf32, #tpu.memory_space<vmem>>, vector<1000x128xf32>
    tpu.vector_store %arg9[%swap3A_44, %swap3A_45], %mul3A_43 {strides = array<i32>} : memref<1000x128xf32, #tpu.memory_space<vmem>>, vector<1000x128xf32>,
    return
  }
  func.func @transform_0(%arg0: i32) -> (i32, i32, i32) {
    %c0_i32 = arith.constant 0 : i32
    %c0_i32_0 = arith.constant 0 : i32
    %c0_i32_1 = arith.constant 0 : i32
    %c0_i32_2 = arith.constant 0 : i32
    return %c0_i32, %c0_i32_0, %c0_i32_1 : i32, i32, i32
  }
  func.func @transform_1(%arg0: i32) -> (i32, i32, i32) {
    %c0_i32 = arith.constant 0 : i32
    %c0_i32_0 = arith.constant 0 : i32
    %c0_i32_1 = arith.constant 0 : i32
    %c0_i32_2 = arith.constant 0 : i32
    return %c0_i32, %c0_i32_0, %c0_i32_1 : i32, i32, i32
  }
  func.func @transform_2(%arg0: i32) -> (i32, i32) {
    %c0_i32 = arith.constant 0 : i32
    %c0_i32_0 = arith.constant 0 : i32
    %c0_i32_1 = arith.constant 0 : i32
    return %c0_i32, %c0_i32_0 : i32, i32
  }
  func.func @transform_3(%arg0: i32) -> (i32, i32) {
    %c0_i32 = arith.constant 0 : i32
    %c0_i32_0 = arith.constant 0 : i32
    %c0_i32_1 = arith.constant 0 : i32
    return %c0_i32, %c0_i32_0 : i32, i32
  }
  func.func @transform_4(%arg0: i32) -> (i32, i32) {
    %c0_i32 = arith.constant 0 : i32
    %c0_i32_0 = arith.constant 0 : i32
    return %arg0, %c0_i32 : i32, i32
  }
  func.func @transform_5(%arg0: i32) -> (i32, i32) {
    %c0_i32 = arith.constant 0 : i32
    %c0_i32_0 = arith.constant 0 : i32
    return %arg0, %c0_i32 : i32, i32
  }
  func.func @transform_6(%arg0: i32) -> (i32, i32) {
    %c0_i32 = arith.constant 0 : i32
    %c0_i32_0 = arith.constant 0 : i32
    %c0_i32_1 = arith.constant 0 : i32
    return %c0_i32, %c0_i32_0 : i32, i32
  }
  func.func @transform_7(%arg0: i32) -> (i32, i32) {
    %c0_i32 = arith.constant 0 : i32
    %c0_i32_0 = arith.constant 0 : i32
    return %arg0, %c0_i32 : i32, i32
  }
  func.func @transform_8(%arg0: i32) -> (i32, i32) {
    %c0_i32 = arith.constant 0 : i32
    %c0_i32_0 = arith.constant 0 : i32
    return %arg0, %c0_i32 : i32, i32
  }
}

module attributes {stable_mosaic.version = 14 : i64} {
  func.func @body(%arg0: i32, %arg1: memref<10x1x128xf32, #tpu.memory_space<vmem>>, %arg2: memref<10x1x128xf32, #tpu.memory_space<vmem>>, %arg3: memref<1x128xf32, #tpu.memory_space<vmem>>, %arg4: memref<1x128xf32, #tpu.memory_space<vmem>>, %arg5: memref<1000x128xf32, #tpu.memory_space<vmem>>, %arg6: memref<128x128xf32, #tpu.memory_space<vmem>>, %arg7: memref<1x128xf32, #tpu.memory_space<vmem>>, %arg8: memref<128x128xf32, #tpu.memory_space<vmem>>, %arg9: memref<1x128xf32, #tpu.memory_space<vmem>>, %arg10: memref<1000x128xf32, #tpu.memory_space<vmem>>, %arg11: memref<1000x128xf32, #tpu.memory_space<vmem>>) attributes {dimension_semantics = [#tpu.dimension_semantics<arbitrary>], iteration_bounds = array<i64: 10>, scalar_prefetch = 0 : i64, scratch_operands = 0 : i64, tpu.core_type = #tpu.core_type<tc>, window_params = [{pipeline_mode = #tpu.pipeline_mode<synchronous>, transform_indices = @transform_0, window_bounds = array<i64: 10, 1, 128>}, {pipeline_mode = #tpu.pipeline_mode<synchronous>, transform_indices = @transform_1, window_bounds = array<i64: 10, 1, 128>}, {pipeline_mode = #tpu.pipeline_mode<synchronous>, transform_indices = @transform_2, window_bounds = array<i64: 1, 128>}, {pipeline_mode = #tpu.pipeline_mode<synchronous>, transform_indices = @transform_3, window_bounds = array<i64: 1, 128>}, {transform_indices = @transform_4, window_bounds = array<i64: 1000, 128>}, {pipeline_mode = #tpu.pipeline_mode<synchronous>, transform_indices = @transform_5, window_bounds = array<i64: 128, 128>}, {pipeline_mode = #tpu.pipeline_mode<synchronous>, transform_indices = @transform_6, window_bounds = array<i64: 1, 128>}, {pipeline_mode = #tpu.pipeline_mode<synchronous>, transform_indices = @transform_7, window_bounds = array<i64: 128, 128>}, {pipeline_mode = #tpu.pipeline_mode<synchronous>, transform_indices = @transform_8, window_bounds = array<i64: 1, 128>}, {transform_indices = @transform_9, window_bounds = array<i64: 1000, 128>}, {transform_indices = @transform_10, window_bounds = array<i64: 1000, 128>}]} {
    %get3A = arith.constant 0 : index
    %get3A_0 = arith.constant 0 : index
    %get3A_1 = arith.constant 0 : index
    %get3A_2 = vector.load %arg1[%get3A, %get3A_0, %get3A_1] : memref<10x1x128xf32, #tpu.memory_space<vmem>>, vector<10x1x128xf32>
    %reduce_sum3A = arith.constant dense<0.000000e+00> : vector<1x128xf32>
    %reduce_sum3A_3 = vector.multi_reduction <add>, %get3A_2, %reduce_sum3A [0] : vector<10x1x128xf32> to vector<1x128xf32>
    %get3A_4 = arith.constant 0 : index
    %get3A_5 = arith.constant 0 : index
    %get3A_6 = arith.constant 0 : index
    %get3A_7 = vector.load %arg2[%get3A_4, %get3A_5, %get3A_6] : memref<10x1x128xf32, #tpu.memory_space<vmem>>, vector<10x1x128xf32>
    %reduce_sum3A_8 = arith.constant dense<0.000000e+00> : vector<1x128xf32>
    %reduce_sum3A_9 = vector.multi_reduction <add>, %get3A_7, %reduce_sum3A_8 [0] : vector<10x1x128xf32> to vector<1x128xf32>
    %div3A = arith.constant 1.000000e+04 : f32
    %div3A_10 = vector.broadcast %div3A : f32 to vector<1x128xf32>
    %div3A_11 = arith.divf %reduce_sum3A_3, %div3A_10 : vector<1x128xf32>
    %div3A_12 = arith.constant 1.000000e+04 : f32
    %div3A_13 = vector.broadcast %div3A_12 : f32 to vector<1x128xf32>
    %div3A_14 = arith.divf %reduce_sum3A_9, %div3A_13 : vector<1x128xf32>
    %mul3A = arith.mulf %div3A_11, %div3A_11 : vector<1x128xf32>
    %sub3A = arith.subf %div3A_14, %mul3A : vector<1x128xf32>
    %get3A_15 = arith.constant 0 : index
    %get3A_16 = arith.constant 0 : index
    %get3A_17 = vector.load %arg3[%get3A_15, %get3A_16] : memref<1x128xf32, #tpu.memory_space<vmem>>, vector<1x128xf32>
    %add3A = arith.constant 9.99999974E-6 : f32
    %add3A_18 = vector.broadcast %add3A : f32 to vector<1x128xf32>
    %add3A_19 = arith.addf %sub3A, %add3A_18 : vector<1x128xf32>
    %rsqrt3A = math.rsqrt %add3A_19 : vector<1x128xf32>
    %mul3A_20 = arith.mulf %get3A_17, %rsqrt3A : vector<1x128xf32>
    %get3A_21 = arith.constant 0 : index
    %get3A_22 = arith.constant 0 : index
    %get3A_23 = vector.load %arg5[%get3A_21, %get3A_22] : memref<1000x128xf32, #tpu.memory_space<vmem>>, vector<1000x128xf32>
    %sub3A_24 = vector.broadcast %div3A_11 : vector<1x128xf32> to vector<1000x128xf32>
    %sub3A_25 = arith.subf %get3A_23, %sub3A_24 : vector<1000x128xf32>
    %mul3A_26 = vector.broadcast %mul3A_20 : vector<1x128xf32> to vector<1000x128xf32>
    %mul3A_27 = arith.mulf %sub3A_25, %mul3A_26 : vector<1000x128xf32>
    %get3A_28 = arith.constant 0 : index
    %get3A_29 = arith.constant 0 : index
    %get3A_30 = vector.load %arg4[%get3A_28, %get3A_29] : memref<1x128xf32, #tpu.memory_space<vmem>>, vector<1x128xf32>
    %add3A_31 = vector.broadcast %get3A_30 : vector<1x128xf32> to vector<1000x128xf32>
    %add3A_32 = arith.addf %mul3A_27, %add3A_31 : vector<1000x128xf32>
    %swap3A = arith.constant 0 : index
    %swap3A_33 = arith.constant 0 : index
    %swap3A_34 = vector.load %arg10[%swap3A, %swap3A_33] : memref<1000x128xf32, #tpu.memory_space<vmem>>, vector<1000x128xf32>
    tpu.vector_store %arg10[%swap3A, %swap3A_33], %add3A_32 {strides = array<i32>} : memref<1000x128xf32, #tpu.memory_space<vmem>>, vector<1000x128xf32>,
    %get3A_35 = arith.constant 0 : index
    %get3A_36 = arith.constant 0 : index
    %get3A_37 = vector.load %arg6[%get3A_35, %get3A_36] : memref<128x128xf32, #tpu.memory_space<vmem>>, vector<128x128xf32>
    %dot_general3A = arith.constant dense<0.000000e+00> : vector<1000x128xf32>
    %dot_general3A_38 = tpu.matmul %add3A_32, %get3A_37, %dot_general3A {dimension_numbers = #tpu.dot_dimension_numbers<[1], [0], [0], [1], [0, 0, 1, 1], [], []>, transpose_lhs_hint = false} : vector<1000x128xf32>, vector<128x128xf32>, vector<1000x128xf32> -> vector<1000x128xf32>
    %get3A_39 = arith.constant 0 : index
    %get3A_40 = arith.constant 0 : index
    %get3A_41 = vector.load %arg7[%get3A_39, %get3A_40] : memref<1x128xf32, #tpu.memory_space<vmem>>, vector<1x128xf32>
    %add3A_42 = vector.broadcast %get3A_41 : vector<1x128xf32> to vector<1000x128xf32>
    %add3A_43 = arith.addf %dot_general3A_38, %add3A_42 : vector<1000x128xf32>
    %max3A = arith.constant 0.000000e+00 : f32
    %max3A_44 = vector.broadcast %max3A : f32 to vector<1000x128xf32>
    %max3A_45 = arith.maximumf %add3A_43, %max3A_44 : vector<1000x128xf32>
    %get3A_46 = arith.constant 0 : index
    %get3A_47 = arith.constant 0 : index
    %get3A_48 = vector.load %arg8[%get3A_46, %get3A_47] : memref<128x128xf32, #tpu.memory_space<vmem>>, vector<128x128xf32>
    %dot_general3A_49 = arith.constant dense<0.000000e+00> : vector<1000x128xf32>
    %dot_general3A_50 = tpu.matmul %max3A_45, %get3A_48, %dot_general3A_49 {dimension_numbers = #tpu.dot_dimension_numbers<[1], [0], [0], [1], [0, 0, 1, 1], [], []>, transpose_lhs_hint = false} : vector<1000x128xf32>, vector<128x128xf32>, vector<1000x128xf32> -> vector<1000x128xf32>
    %get3A_51 = arith.constant 0 : index
    %get3A_52 = arith.constant 0 : index
    %get3A_53 = vector.load %arg9[%get3A_51, %get3A_52] : memref<1x128xf32, #tpu.memory_space<vmem>>, vector<1x128xf32>
    %add3A_54 = vector.broadcast %get3A_53 : vector<1x128xf32> to vector<1000x128xf32>
    %add3A_55 = arith.addf %dot_general3A_50, %add3A_54 : vector<1000x128xf32>
    %swap3A_56 = arith.constant 0 : index
    %swap3A_57 = arith.constant 0 : index
    %swap3A_58 = vector.load %arg11[%swap3A_56, %swap3A_57] : memref<1000x128xf32, #tpu.memory_space<vmem>>, vector<1000x128xf32>
    tpu.vector_store %arg11[%swap3A_56, %swap3A_57], %add3A_55 {strides = array<i32>} : memref<1000x128xf32, #tpu.memory_space<vmem>>, vector<1000x128xf32>,
    return
  }
  func.func @transform_0(%arg0: i32) -> (i32, i32, i32) {
    %c0_i32 = arith.constant 0 : i32
    %c0_i32_0 = arith.constant 0 : i32
    %c0_i32_1 = arith.constant 0 : i32
    %c0_i32_2 = arith.constant 0 : i32
    return %c0_i32, %c0_i32_0, %c0_i32_1 : i32, i32, i32
  }
  func.func @transform_1(%arg0: i32) -> (i32, i32, i32) {
    %c0_i32 = arith.constant 0 : i32
    %c0_i32_0 = arith.constant 0 : i32
    %c0_i32_1 = arith.constant 0 : i32
    %c0_i32_2 = arith.constant 0 : i32
    return %c0_i32, %c0_i32_0, %c0_i32_1 : i32, i32, i32
  }
  func.func @transform_2(%arg0: i32) -> (i32, i32) {
    %c0_i32 = arith.constant 0 : i32
    %c0_i32_0 = arith.constant 0 : i32
    %c0_i32_1 = arith.constant 0 : i32
    return %c0_i32, %c0_i32_0 : i32, i32
  }
  func.func @transform_3(%arg0: i32) -> (i32, i32) {
    %c0_i32 = arith.constant 0 : i32
    %c0_i32_0 = arith.constant 0 : i32
    %c0_i32_1 = arith.constant 0 : i32
    return %c0_i32, %c0_i32_0 : i32, i32
  }
  func.func @transform_4(%arg0: i32) -> (i32, i32) {
    %c0_i32 = arith.constant 0 : i32
    %c0_i32_0 = arith.constant 0 : i32
    return %arg0, %c0_i32 : i32, i32
  }
  func.func @transform_5(%arg0: i32) -> (i32, i32) {
    %c0_i32 = arith.constant 0 : i32
    %c0_i32_0 = arith.constant 0 : i32
    %c0_i32_1 = arith.constant 0 : i32
    return %c0_i32, %c0_i32_0 : i32, i32
  }
  func.func @transform_6(%arg0: i32) -> (i32, i32) {
    %c0_i32 = arith.constant 0 : i32
    %c0_i32_0 = arith.constant 0 : i32
    %c0_i32_1 = arith.constant 0 : i32
    return %c0_i32, %c0_i32_0 : i32, i32
  }
  func.func @transform_7(%arg0: i32) -> (i32, i32) {
    %c0_i32 = arith.constant 0 : i32
    %c0_i32_0 = arith.constant 0 : i32
    %c0_i32_1 = arith.constant 0 : i32
    return %c0_i32, %c0_i32_0 : i32, i32
  }
  func.func @transform_8(%arg0: i32) -> (i32, i32) {
    %c0_i32 = arith.constant 0 : i32
    %c0_i32_0 = arith.constant 0 : i32
    %c0_i32_1 = arith.constant 0 : i32
    return %c0_i32, %c0_i32_0 : i32, i32
  }
  func.func @transform_9(%arg0: i32) -> (i32, i32) {
    %c0_i32 = arith.constant 0 : i32
    %c0_i32_0 = arith.constant 0 : i32
    return %arg0, %c0_i32 : i32, i32
  }
  func.func @transform_10(%arg0: i32) -> (i32, i32) {
    %c0_i32 = arith.constant 0 : i32
    %c0_i32_0 = arith.constant 0 : i32
    return %arg0, %c0_i32 : i32, i32
  }
}

module attributes {stable_mosaic.version = 14 : i64} {
  func.func @body(%arg0: i32, %arg1: memref<1x1x1000xi32, #tpu.memory_space<vmem>>, %arg2: memref<1000x128xf32, #tpu.memory_space<vmem>>, %arg3: memref<1000x128xf32, #tpu.memory_space<vmem>>, %arg4: memref<1000x128xf32, #tpu.memory_space<vmem>>, %arg5: memref<64x384xf32, #tpu.memory_space<vmem>>) attributes {dimension_semantics = [#tpu.dimension_semantics<arbitrary>], iteration_bounds = array<i64: 10>, scalar_prefetch = 0 : i64, scratch_operands = 0 : i64, tpu.core_type = #tpu.core_type<tc>, window_params = [{transform_indices = @transform_0, window_bounds = array<i64: 1, 1, 1000>}, {transform_indices = @transform_1, window_bounds = array<i64: 1000, 128>}, {transform_indices = @transform_2, window_bounds = array<i64: 1000, 128>}, {transform_indices = @transform_3, window_bounds = array<i64: 1000, 128>}, {pipeline_mode = #tpu.pipeline_mode<synchronous>, transform_indices = @transform_4, window_bounds = array<i64: 64, 384>}]} {
    %get3A = arith.constant 0 : index
    %get3A_0 = arith.constant 0 : index
    %get3A_1 = arith.constant 0 : index
    %get3A_2 = vector.load %arg1[%get3A, %get3A_0, %get3A_1] : memref<1x1x1000xi32, #tpu.memory_space<vmem>>, vector<1x1x1000xi32>
    %get3A_3 = vector.shape_cast %get3A_2 : vector<1x1x1000xi32> to vector<1000xi32>
    %iota3A = tpu.iota {dimensions = array<i32: 0>} : vector<64x1000xi32>
    %broadcast_in_dim3A = vector.shape_cast %get3A_3 : vector<1000xi32> to vector<1x1000xi32>
    %eq3A = vector.broadcast %broadcast_in_dim3A : vector<1x1000xi32> to vector<64x1000xi32>
    %eq3A_4 = arith.cmpi eq, %iota3A, %eq3A : vector<64x1000xi32>
    %convert_element_type3A = arith.extui %eq3A_4 : vector<64x1000xi1> to vector<64x1000xi32>
    %convert_element_type3A_5 = arith.sitofp %convert_element_type3A : vector<64x1000xi32> to vector<64x1000xf32>
    %get3A_6 = arith.constant 0 : index
    %get3A_7 = arith.constant 0 : index
    %get3A_8 = vector.load %arg2[%get3A_6, %get3A_7] : memref<1000x128xf32, #tpu.memory_space<vmem>>, vector<1000x128xf32>
    %get3A_9 = arith.constant 0 : index
    %get3A_10 = arith.constant 0 : index
    %get3A_11 = vector.load %arg3[%get3A_9, %get3A_10] : memref<1000x128xf32, #tpu.memory_space<vmem>>, vector<1000x128xf32>
    %get3A_12 = arith.constant 0 : index
    %get3A_13 = arith.constant 0 : index
    %get3A_14 = vector.load %arg4[%get3A_12, %get3A_13] : memref<1000x128xf32, #tpu.memory_space<vmem>>, vector<1000x128xf32>
    %concatenate3A = tpu.concatenate %get3A_8, %get3A_11, %get3A_14 in 1 : vector<1000x128xf32>, vector<1000x128xf32>, vector<1000x128xf32> -> vector<1000x384xf32>
    %dot_general3A = arith.constant dense<0.000000e+00> : vector<64x384xf32>
    %dot_general3A_15 = tpu.matmul %convert_element_type3A_5, %concatenate3A, %dot_general3A {dimension_numbers = #tpu.dot_dimension_numbers<[1], [0], [0], [1], [0, 0, 1, 1], [], []>, transpose_lhs_hint = false} : vector<64x1000xf32>, vector<1000x384xf32>, vector<64x384xf32> -> vector<64x384xf32>
    %eq3A_16 = arith.constant 0 : i32
    %eq3A_17 = arith.cmpi eq, %arg0, %eq3A_16 : i32
    %convert_element_type3A_18 = arith.extui %eq3A_17 : i1 to i32
    %cond3A = arith.constant 0 : i32
    %cond3A_19 = arith.cmpi ne, %convert_element_type3A_18, %cond3A : i32
    scf.if %cond3A_19 {
      %swap3A = arith.constant 0 : index
      %swap3A_24 = arith.constant 0 : index
      %swap3A_25 = vector.load %arg5[%swap3A, %swap3A_24] : memref<64x384xf32, #tpu.memory_space<vmem>>, vector<64x384xf32>
      tpu.vector_store %arg5[%swap3A, %swap3A_24], %dot_general3A_15 {strides = array<i32>} : memref<64x384xf32, #tpu.memory_space<vmem>>, vector<64x384xf32>,
    } else {
    }
    %gt3A = arith.constant 0 : i32
    %gt3A_20 = arith.cmpi sgt, %arg0, %gt3A : i32
    %convert_element_type3A_21 = arith.extui %gt3A_20 : i1 to i32
    %cond3A_22 = arith.constant 0 : i32
    %cond3A_23 = arith.cmpi ne, %convert_element_type3A_21, %cond3A_22 : i32
    scf.if %cond3A_23 {
      %get3A_24 = arith.constant 0 : index
      %get3A_25 = arith.constant 0 : index
      %get3A_26 = vector.load %arg5[%get3A_24, %get3A_25] : memref<64x384xf32, #tpu.memory_space<vmem>>, vector<64x384xf32>
      %add3A = arith.addf %get3A_26, %dot_general3A_15 : vector<64x384xf32>
      %swap3A = arith.constant 0 : index
      %swap3A_27 = arith.constant 0 : index
      %swap3A_28 = vector.load %arg5[%swap3A, %swap3A_27] : memref<64x384xf32, #tpu.memory_space<vmem>>, vector<64x384xf32>
      tpu.vector_store %arg5[%swap3A, %swap3A_27], %add3A {strides = array<i32>} : memref<64x384xf32, #tpu.memory_space<vmem>>, vector<64x384xf32>,
    } else {
    }
    return
  }
  func.func @transform_0(%arg0: i32) -> (i32, i32, i32) {
    %c0_i32 = arith.constant 0 : i32
    %c0_i32_0 = arith.constant 0 : i32
    %c0_i32_1 = arith.constant 0 : i32
    return %arg0, %c0_i32, %c0_i32_0 : i32, i32, i32
  }
  func.func @transform_1(%arg0: i32) -> (i32, i32) {
    %c0_i32 = arith.constant 0 : i32
    %c0_i32_0 = arith.constant 0 : i32
    return %arg0, %c0_i32 : i32, i32
  }
  func.func @transform_2(%arg0: i32) -> (i32, i32) {
    %c0_i32 = arith.constant 0 : i32
    %c0_i32_0 = arith.constant 0 : i32
    return %arg0, %c0_i32 : i32, i32
  }
  func.func @transform_3(%arg0: i32) -> (i32, i32) {
    %c0_i32 = arith.constant 0 : i32
    %c0_i32_0 = arith.constant 0 : i32
    return %arg0, %c0_i32 : i32, i32
  }
  func.func @transform_4(%arg0: i32) -> (i32, i32) {
    %c0_i32 = arith.constant 0 : i32
    %c0_i32_0 = arith.constant 0 : i32
    %c0_i32_1 = arith.constant 0 : i32
    return %c0_i32, %c0_i32_0 : i32, i32
  }
}

</mosaic_0001>

<sc_bundles>
// kernel: kernel.11.cloned.1.call-start
scs
__scs_entry_jumppad:
0x0: {  	(pc) =	sbr.rel $0x88, $3  }
0x1: {  	(tag) =	ssettag $0x0;
	lr =	simm.s32 $0x1  }
0x2: {  	[smem:$0x3F91] =	sst lr;
	_ =	strace $0xD0000000  }
0x3: {  	_ = 	snop  }
0x4: {  	_ = 	snop  }
0x5: {  	_ = 	snop  }
0x6: {  	_ = 	snop  }
0x7: {  	_ = 	snop  }
__scs_overlays_trampoline_lowered:
0x8: {  	[smem:$0x3FA0] =	sst s0  }
0x9: {  	[smem:$0x3FA1] =	sst s1  }
0xa: {  	[smem:$0x3FA2] =	sst s2  }
0xb: {  	[smem:$0x3FA3] =	sst s3  }
0xc: {  	[smem:$0x3FA4] =	sst s4  }
0xd: {  	[smem:$0x3FA5] =	sst s5  }
0xe: {  	[smem:$0x3FA6] =	sst s6  }
0xf: {  	[smem:$0x3FA7] =	sst s7  }
0x10: {  	[smem:$0x3FA8] =	sst s8  }
0x11: {  	[smem:$0x3FA9] =	sst s9;
	s0 =	simm.s32 @!p0 $0x0  }
0x12: {  	s1 =	sld [smem:$0x3F8F];
	s0 =	simm.s32 @p0 $0x1  }
0x13: {  	[smem:$0x3FAA] =	sst s0;
	s0 =	simm.s32 @!p1 $0x0  }
0x14: {  	s2 =	sld [smem:$0x3F8E];
	s0 =	simm.s32 @p1 $0x1  }
0x15: {  	[smem:$0x3FAB] =	sst s0;
	s0 =	simm.s32 @!p2 $0x0  }
0x16: {  	s3 =	sld [smem:$0x3FDB];
	s0 =	simm.s32 @p2 $0x1  }
0x17: {  	s4 =	simm.s32 $0x1BF5;
	[smem:$0x3FAD] =	sst s0  }
0x18: {  	s0 =	sld [smem:$0x3F90];
	_ =	swait.ge [sflag:s4], $0x0  }
0x19: {  	s7 =	sld [smem:$0x3F91]  }
0x1a: {  	s8 =	sadd.s32 $0xFFFFE003, lr  }
0x1b: {  	s9 =	sadd.s32 $0xFFFFFEF7, lr;
	s5 =	simm.s32 $0xFFFFFFFF;
	p2 =	slt.u32 s8, $0xFFFFF086  }
0x1c: {  	p1 =	slt.u32 s9, $0xF7A;
	s5 =	simm.s32 @!p2 $0x0  }
0x1d: {  	s5 =	simm.s32 @p1 $0x1;
	p0 =	seq.s32 s7, s2  }
0x1e: {  	s7 =	smul.u32 @!p0 $0xF7A, s2;
	p2 =	seq.s32 @!p0 s5, $0x0  }
0x1f: {  	s9 =	smul.u32 $0xF7A, s1;
	s8 =	simm.s32 @!p0 $0x1BF5;
	p2 =	por !p2, p0  }
0x20: {  	[sflag:s8] =	ssyncset.s32 @!p0 $0xFFFFF086;
	s6 =	sadd.s32 @!p0 s3, s7;
	s7 =	simm.s32 @!p0 $0x108  }
0x21: {  	s3 =	sadd.s32 s3, s9;
	s6 =	sadd.s32 @!p0 $0x88, s6;
	s7 =	simm.s32 @p2 $0x1082  }
0x22: {  	[simem:s7], [sflag:s8] =	dma.local @!p0 [hbm:s6], $0xF7A  }
0x23: {  	s9 =	sor.u32 $0xD0000000, s2;
	s6 =	simm.s32 $0x108;
	_ =	swait.ge @!p0 [sflag:s8], $0x0  }
0x24: {  	s3 =	sadd.s32 $0x88, s3;
	s6 =	simm.s32 @!p1 $0x1082;
	[sflag:s4] =	ssyncset.s32 $0xFFFFF086  }
0x25: {  	[simem:s6], [sflag:s4] =	dma.local [hbm:s3], $0xF7A  }
0x26: {  	[smem:$0x3F91] =	sst s1;
	(tag) =	ssettag s2;
	_ =	strace s9  }
0x27: {  	s1 =	sld [smem:$0x3FA1]  }
0x28: {  	s2 =	sld [smem:$0x3FA2]  }
0x29: {  	s4 =	sld [smem:$0x3FA4]  }
0x2a: {  	p0 =	seq.s32 s5, $0x0;
	s5 =	sld [smem:$0x3FA5]  }
0x2b: {  	s6 =	sld [smem:$0x3FA6]  }
0x2c: {  	s7 =	sld [smem:$0x3FA7]  }
0x2d: {  	s3 =	simm.s32 $0x108;
	s8 =	sld [smem:$0x3FA8]  }
0x2e: {  	s3 =	simm.s32 @!p0 $0x1082;
	s9 =	sld [smem:$0x3FA9]  }
0x2f: {  	lr =	sadd.s32 s0, s3;
	s0 =	sld [smem:$0x3FA0]  }
0x30: {  	s3 =	sld [smem:$0x3FA3]  }
0x31: {  	[smem:$0x3FAC] =	sst s10  }
0x32: {  	s10 =	sld [smem:$0x3FAA];
	_ =	sdelay $0x3  }
0x33: {  	p0 =	seq.s32 s10, $0x1;
	s10 =	sld [smem:$0x3FAC];
	_ =	sdelay $0x3  }
0x34: {  	[smem:$0x3FAC] =	sst s10  }
0x35: {  	s10 =	sld [smem:$0x3FAB];
	_ =	sdelay $0x3  }
0x36: {  	p1 =	seq.s32 s10, $0x1;
	s10 =	sld [smem:$0x3FAC];
	_ =	sdelay $0x3  }
0x37: {  	[smem:$0x3FAC] =	sst s10  }
0x38: {  	s10 =	sld [smem:$0x3FAD]  }
0x39: {  	_ = 	snop;
	(pc) =	sbr.ind lr, $3  }
0x3a: {  	_ = 	snop  }
0x3b: {  	_ = 	snop  }
0x3c: {  	p2 =	seq.s32 s10, $0x1;
	s10 =	sld [smem:$0x3FAC]  }
0x3d: {  	_ =	shalt  }
0x3e: {  	_ =	shalt  }
0x3f: {  	_ =	shalt  }
0x40: {  	_ =	shalt  }
0x41: {  	_ =	shalt  }
0x42: {  	_ =	shalt  }
0x43: {  	_ =	shalt  }
0x44: {  	_ =	shalt  }
0x45: {  	_ =	shalt  }
0x46: {  	_ =	shalt  }
0x47: {  	_ =	shalt  }
0x48: {  	_ =	shalt  }
0x49: {  	_ =	shalt  }
0x4a: {  	_ =	shalt  }
0x4b: {  	_ =	shalt  }
0x4c: {  	_ =	shalt  }
0x4d: {  	_ =	shalt  }
0x4e: {  	_ =	shalt  }
0x4f: {  	_ =	shalt  }
0x50: {  	_ =	shalt  }
0x51: {  	_ =	shalt  }
0x52: {  	_ =	shalt  }
0x53: {  	_ =	shalt  }
0x54: {  	_ =	shalt  }
0x55: {  	_ =	shalt  }
0x56: {  	_ =	shalt  }
0x57: {  	_ =	shalt  }
0x58: {  	_ =	shalt  }
0x59: {  	_ =	shalt  }
0x5a: {  	_ =	shalt  }
0x5b: {  	_ =	shalt  }
0x5c: {  	_ =	shalt  }
0x5d: {  	_ =	shalt  }
0x5e: {  	_ =	shalt  }
0x5f: {  	_ =	shalt  }
0x60: {  	_ =	shalt  }
0x61: {  	_ =	shalt  }
0x62: {  	_ =	shalt  }
0x63: {  	_ =	shalt  }
0x64: {  	_ =	shalt  }
0x65: {  	_ =	shalt  }
0x66: {  	_ =	shalt  }
0x67: {  	_ =	shalt  }
0x68: {  	_ =	shalt  }
0x69: {  	_ =	shalt  }
0x6a: {  	_ =	shalt  }
0x6b: {  	_ =	shalt  }
0x6c: {  	_ =	shalt  }
0x6d: {  	_ =	shalt  }
0x6e: {  	_ =	shalt  }
0x6f: {  	_ =	shalt  }
0x70: {  	_ =	shalt  }
0x71: {  	_ =	shalt  }
0x72: {  	_ =	shalt  }
0x73: {  	_ =	shalt  }
0x74: {  	_ =	shalt  }
0x75: {  	_ =	shalt  }
0x76: {  	_ =	shalt  }
0x77: {  	_ =	shalt  }
0x78: {  	_ =	shalt  }
0x79: {  	_ =	shalt  }
0x7a: {  	_ =	shalt  }
0x7b: {  	_ =	shalt  }
0x7c: {  	_ =	shalt  }
0x7d: {  	_ =	shalt  }
0x7e: {  	_ =	shalt  }
0x7f: {  	_ =	shalt  }
0x80: {  	_ =	shalt  }
0x81: {  	_ =	shalt  }
0x82: {  	_ =	shalt  }
0x83: {  	_ =	shalt  }
0x84: {  	_ =	shalt  }
0x85: {  	_ =	shalt  }
0x86: {  	_ =	shalt  }
0x87: {  	_ =	shalt  }
.Lfunc_end0:
.L_simem_size_0:
called_computation_lowered:
.L_overlay_start_0:
0x88: {  	s2 =	sld [smem:$0x3FD9]  }
0x89: {  	s3 =	sld [smem:$0x3FFE];
	_ =	sdelay $0x1  }
0x8a: {  	s1 =	srdreg.scid  }
0x8b: {  	s0 =	sand.u32 $0x1, s1  }
0x8c: {  	s14 =	sshll.u32 s0, $0xA;
	s2 =	sadd.s32 s3, s2  }
0x8d: {  	s2 =	sadd.s32 s2, s14  }
0x8e: {  	[smem:$0x3FB8] =	sst s2  }
0x8f: {  	_ = 	snop  }
0x90: {  	s2 =	sld [smem:$0x3FD0];
	_ =	sdelay $0x2  }
0x91: {  	s4 =	simm.s32 $0xA;
	s5 =	simm.s32 $0x10;
	s15 =	sld [smem:$0x3FC7]  }
0x92: {  	[smem:s5], [sflag:s4] =	dma.local [hbm:s2], $0x1  }
0x93: {  	_ =	swait.eq [sflag:s4], $0x1  }
0x94: {  	[sflag:s4] =	ssyncset.done $0x0  }
0x95: {  	[sflag:s4] =	ssyncadd.s32 $0xFFFFFFFF  }
0x96: {  	s16 =	sld [smem:$0x11];
	(tm) =	ssettm $0x1  }
0x97: {  	s17 =	sld [smem:$0x3FFB];
	_ =	sdelay $0x3  }
0x98: {  	_ =	strace s17  }
0x99: {  	s4 =	sld [smem:$0x3FFC];
	_ =	sdelay $0x3  }
0x9a: {  	_ =	strace s4  }
0x9b: {  	s4 =	sld [smem:$0x3FFD];
	_ =	sdelay $0x3  }
0x9c: {  	_ =	strace s4  }
0x9d: {  	_ =	strace $0x8FFFFFFF  }
0x9e: {  	s18 =	sld [smem:$0x3FDB];
	_ =	sdelay $0x1  }
0x9f: {  	s19 =	simm.s32 $_scs_section_size  }
0xa0: {  	s6 =	simm.s32 $_size__tile_overlayer_lowered;
	s7 =	simm.s32 $_tile_overlayer_lowered  }
0xa1: {  	s22 =	simm.s32 $0x1BFF;
	s21 =	sshll.u32 s7, $0x1;
	s4 =	sadd.s32 s19, s18  }
0xa2: {  	s8 =	simm.s32 $0x0;
	s20 =	sshll.u32 s6, $0x1;
	s6 =	sadd.s32 s21, s4  }
0xa3: {  	[timem:s8], [sflag:s22] =	dma.local [hbm:s6], s20  }
0xa4: {  	_ =	swait.ge [sflag:s22], s20  }
0xa5: {  	s5 =	ssub.s32 $0x0, s20;
	[sflag:s22] =	ssyncset.done $0x0  }
0xa6: {  	[sflag:s22] =	ssyncadd.s32 s5;
	_ =	sdelay $0x1  }
0xa7: {  	s23 =	simm.s32 $0x1B8B  }
0xa8: {  	_ =	swait.ge [sflag:s23], $0x1  }
0xa9: {  	[sflag:s23] =	ssyncset.done $0x0  }
0xaa: {  	s25 =	simm.s32 $0x1B8E;
	s24 =	sld [smem:$0x3FFE];
	[sflag:s23] =	ssyncadd.s32 $0xFFFFFFFF  }
0xab: {  	s26 =	simm.s32 $execute0_lowered;
	[smem:$0x3FD2] =	sst s25  }
0xac: {  	s6 =	sshll.u32 s26, $0x1;
	_ =	strace $0x80000046;
	[dreg:$0x1] =	wrdreg $0xFFFFFFFF  }
0xad: {  	s28 =	simm.s32 $_size_execute0_lowered;
	s4 =	sadd.s32 s4, s6;
	[dreg:$0x0] =	wrdreg $0x0  }
0xae: {  	s6 =	sshll.u32 s28, $0x1;
	[dreg:$0x2] =	wrdreg s4  }
0xaf: {  	[dreg:$0x3] =	wrdreg s6  }
0xb0: {  	[dreg:$0x4] =	wrdreg $0xC0  }
0xb1: {  	_ =	task [dreg:s8], $0x5FFFF  }
0xb2: {  	[dreg:$0x1] =	wrdreg $0xFFFFFFFF  }
0xb3: {  	[dreg:$0x0] =	wrdreg $0x60  }
0xb4: {  	[dreg:$0x2] =	wrdreg s24  }
0xb5: {  	[dreg:$0x3] =	wrdreg s15  }
0xb6: {  	[dreg:$0x4] =	wrdreg s16  }
0xb7: {  	[dreg:$0x5] =	wrdreg $0x0  }
0xb8: {  	[dreg:$0x6] =	wrdreg $0x9  }
0xb9: {  	_ =	task.clear_ibuf [dreg:s8], $0x7FFFF;
	_ =	strace $0x90000046  }
0xba: {  	s29 =	simm.s32 $0x9;
	_ =	strace $0x80000048  }
0xbb: {  	_ =	swait.ge [sflag:s29], $0x1  }
0xbc: {  	[sflag:s29] =	ssyncadd.s32 $0xFFFFFFFF  }
0xbd: {  	_ =	strace $0x90000048  }
0xbe: {  	_ =	sfence  }
0xbf: {  	s30 =	sld [smem:$0x0];
	_ =	sdelay $0x2  }
0xc0: {  	s31 =	sshll.u32 s1, $0xD;
	s1 =	sshrl.u32 s1, $0x2  }
0xc1: {  	s3 =	sand.u32 $0x4000, s31;
	s1 =	sadd.s32 s1, s30  }
0xc2: {  	s0 =	sor.u32 s3, s0;
	s1 =	sshll.u32 s1, $0x11  }
0xc3: {  	s0 =	sor.u32 s1, s0  }
0xc4: {  	s0 =	sadd.s32 $0x8F2B, s0  }
0xc5: {  	[sflag:s0] =	ssyncadd.remote.s32 $0x1  }
0xc6: {  	_ =	sfence.sel $0xFFFF  }
0xc7: {  	[dreg:$0x0] =	wrdreg $0xFFFFFFFF;
	(pc) =	sbr.abs _section_cstart, $3  }
0xc8: {  	[dreg:$0x1] =	wrdreg $0xFFFFFFFF  }
0xc9: {  	_ =	task.clear_ibuf [dreg:s8], $0x2FFFF;
	_ =	strace $0x9FFFFFFF  }
0xca: {  	(tm) =	ssettm $0x7FFFFFFF  }
0xcb: {  	_ =	shalt  }
tec
execute0_lowered:
.L_overlay_start_1:
0x0: {  	(tag) =	ssettag $0x1  }
0x1: {  	s0 =	rddreg [dreg:$0x0]  }
0x2: {  	s1 =	rddreg [dreg:$0x1]  }
0x3: {  	s2 =	rddreg [dreg:$0x2]  }
0x4: {  	s3 =	rddreg [dreg:$0x3];
	s5 =	srdreg.scid  }
0x5: {  	s11 =	stileid.u32;
	s4 =	simm.s32 $0x0;
	s19 =	simm.s32 $0x5  }
0x6: {  	s20 =	simm.s32 $0x280;
	s28 =	simm.s32 $0x2;
	s29 =	simm.s32 $0x4  }
0x7: {  	s30 =	simm.s32 $0x0;
	s8 =	sand.u32 $0x1, s5;
	s9 =	smul.u32 $0x280, s11  }
0x8: {  	s21 =	sshll.u32 s11, $0x1;
	[smem:$0x7FF] =	sst s4;
	s12 =	smul.u32 $0x4E20, s11  }
0x9: {  	s5 =	sor.u32 s8, s21;
	_ =	strace $0x80000047;
	s10 =	smul.u32 $0x2800, s8  }
0xa: {  	s6 =	ssub.s32 $0x2, s8;
	s14 =	smul.u32 $0x2710, s8;
	s21 =	simm.s32 $0x320  }
0xb: {  	s7 =	smul.u32 $0x2710, s5;
	s5 =	sadd.s32 $0xDC00, s0;
	s22 =	sshrl.u32 s6, $0x1  }
0xc: {  	s0 =	ssub.s32 s6, s22;
	s6 =	sadd.s32 s9, s3;
	s10 =	sadd.s32 s9, s10  }
0xd: {  	s24 =	sadd.s32 s14, s12;
	s22 =	simm.s32 $0x2D0;
	s13 =	sshrl.u32 s7, $0x3  }
0xe: {  	s15 =	sshrl.u32 s10, $0x3;
	s12 =	smax.u32 s0, $0x1;
	s26 =	sadd.s32 $0xF0, s24  }
0xf: {  	s17 =	sadd.s32 $0xA0, s24;
	s24 =	simm.s32 $0x1;
	s7 =	sadd.s32 s5, s13  }
0x10: {  	s23 =	sadd.s32 $0xA, s13;
	s8 =	sadd.s32 s1, s13;
	s11 =	sadd.s32 s2, s15  }
0x11: {  	s25 =	sadd.s32 $0x4D8, s13;
	s31 =	sshrl.u32 s26, $0x3;
	s26 =	simm.s32 $0x50  }
0x12: {  	[dreg:$0x5] =	wrdreg s7;
	s9 =	sadd.s32 s5, s23;
	s10 =	sadd.s32 s1, s23  }
0x13: {  	s13 =	sadd.s32 s5, s25;
	s14 =	sadd.s32 s1, s25;
	s15 =	sadd.s32 s31, s1  }
0x14: {  	v0 =	vimm.f32 $0.0e+00;
	s16 =	sadd.s32 s31, s5;
	s23 =	simm.s32 $0x370;
	s25 =	simm.s32 $0x3  }
.LBB2_1:
0x15: {  	[tilespmem:$0x3C0] =	vst v0  }
0x16: {  	[tilespmem:$0x3D0] =	vst v0  }
0x17: {  	[tilespmem:$0x3E0] =	vst v0  }
0x18: {  	[tilespmem:$0x3F0] =	vst v0  }
0x19: {  	[tilespmem:$0x400] =	vst v0  }
0x1a: {  	[tilespmem:$0x410] =	vst v0  }
0x1b: {  	[tilespmem:$0x420] =	vst v0  }
0x1c: {  	[tilespmem:$0x430] =	vst v0  }
0x1d: {  	[tilespmem:$0x440] =	vst v0  }
0x1e: {  	[tilespmem:$0x450] =	vst v0  }
0x1f: {  	[tilespmem:$0x460] =	vst v0  }
0x20: {  	[tilespmem:$0x470] =	vst v0  }
0x21: {  	[tilespmem:$0x480] =	vst v0  }
0x22: {  	[tilespmem:$0x490] =	vst v0  }
0x23: {  	[tilespmem:$0x4A0] =	vst v0  }
0x24: {  	[tilespmem:$0x4B0] =	vst v0  }
0x25: {  	[tilespmem:$0x4C0] =	vst v0  }
0x26: {  	[tilespmem:$0x4D0] =	vst v0  }
0x27: {  	[tilespmem:$0x4E0] =	vst v0  }
0x28: {  	[tilespmem:$0x4F0] =	vst v0  }
0x29: {  	[tilespmem:$0x500] =	vst v0  }
0x2a: {  	[tilespmem:$0x510] =	vst v0  }
0x2b: {  	[tilespmem:$0x520] =	vst v0  }
0x2c: {  	[tilespmem:$0x530] =	vst v0  }
0x2d: {  	[tilespmem:$0x540] =	vst v0  }
0x2e: {  	[tilespmem:$0x550] =	vst v0  }
0x2f: {  	[tilespmem:$0x560] =	vst v0  }
0x30: {  	[tilespmem:$0x570] =	vst v0  }
0x31: {  	[tilespmem:$0x580] =	vst v0  }
0x32: {  	[tilespmem:$0x590] =	vst v0  }
0x33: {  	[tilespmem:$0x5A0] =	vst v0  }
0x34: {  	[tilespmem:$0x5B0] =	vst v0  }
0x35: {  	[tilespmem:$0x5C0] =	vst v0  }
0x36: {  	[tilespmem:$0x5D0] =	vst v0  }
0x37: {  	[tilespmem:$0x5E0] =	vst v0  }
0x38: {  	[tilespmem:$0x5F0] =	vst v0  }
0x39: {  	[tilespmem:$0x600] =	vst v0  }
0x3a: {  	[tilespmem:$0x610] =	vst v0  }
0x3b: {  	[tilespmem:$0x620] =	vst v0  }
0x3c: {  	[tilespmem:$0x630] =	vst v0;
	s0 =	simm.s32 $0x3C0  }
0x3d: {  	[spmem:s6] =	stream.linear.scatter [tilespmem:s0], [sflag:$0x5], $0x280, $0x38;
	[tilespmem:$0x640] =	vst v63  }
0x3e: {  	_ =	swait.ge [sflag:s19], $0x280  }
0x3f: {  	[sflag:s19] =	ssyncset.done $0x0  }
0x40: {  	[sflag:s19] =	ssyncadd.s32 $0xFFFFFD80  }
0x41: {  	[bflag:$0x0] =	sbarrier.arrive $0xFFFF  }
0x42: {  	s2 =	rddreg [dreg:$0x5]  }
0x43: {  	[tilespmem:s20], [sflag:$0x1] =	stream.linear.gather [hbm4b:s2+s4], $0x50, $0x38;
	[tilespmem:$0x640] =	vst v63  }
0x44: {  	_ = 	snop  }
0x45: {  	[tilespmem:s21], [sflag:$0x3] =	stream.linear.gather [hbm4b:s8+s4], $0x50, $0x38;
	[tilespmem:$0x640] =	vst v63  }
0x46: {  	_ = 	snop  }
0x47: {  	[tilespmem:s22], [sflag:$0x2] =	stream.linear.gather [hbm4b:s9+s4], $0x50, $0x38;
	[tilespmem:$0x640] =	vst v63  }
0x48: {  	_ = 	snop  }
0x49: {  	[tilespmem:s23], [sflag:$0x4] =	stream.linear.gather [hbm4b:s10+s4], $0x50, $0x38;
	[tilespmem:$0x640] =	vst v63  }
0x4a: {  	_ =	swait.ge [sflag:s24], $0x50  }
0x4b: {  	[sflag:s24] =	ssyncset.done $0x0  }
0x4c: {  	[sflag:s24] =	ssyncadd.s32 $0xFFFFFFB0  }
0x4d: {  	_ =	swait.ge [sflag:s25], $0x50  }
0x4e: {  	[sflag:s25] =	ssyncset.done $0x0  }
0x4f: {  	[sflag:s25] =	ssyncadd.s32 $0xFFFFFFB0  }
0x50: {  	[spmem:s3] =	stream.indirect.scatter.add.f32 [tilespmem:s21], [sflag:$0x5], $0x1, s20, s26, $0xb8;
	[tilespmem:$0x640] =	vst v63  }
0x51: {  	_ =	swait.ge [sflag:s19], $0x50  }
0x52: {  	s7 =	sshrl.u32 s17, $0x3;
	[sflag:s19] =	ssyncset.done $0x0  }
0x53: {  	s2 =	sadd.s32 s5, s7;
	[sflag:s19] =	ssyncadd.s32 $0xFFFFFFB0  }
0x54: {  	[tilespmem:s20], [sflag:$0x1] =	stream.linear.gather [hbm4b:s2+s4], $0x50, $0x38;
	[tilespmem:$0x640] =	vst v63  }
0x55: {  	s0 =	sadd.s32 s1, s7  }
0x56: {  	[tilespmem:s21], [sflag:$0x3] =	stream.linear.gather [hbm4b:s0+s4], $0x50, $0x38;
	[tilespmem:$0x640] =	vst v63  }
0x57: {  	_ =	swait.ge [sflag:s28], $0x50  }
0x58: {  	[sflag:s28] =	ssyncset.done $0x0  }
0x59: {  	[sflag:s28] =	ssyncadd.s32 $0xFFFFFFB0  }
0x5a: {  	_ =	swait.ge [sflag:s29], $0x50  }
0x5b: {  	[sflag:s29] =	ssyncset.done $0x0  }
0x5c: {  	[sflag:s29] =	ssyncadd.s32 $0xFFFFFFB0  }
0x5d: {  	[spmem:s3] =	stream.indirect.scatter.add.f32 [tilespmem:s23], [sflag:$0x5], $0x1, s22, s26, $0xb8;
	[tilespmem:$0x640] =	vst v63  }
0x5e: {  	_ =	swait.ge [sflag:s19], $0x50  }
0x5f: {  	s18 =	sadd.s32 $0x0, s16;
	s31 =	simm.s32 $0x14;
	[sflag:s19] =	ssyncset.done $0x0  }
0x60: {  	s2 =	sadd.s32 $0x0, s15;
	s0 =	sadd.s32 $0xA0, s17;
	[sflag:s19] =	ssyncadd.s32 $0xFFFFFFB0  }
0x61: {  	[tilespmem:s22], [sflag:$0x2] =	stream.linear.gather [hbm4b:s18+s4], $0x50, $0x38;
	[tilespmem:$0x640] =	vst v63  }
.LBB2_2:
0x62: {  	[tilespmem:s23], [sflag:$0x4] =	stream.linear.gather [hbm4b:s2+s4], $0x50, $0x38;
	[tilespmem:$0x640] =	vst v63  }
0x63: {  	s2 =	smov.u32 s31  }
0x64: {  	p0 =	sne.s32 s31, $0x4B0;
	s31 =	sadd.s32 $0x14, s31;
	_ =	swait.ge [sflag:s24], $0x50  }
0x65: {  	[sflag:s24] =	ssyncset.done $0x0  }
0x66: {  	[sflag:s24] =	ssyncadd.s32 $0xFFFFFFB0  }
0x67: {  	_ =	swait.ge [sflag:s25], $0x50  }
0x68: {  	[sflag:s25] =	ssyncset.done $0x0  }
0x69: {  	[sflag:s25] =	ssyncadd.s32 $0xFFFFFFB0  }
0x6a: {  	[spmem:s3] =	stream.indirect.scatter.add.f32 [tilespmem:s21], [sflag:$0x5], $0x1, s20, s26, $0xb8;
	[tilespmem:$0x640] =	vst v63  }
0x6b: {  	_ =	swait.ge [sflag:s19], $0x50  }
0x6c: {  	s18 =	sshrl.u32 s0, $0x3;
	[sflag:s19] =	ssyncset.done $0x0  }
0x6d: {  	s7 =	sadd.s32 s5, s18;
	[sflag:s19] =	ssyncadd.s32 $0xFFFFFFB0  }
0x6e: {  	[tilespmem:s20], [sflag:$0x1] =	stream.linear.gather [hbm4b:s7+s4], $0x50, $0x38;
	[tilespmem:$0x640] =	vst v63  }
0x6f: {  	s7 =	sadd.s32 s1, s18  }
0x70: {  	[tilespmem:s21], [sflag:$0x3] =	stream.linear.gather [hbm4b:s7+s4], $0x50, $0x38;
	[tilespmem:$0x640] =	vst v63  }
0x71: {  	_ =	swait.ge [sflag:s28], $0x50  }
0x72: {  	[sflag:s28] =	ssyncset.done $0x0  }
0x73: {  	[sflag:s28] =	ssyncadd.s32 $0xFFFFFFB0  }
0x74: {  	_ =	swait.ge [sflag:s29], $0x50  }
0x75: {  	[sflag:s29] =	ssyncset.done $0x0  }
0x76: {  	[sflag:s29] =	ssyncadd.s32 $0xFFFFFFB0  }
0x77: {  	[spmem:s3] =	stream.indirect.scatter.add.f32 [tilespmem:s23], [sflag:$0x5], $0x1, s22, s26, $0xb8;
	[tilespmem:$0x640] =	vst v63  }
.Ltmp0:
0x78: {  	_ =	swait.ge [sflag:s19], $0x50;
	(pc) =	sbr.rel @p0 .LBB2_2-.Ltmp0, $4  }
0x79: {  	[sflag:s19] =	ssyncset.done $0x0  }
0x7a: {  	s7 =	sadd.s32 s2, s16;
	[sflag:s19] =	ssyncadd.s32 $0xFFFFFFB0  }
0x7b: {  	[tilespmem:s22], [sflag:$0x2] =	stream.linear.gather [hbm4b:s7+s4], $0x50, $0x38;
	[tilespmem:$0x640] =	vst v63  }
0x7c: {  	s0 =	sadd.s32 $0xA0, s0;
	s2 =	sadd.s32 s2, s15  }
0x7d: {  	[tilespmem:s23], [sflag:$0x4] =	stream.linear.gather [hbm4b:s2+s4], $0x50, $0x38;
	[tilespmem:$0x640] =	vst v63  }
0x7e: {  	_ =	swait.ge [sflag:s24], $0x50  }
0x7f: {  	[sflag:s24] =	ssyncset.done $0x0  }
0x80: {  	[sflag:s24] =	ssyncadd.s32 $0xFFFFFFB0  }
0x81: {  	_ =	swait.ge [sflag:s25], $0x50  }
0x82: {  	[sflag:s25] =	ssyncset.done $0x0  }
0x83: {  	[sflag:s25] =	ssyncadd.s32 $0xFFFFFFB0  }
0x84: {  	[spmem:s3] =	stream.indirect.scatter.add.f32 [tilespmem:s21], [sflag:$0x5], $0x1, s20, s26, $0xb8;
	[tilespmem:$0x640] =	vst v63  }
0x85: {  	_ =	swait.ge [sflag:s19], $0x50  }
0x86: {  	[sflag:s19] =	ssyncset.done $0x0  }
0x87: {  	[sflag:s19] =	ssyncadd.s32 $0xFFFFFFB0  }
0x88: {  	[tilespmem:s20], [sflag:$0x1] =	stream.linear.gather [hbm4b:s13+s4], $0x50, $0x38;
	[tilespmem:$0x640] =	vst v63  }
0x89: {  	_ = 	snop  }
0x8a: {  	[tilespmem:s21], [sflag:$0x3] =	stream.linear.gather [hbm4b:s14+s4], $0x50, $0x38;
	[tilespmem:$0x640] =	vst v63  }
0x8b: {  	_ =	swait.ge [sflag:s28], $0x50  }
0x8c: {  	[sflag:s28] =	ssyncset.done $0x0  }
0x8d: {  	[sflag:s28] =	ssyncadd.s32 $0xFFFFFFB0  }
0x8e: {  	_ =	swait.ge [sflag:s29], $0x50  }
0x8f: {  	[sflag:s29] =	ssyncset.done $0x0  }
0x90: {  	[sflag:s29] =	ssyncadd.s32 $0xFFFFFFB0  }
0x91: {  	[spmem:s3] =	stream.indirect.scatter.add.f32 [tilespmem:s23], [sflag:$0x5], $0x1, s22, s26, $0xb8;
	[tilespmem:$0x640] =	vst v63  }
0x92: {  	_ =	swait.ge [sflag:s19], $0x50  }
0x93: {  	[sflag:s19] =	ssyncset.done $0x0  }
0x94: {  	[sflag:s19] =	ssyncadd.s32 $0xFFFFFFB0  }
0x95: {  	_ =	swait.ge [sflag:s24], $0x50  }
0x96: {  	[sflag:s24] =	ssyncset.done $0x0  }
0x97: {  	[sflag:s24] =	ssyncadd.s32 $0xFFFFFFB0  }
0x98: {  	_ =	swait.ge [sflag:s25], $0x50  }
0x99: {  	[sflag:s25] =	ssyncset.done $0x0  }
0x9a: {  	[sflag:s25] =	ssyncadd.s32 $0xFFFFFFB0  }
0x9b: {  	[spmem:s3] =	stream.indirect.scatter.add.f32 [tilespmem:s21], [sflag:$0x5], $0x1, s20, s26, $0xb8;
	[tilespmem:$0x640] =	vst v63  }
0x9c: {  	s0 =	stileid.u32;
	_ =	swait.ge [sflag:s19], $0x50  }
0x9d: {  	s31 =	sshrl.u32 s6, $0x3;
	s30 =	sadd.s32 $0x1, s30;
	[sflag:s19] =	ssyncset.done $0x0  }
0x9e: {  	s0 =	sshll.u32 s0, $0x6;
	p0 =	sne.s32 s30, s12;
	[sflag:s19] =	ssyncadd.s32 $0xFFFFFFB0  }
.Ltmp1:
0x9f: {  	s0 =	sor.u32 $0x1C05, s0;
	[bflag:$0x0] =	sbarrier.arrive $0xFFFF;
	(pc) =	sbr.rel @p0 .LBB2_1-.Ltmp1, $4  }
0xa0: {  	[hbm:s11], [sflag:s0] =	dma.local [spmem:s31], $0x50  }
0xa1: {  	_ =	swait.ge [sflag:s19], $0x50  }
0xa2: {  	[sflag:s19] =	ssyncset.done $0x0  }
0xa3: {  	[sflag:s19] =	ssyncadd.s32 $0xFFFFFFB0  }
0xa4: {  	_ =	sfence.sel $0x180000  }
0xa5: {  	[bflag:$0x0] =	sbarrier.arrive $0xFFFF  }
0xa6: {  	_ =	strace $0x90000047  }
0xa7: {  	s0 =	stileid.u32;
	[bflag:$0x2] =	sbarrier.arrive $0xFFFF  }
0xa8: {  	p0 =	sne.s32 s0, $0x0;
	s0 =	rddreg [dreg:$0x4]  }
0xa9: {  	s0 =	sadd.s32 @!p0 $0x100000, s0  }
0xaa: {  	[sflag:s0] =	ssyncadd.tile.s32 @!p0 $0x1;
	_ =	shalt  }
.Lfunc_end2:
_tile_overlayer_lowered:
.L_overlay_start_2:
0xab: {  	(tag) =	ssettag $0x2  }
0xac: {  	s0 =	rddreg [dreg:$0x0];
	s2 =	stileid.u32  }
0xad: {  	s1 =	rddreg [dreg:$0x1];
	p0 =	sne.s32 s2, $0x0  }
0xae: {  	s3 =	rddreg [dreg:$0x2];
	[bflag:$0x3] =	sbarrier.arrive $0xFFFF;
	s2 =	simm.s32 @!p0 $0x1C05  }
0xaf: {  	[timem:s3], [sflag:s2] =	dma.local @!p0 [hbm:s0], s1  }
0xb0: {  	s0 =	simm.s32 @!p0 $0x5  }
0xb1: {  	_ =	swait.ge @!p0 [sflag:s0], s1  }
0xb2: {  	s1 =	ssub.s32 @!p0 $0x0, s1;
	[sflag:s0] =	ssyncset.done @!p0 $0x0  }
0xb3: {  	[sflag:s0] =	ssyncadd.s32 @!p0 s1  }
0xb4: {  	[bflag:$0x3] =	sbarrier.arrive $0xFFFF  }
0xb5: {  	_ =	shalt  }

// kernel: kernel.14.cloned.1.call-start
scs
__scs_entry_jumppad:
0x0: {  	(pc) =	sbr.rel $0x88, $3  }
0x1: {  	(tag) =	ssettag $0x0;
	lr =	simm.s32 $0x1  }
0x2: {  	[smem:$0x3F91] =	sst lr;
	_ =	strace $0xD0000000  }
0x3: {  	_ = 	snop  }
0x4: {  	_ = 	snop  }
0x5: {  	_ = 	snop  }
0x6: {  	_ = 	snop  }
0x7: {  	_ = 	snop  }
__scs_overlays_trampoline_lowered:
0x8: {  	[smem:$0x3FA0] =	sst s0  }
0x9: {  	[smem:$0x3FA1] =	sst s1  }
0xa: {  	[smem:$0x3FA2] =	sst s2  }
0xb: {  	[smem:$0x3FA3] =	sst s3  }
0xc: {  	[smem:$0x3FA4] =	sst s4  }
0xd: {  	[smem:$0x3FA5] =	sst s5  }
0xe: {  	[smem:$0x3FA6] =	sst s6  }
0xf: {  	[smem:$0x3FA7] =	sst s7  }
0x10: {  	[smem:$0x3FA8] =	sst s8  }
0x11: {  	[smem:$0x3FA9] =	sst s9;
	s0 =	simm.s32 @!p0 $0x0  }
0x12: {  	s1 =	sld [smem:$0x3F8F];
	s0 =	simm.s32 @p0 $0x1  }
0x13: {  	[smem:$0x3FAA] =	sst s0;
	s0 =	simm.s32 @!p1 $0x0  }
0x14: {  	s2 =	sld [smem:$0x3F8E];
	s0 =	simm.s32 @p1 $0x1  }
0x15: {  	[smem:$0x3FAB] =	sst s0;
	s0 =	simm.s32 @!p2 $0x0  }
0x16: {  	s3 =	sld [smem:$0x3FDB];
	s0 =	simm.s32 @p2 $0x1  }
0x17: {  	s4 =	simm.s32 $0x1BF5;
	[smem:$0x3FAD] =	sst s0  }
0x18: {  	s0 =	sld [smem:$0x3F90];
	_ =	swait.ge [sflag:s4], $0x0  }
0x19: {  	s7 =	sld [smem:$0x3F91]  }
0x1a: {  	s8 =	sadd.s32 $0xFFFFE003, lr  }
0x1b: {  	s9 =	sadd.s32 $0xFFFFFEF7, lr;
	s5 =	simm.s32 $0xFFFFFFFF;
	p2 =	slt.u32 s8, $0xFFFFF086  }
0x1c: {  	p1 =	slt.u32 s9, $0xF7A;
	s5 =	simm.s32 @!p2 $0x0  }
0x1d: {  	s5 =	simm.s32 @p1 $0x1;
	p0 =	seq.s32 s7, s2  }
0x1e: {  	s7 =	smul.u32 @!p0 $0xF7A, s2;
	p2 =	seq.s32 @!p0 s5, $0x0  }
0x1f: {  	s9 =	smul.u32 $0xF7A, s1;
	s8 =	simm.s32 @!p0 $0x1BF5;
	p2 =	por !p2, p0  }
0x20: {  	[sflag:s8] =	ssyncset.s32 @!p0 $0xFFFFF086;
	s6 =	sadd.s32 @!p0 s3, s7;
	s7 =	simm.s32 @!p0 $0x108  }
0x21: {  	s3 =	sadd.s32 s3, s9;
	s6 =	sadd.s32 @!p0 $0x88, s6;
	s7 =	simm.s32 @p2 $0x1082  }
0x22: {  	[simem:s7], [sflag:s8] =	dma.local @!p0 [hbm:s6], $0xF7A  }
0x23: {  	s9 =	sor.u32 $0xD0000000, s2;
	s6 =	simm.s32 $0x108;
	_ =	swait.ge @!p0 [sflag:s8], $0x0  }
0x24: {  	s3 =	sadd.s32 $0x88, s3;
	s6 =	simm.s32 @!p1 $0x1082;
	[sflag:s4] =	ssyncset.s32 $0xFFFFF086  }
0x25: {  	[simem:s6], [sflag:s4] =	dma.local [hbm:s3], $0xF7A  }
0x26: {  	[smem:$0x3F91] =	sst s1;
	(tag) =	ssettag s2;
	_ =	strace s9  }
0x27: {  	s1 =	sld [smem:$0x3FA1]  }
0x28: {  	s2 =	sld [smem:$0x3FA2]  }
0x29: {  	s4 =	sld [smem:$0x3FA4]  }
0x2a: {  	p0 =	seq.s32 s5, $0x0;
	s5 =	sld [smem:$0x3FA5]  }
0x2b: {  	s6 =	sld [smem:$0x3FA6]  }
0x2c: {  	s7 =	sld [smem:$0x3FA7]  }
0x2d: {  	s3 =	simm.s32 $0x108;
	s8 =	sld [smem:$0x3FA8]  }
0x2e: {  	s3 =	simm.s32 @!p0 $0x1082;
	s9 =	sld [smem:$0x3FA9]  }
0x2f: {  	lr =	sadd.s32 s0, s3;
	s0 =	sld [smem:$0x3FA0]  }
0x30: {  	s3 =	sld [smem:$0x3FA3]  }
0x31: {  	[smem:$0x3FAC] =	sst s10  }
0x32: {  	s10 =	sld [smem:$0x3FAA];
	_ =	sdelay $0x3  }
0x33: {  	p0 =	seq.s32 s10, $0x1;
	s10 =	sld [smem:$0x3FAC];
	_ =	sdelay $0x3  }
0x34: {  	[smem:$0x3FAC] =	sst s10  }
0x35: {  	s10 =	sld [smem:$0x3FAB];
	_ =	sdelay $0x3  }
0x36: {  	p1 =	seq.s32 s10, $0x1;
	s10 =	sld [smem:$0x3FAC];
	_ =	sdelay $0x3  }
0x37: {  	[smem:$0x3FAC] =	sst s10  }
0x38: {  	s10 =	sld [smem:$0x3FAD]  }
0x39: {  	_ = 	snop;
	(pc) =	sbr.ind lr, $3  }
0x3a: {  	_ = 	snop  }
0x3b: {  	_ = 	snop  }
0x3c: {  	p2 =	seq.s32 s10, $0x1;
	s10 =	sld [smem:$0x3FAC]  }
0x3d: {  	_ =	shalt  }
0x3e: {  	_ =	shalt  }
0x3f: {  	_ =	shalt  }
0x40: {  	_ =	shalt  }
0x41: {  	_ =	shalt  }
0x42: {  	_ =	shalt  }
0x43: {  	_ =	shalt  }
0x44: {  	_ =	shalt  }
0x45: {  	_ =	shalt  }
0x46: {  	_ =	shalt  }
0x47: {  	_ =	shalt  }
0x48: {  	_ =	shalt  }
0x49: {  	_ =	shalt  }
0x4a: {  	_ =	shalt  }
0x4b: {  	_ =	shalt  }
0x4c: {  	_ =	shalt  }
0x4d: {  	_ =	shalt  }
0x4e: {  	_ =	shalt  }
0x4f: {  	_ =	shalt  }
0x50: {  	_ =	shalt  }
0x51: {  	_ =	shalt  }
0x52: {  	_ =	shalt  }
0x53: {  	_ =	shalt  }
0x54: {  	_ =	shalt  }
0x55: {  	_ =	shalt  }
0x56: {  	_ =	shalt  }
0x57: {  	_ =	shalt  }
0x58: {  	_ =	shalt  }
0x59: {  	_ =	shalt  }
0x5a: {  	_ =	shalt  }
0x5b: {  	_ =	shalt  }
0x5c: {  	_ =	shalt  }
0x5d: {  	_ =	shalt  }
0x5e: {  	_ =	shalt  }
0x5f: {  	_ =	shalt  }
0x60: {  	_ =	shalt  }
0x61: {  	_ =	shalt  }
0x62: {  	_ =	shalt  }
0x63: {  	_ =	shalt  }
0x64: {  	_ =	shalt  }
0x65: {  	_ =	shalt  }
0x66: {  	_ =	shalt  }
0x67: {  	_ =	shalt  }
0x68: {  	_ =	shalt  }
0x69: {  	_ =	shalt  }
0x6a: {  	_ =	shalt  }
0x6b: {  	_ =	shalt  }
0x6c: {  	_ =	shalt  }
0x6d: {  	_ =	shalt  }
0x6e: {  	_ =	shalt  }
0x6f: {  	_ =	shalt  }
0x70: {  	_ =	shalt  }
0x71: {  	_ =	shalt  }
0x72: {  	_ =	shalt  }
0x73: {  	_ =	shalt  }
0x74: {  	_ =	shalt  }
0x75: {  	_ =	shalt  }
0x76: {  	_ =	shalt  }
0x77: {  	_ =	shalt  }
0x78: {  	_ =	shalt  }
0x79: {  	_ =	shalt  }
0x7a: {  	_ =	shalt  }
0x7b: {  	_ =	shalt  }
0x7c: {  	_ =	shalt  }
0x7d: {  	_ =	shalt  }
0x7e: {  	_ =	shalt  }
0x7f: {  	_ =	shalt  }
0x80: {  	_ =	shalt  }
0x81: {  	_ =	shalt  }
0x82: {  	_ =	shalt  }
0x83: {  	_ =	shalt  }
0x84: {  	_ =	shalt  }
0x85: {  	_ =	shalt  }
0x86: {  	_ =	shalt  }
0x87: {  	_ =	shalt  }
.Lfunc_end0:
.L_simem_size_0:
called_computation.1_lowered:
.L_overlay_start_0:
0x88: {  	s2 =	sld [smem:$0x3FD9]  }
0x89: {  	s3 =	sld [smem:$0x3FFE];
	_ =	sdelay $0x1  }
0x8a: {  	s1 =	srdreg.scid  }
0x8b: {  	s0 =	sand.u32 $0x1, s1  }
0x8c: {  	s14 =	sshll.u32 s0, $0xA;
	s2 =	sadd.s32 s3, s2  }
0x8d: {  	s2 =	sadd.s32 s2, s14  }
0x8e: {  	[smem:$0x3FB8] =	sst s2  }
0x8f: {  	_ = 	snop  }
0x90: {  	s2 =	sld [smem:$0x3FD0];
	_ =	sdelay $0x2  }
0x91: {  	s15 =	simm.s32 $0xA;
	s4 =	simm.s32 $0x10  }
0x92: {  	[smem:s4], [sflag:s15] =	dma.local [hbm:s2], $0x1  }
0x93: {  	_ =	swait.eq [sflag:s15], $0x1  }
0x94: {  	[sflag:s15] =	ssyncset.done $0x0  }
0x95: {  	[sflag:s15] =	ssyncadd.s32 $0xFFFFFFFF  }
0x96: {  	s16 =	sld [smem:$0x10];
	(tm) =	ssettm $0x1  }
0x97: {  	s17 =	sld [smem:$0x3FFB];
	_ =	sdelay $0x3  }
0x98: {  	_ =	strace s17  }
0x99: {  	s3 =	sld [smem:$0x3FFC];
	_ =	sdelay $0x3  }
0x9a: {  	_ =	strace s3  }
0x9b: {  	s3 =	sld [smem:$0x3FFD];
	_ =	sdelay $0x3  }
0x9c: {  	_ =	strace s3  }
0x9d: {  	_ =	strace $0x8FFFFFFF  }
0x9e: {  	s18 =	sld [smem:$0x3FDB];
	_ =	sdelay $0x1  }
0x9f: {  	s19 =	simm.s32 $_scs_section_size  }
0xa0: {  	s5 =	simm.s32 $_size__tile_overlayer_lowered;
	s6 =	simm.s32 $_tile_overlayer_lowered  }
0xa1: {  	s22 =	simm.s32 $0x1BFF;
	s21 =	sshll.u32 s6, $0x1;
	s3 =	sadd.s32 s19, s18  }
0xa2: {  	s7 =	simm.s32 $0x0;
	s20 =	sshll.u32 s5, $0x1;
	s5 =	sadd.s32 s21, s3  }
0xa3: {  	[timem:s7], [sflag:s22] =	dma.local [hbm:s5], s20  }
0xa4: {  	_ =	swait.ge [sflag:s22], s20  }
0xa5: {  	s4 =	ssub.s32 $0x0, s20;
	[sflag:s22] =	ssyncset.done $0x0  }
0xa6: {  	[sflag:s22] =	ssyncadd.s32 s4;
	_ =	sdelay $0x1  }
0xa7: {  	s23 =	simm.s32 $0x1B8B  }
0xa8: {  	_ =	swait.ge [sflag:s23], $0x1  }
0xa9: {  	[sflag:s23] =	ssyncset.done $0x0  }
0xaa: {  	s25 =	simm.s32 $0x1B8E;
	s24 =	sld [smem:$0x3FFE];
	[sflag:s23] =	ssyncadd.s32 $0xFFFFFFFF  }
0xab: {  	s26 =	simm.s32 $execute0_lowered;
	[smem:$0x3FD2] =	sst s25  }
0xac: {  	s5 =	sshll.u32 s26, $0x1;
	_ =	strace $0x80000049;
	[dreg:$0x1] =	wrdreg $0xFFFFFFFF  }
0xad: {  	s28 =	simm.s32 $_size_execute0_lowered;
	s3 =	sadd.s32 s3, s5;
	[dreg:$0x0] =	wrdreg $0x0  }
0xae: {  	s5 =	sshll.u32 s28, $0x1;
	[dreg:$0x2] =	wrdreg s3  }
0xaf: {  	[dreg:$0x3] =	wrdreg s5  }
0xb0: {  	[dreg:$0x4] =	wrdreg $0xC0  }
0xb1: {  	_ =	task [dreg:s7], $0x5FFFF  }
0xb2: {  	[dreg:$0x1] =	wrdreg $0xFFFFFFFF  }
0xb3: {  	[dreg:$0x0] =	wrdreg $0x60  }
0xb4: {  	[dreg:$0x2] =	wrdreg s24  }
0xb5: {  	[dreg:$0x3] =	wrdreg s16  }
0xb6: {  	[dreg:$0x4] =	wrdreg $0x0  }
0xb7: {  	[dreg:$0x5] =	wrdreg $0x9  }
0xb8: {  	_ =	task.clear_ibuf [dreg:s7], $0x6FFFF;
	_ =	strace $0x90000049  }
0xb9: {  	s29 =	simm.s32 $0x9;
	_ =	strace $0x8000004B  }
0xba: {  	_ =	swait.ge [sflag:s29], $0x1  }
0xbb: {  	[sflag:s29] =	ssyncadd.s32 $0xFFFFFFFF  }
0xbc: {  	_ =	strace $0x9000004B  }
0xbd: {  	_ =	sfence  }
0xbe: {  	s30 =	sld [smem:$0x0];
	_ =	sdelay $0x2  }
0xbf: {  	s31 =	sshll.u32 s1, $0xD;
	s1 =	sshrl.u32 s1, $0x2  }
0xc0: {  	s3 =	sand.u32 $0x4000, s31;
	s1 =	sadd.s32 s1, s30  }
0xc1: {  	s0 =	sor.u32 s3, s0;
	s1 =	sshll.u32 s1, $0x11  }
0xc2: {  	s0 =	sor.u32 s1, s0  }
0xc3: {  	s0 =	sadd.s32 $0x8F2B, s0  }
0xc4: {  	[sflag:s0] =	ssyncadd.remote.s32 $0x1  }
0xc5: {  	_ =	sfence.sel $0xFFFF  }
0xc6: {  	[dreg:$0x0] =	wrdreg $0xFFFFFFFF;
	(pc) =	sbr.abs _section_cstart, $3  }
0xc7: {  	[dreg:$0x1] =	wrdreg $0xFFFFFFFF  }
0xc8: {  	_ =	task.clear_ibuf [dreg:s7], $0x2FFFF;
	_ =	strace $0x9FFFFFFF  }
0xc9: {  	(tm) =	ssettm $0x7FFFFFFF  }
tec
execute0_lowered:
.L_overlay_start_1:
0x0: {  	(tag) =	ssettag $0x1  }
0x1: {  	s0 =	rddreg [dreg:$0x0]  }
0x2: {  	s3 =	rddreg [dreg:$0x1]  }
0x3: {  	s1 =	rddreg [dreg:$0x2];
	s2 =	simm.s32 $0x0;
	s7 =	srdreg.scid  }
0x4: {  	s12 =	stileid.u32;
	s28 =	simm.s32 $0x14140;
	s29 =	simm.s32 $0x14050  }
0x5: {  	s30 =	simm.s32 $0x140F0;
	s14 =	simm.s32 $0x6;
	[smem:$0x7FF] =	sst s2  }
0x6: {  	s4 =	sadd.s32 $0x17A00, s0;
	s5 =	sadd.s32 $0x3E00, s0;
	s6 =	sadd.s32 $0xDC00, s0  }
0x7: {  	s8 =	sand.u32 $0x1, s7;
	s7 =	sadd.s32 $0x4F9A00, s0;
	s9 =	smul.u32 $0x50000, s12  }
0x8: {  	s11 =	sshll.u32 s12, $0x1;
	s12 =	smul.u32 $0x14000, s12;
	_ =	strace $0x8000004A  }
0x9: {  	s15 =	ssub.s32 $0x2, s8;
	s16 =	sor.u32 s8, s11;
	s8 =	smul.u32 $0x140000, s8  }
0xa: {  	s10 =	sshrl.u32 s15, $0x1;
	s9 =	sshrl.u32 s9, $0x2;
	s11 =	smul.u32 $0x2710, s16  }
0xb: {  	s21 =	sadd.s32 s12, s1;
	s0 =	ssub.s32 s15, s10;
	s9 =	sadd.s32 s9, s1  }
0xc: {  	s10 =	smul.u32 $0x4E20, s16;
	s8 =	sadd.s32 s12, s8;
	s12 =	simm.s32 $0x3  }
0xd: {  	s15 =	simm.s32 $0x17340;
	[dreg:$0x4] =	wrdreg s21;
	s13 =	sadd.s32 $0x4000, s9  }
0xe: {  	s16 =	simm.s32 $0x2;
	s17 =	sadd.s32 $0x8000, s9;
	[dreg:$0x5] =	wrdreg s13  }
0xf: {  	s18 =	sadd.s32 $0xC000, s9;
	s9 =	sadd.s32 $0x10000, s9;
	[dreg:$0x6] =	wrdreg s17  }
0x10: {  	s19 =	sshrl.u32 s11, $0x3;
	s22 =	sadd.s32 $0x50, s11;
	[dreg:$0x7] =	wrdreg s18  }
0x11: {  	s8 =	sshrl.u32 s8, $0x3;
	s0 =	smax.u32 s0, $0x1;
	[dreg:$0x8] =	wrdreg s9  }
0x12: {  	s20 =	sadd.s32 s5, s19;
	s9 =	sadd.s32 s6, s19;
	s23 =	sadd.s32 s7, s10  }
0x13: {  	s24 =	sshrl.u32 s22, $0x3;
	s26 =	sshll.u32 s22, $0x1;
	s19 =	sadd.s32 $0xA0, s11  }
0x14: {  	s3 =	sadd.s32 s3, s8;
	[dreg:$0x10] =	wrdreg s0;
	s0 =	simm.s32 $0x7  }
0x15: {  	s10 =	simm.s32 $0x14B40;
	s13 =	simm.s32 $0x8;
	[dreg:$0x9] =	wrdreg s20  }
0x16: {  	s17 =	simm.s32 $0x4;
	s18 =	simm.s32 $0x0;
	[dreg:$0xa] =	wrdreg s9  }
0x17: {  	[dreg:$0xb] =	wrdreg s23;
	s25 =	sadd.s32 s5, s24;
	s9 =	sadd.s32 s6, s24  }
0x18: {  	s31 =	sadd.s32 s7, s26;
	s20 =	sadd.s32 $0xF0, s11;
	[dreg:$0xf] =	wrdreg s3  }
0x19: {  	s24 =	simm.s32 $0x9;
	s26 =	simm.s32 $0x140A0;
	[dreg:$0xc] =	wrdreg s25  }
0x1a: {  	s3 =	simm.s32 $0x5;
	s11 =	simm.s32 $0x1;
	[dreg:$0xd] =	wrdreg s9  }
0x1b: {  	v0 =	vimm.f32 $0.0e+00;
	[dreg:$0xe] =	wrdreg s31;
	s25 =	simm.s32 $0x14000;
	s9 =	simm.s32 $0x50  }
.LBB2_1:
0x1c: {  	[dreg:$0x11] =	wrdreg s18;
	s8 =	simm.s32 $0x0;
	s18 =	simm.s32 $0x200  }
.LBB2_2:
0x1d: {  	p0 =	sne.s32 s18, $0xFE00;
	[tilespmem:s8+$0x19BB0] =	vst v0  }
0x1e: {  	[tilespmem:s8+$0x19B40] =	vst v0  }
0x1f: {  	[tilespmem:s8+$0x19B50] =	vst v0  }
.Ltmp0:
0x20: {  	[tilespmem:s8+$0x19B60] =	vst v0;
	(pc) =	sbr.rel @p0 .LBB2_2-.Ltmp0, $4  }
0x21: {  	[tilespmem:s8+$0x19B70] =	vst v0  }
0x22: {  	[tilespmem:s8+$0x19B80] =	vst v0  }
0x23: {  	[tilespmem:s8+$0x19B90] =	vst v0  }
0x24: {  	[tilespmem:s8+$0x19BA0] =	vst v0;
	s8 =	sshra.s32 s18, $0x2;
	s18 =	sadd.s32 $0x200, s18  }
0x25: {  	[tilespmem:s8+$0x19BB0] =	vst v0  }
0x26: {  	[tilespmem:s8+$0x19B40] =	vst v0  }
0x27: {  	[tilespmem:s8+$0x19B50] =	vst v0  }
0x28: {  	[tilespmem:s8+$0x19B60] =	vst v0  }
0x29: {  	[tilespmem:s8+$0x19B70] =	vst v0  }
0x2a: {  	[tilespmem:s8+$0x19B80] =	vst v0  }
0x2b: {  	[tilespmem:s8+$0x19B90] =	vst v0  }
0x2c: {  	[tilespmem:s8+$0x19BA0] =	vst v0;
	s18 =	simm.s32 $0x19B40  }
0x2d: {  	[spmem:s21] =	stream.linear.scatter [tilespmem:s18], [sflag:$0x9], $0x4000, $0x38;
	[tilespmem:$0x1DB40] =	vst v63  }
0x2e: {  	_ =	swait.ge [sflag:s24], $0x4000  }
0x2f: {  	[sflag:s24] =	ssyncset.done $0x0  }
0x30: {  	s22 =	rddreg [dreg:$0x5];
	[sflag:s24] =	ssyncadd.s32 $0xFFFFC000  }
0x31: {  	[spmem:s22] =	stream.linear.scatter [tilespmem:s18], [sflag:$0x9], $0x4000, $0x38;
	[tilespmem:$0x1DB40] =	vst v63  }
0x32: {  	_ =	swait.ge [sflag:s24], $0x4000  }
0x33: {  	[sflag:s24] =	ssyncset.done $0x0  }
0x34: {  	s23 =	rddreg [dreg:$0x6];
	[sflag:s24] =	ssyncadd.s32 $0xFFFFC000  }
0x35: {  	[spmem:s23] =	stream.linear.scatter [tilespmem:s18], [sflag:$0x9], $0x4000, $0x38;
	[tilespmem:$0x1DB40] =	vst v63  }
0x36: {  	_ =	swait.ge [sflag:s24], $0x4000  }
0x37: {  	[sflag:s24] =	ssyncset.done $0x0  }
0x38: {  	s31 =	rddreg [dreg:$0x7];
	[sflag:s24] =	ssyncadd.s32 $0xFFFFC000  }
0x39: {  	[spmem:s31] =	stream.linear.scatter [tilespmem:s18], [sflag:$0x9], $0x4000, $0x38;
	[tilespmem:$0x1DB40] =	vst v63  }
0x3a: {  	_ =	swait.ge [sflag:s24], $0x4000  }
0x3b: {  	[sflag:s24] =	ssyncset.done $0x0  }
0x3c: {  	s21 =	rddreg [dreg:$0x8];
	[sflag:s24] =	ssyncadd.s32 $0xFFFFC000  }
0x3d: {  	[spmem:s21] =	stream.linear.scatter [tilespmem:s18], [sflag:$0x9], $0x4000, $0x38;
	[tilespmem:$0x1DB40] =	vst v63  }
0x3e: {  	_ =	swait.ge [sflag:s24], $0x4000  }
0x3f: {  	[sflag:s24] =	ssyncset.done $0x0  }
0x40: {  	[sflag:s24] =	ssyncadd.s32 $0xFFFFC000  }
0x41: {  	[bflag:$0x0] =	sbarrier.arrive $0xFFFF  }
0x42: {  	s21 =	simm.s32 $0x0;
	s22 =	rddreg [dreg:$0x9]  }
0x43: {  	[tilespmem:s25], [sflag:$0x7] =	stream.linear.gather [hbm4b:s22+s21], $0x50, $0x38;
	[tilespmem:$0x1DB40] =	vst v63  }
0x44: {  	s23 =	rddreg [dreg:$0xa]  }
0x45: {  	[tilespmem:s26], [sflag:$0x5] =	stream.linear.gather [hbm4b:s23+s21], $0x50, $0x38;
	[tilespmem:$0x1DB40] =	vst v63  }
0x46: {  	s31 =	rddreg [dreg:$0xb]  }
0x47: {  	[tilespmem:s28], [sflag:$0x3] =	stream.linear.gather [hbm4b:s31+s21], $0x500, $0x38;
	[tilespmem:$0x1DB40] =	vst v63  }
0x48: {  	s18 =	rddreg [dreg:$0xc]  }
0x49: {  	[tilespmem:s29], [sflag:$0x8] =	stream.linear.gather [hbm4b:s18+s21], $0x50, $0x38;
	[tilespmem:$0x1DB40] =	vst v63  }
0x4a: {  	s22 =	rddreg [dreg:$0xd]  }
0x4b: {  	[tilespmem:s30], [sflag:$0x6] =	stream.linear.gather [hbm4b:s22+s21], $0x50, $0x38;
	[tilespmem:$0x1DB40] =	vst v63  }
0x4c: {  	s23 =	rddreg [dreg:$0xe];
	s31 =	simm.s32 $0x14640  }
0x4d: {  	[tilespmem:s31], [sflag:$0x4] =	stream.linear.gather [hbm4b:s23+s21], $0x500, $0x38;
	[tilespmem:$0x1DB40] =	vst v63  }
0x4e: {  	_ =	swait.ge [sflag:s0], $0x50  }
0x4f: {  	[sflag:s0] =	ssyncset.done $0x0  }
0x50: {  	[sflag:s0] =	ssyncadd.s32 $0xFFFFFFB0  }
0x51: {  	_ =	swait.ge [sflag:s3], $0x50  }
0x52: {  	[sflag:s3] =	ssyncset.done $0x0  }
0x53: {  	[sflag:s3] =	ssyncadd.s32 $0xFFFFFFB0  }
0x54: {  	[tilespmem:s10], [sflag:$0x1] =	stream.indirect.gather [hbm4b:s4+s9], $0x80, s25, s9, $0xb8;
	[tilespmem:$0x1DB40] =	vst v63  }
.LBB2_4:
0x55: {  	_ =	swait.ge [sflag:s11], $0x2800  }
0x56: {  	[sflag:s11] =	ssyncset.done $0x0  }
0x57: {  	[sflag:s11] =	ssyncadd.s32 $0xFFFFD800  }
0x58: {  	_ =	swait.ge [sflag:s12], $0x500  }
0x59: {  	[sflag:s12] =	ssyncset.done $0x0  }
0x5a: {  	s22 =	simm.s32 $0x14B80;
	[sflag:s12] =	ssyncadd.s32 $0xFFFFFB00  }
0x5b: {  	v5 =	vld [tilespmem:s22+$0x30]  }
0x5c: {  	v8 =	vld [tilespmem:s22+$0x10]  }
0x5d: {  	s8 =	simm.s32 $0x0;
	v6 =	vld [tilespmem:s22+$0xFFFFFFC0]  }
0x5e: {  	v2 =	vld [tilespmem:s8+$0x14140]  }
0x5f: {  	v10 =	vld [tilespmem:s22+$0xFFFFFFE0]  }
0x60: {  	v1 =	vld [tilespmem:s22+$0xFFFFFFF0]  }
0x61: {  	v3 =	vld [tilespmem:s22+$0x20]  }
0x62: {  	v4 =	vld [tilespmem:s22+$0xFFFFFFD0]  }
0x63: {  	v9 =	vmul.f32 v5, v2;
	v5 =	vld [tilespmem:s22+$0x0]  }
0x64: {  	v7 =	vmul.f32 v6, v2  }
0x65: {  	s23 =	simm.s32 $0x14B80;
	s8 =	simm.s32 $0x40;
	v6 =	vmul.f32 v10, v2;
	v8 =	vmul.f32 v8, v2  }
.LBB2_5:
0x66: {  	p0 =	sne.s32 s8, $0x13C0  }
0x67: {  	v4 =	vmul.f32 v4, v2;
	v3 =	vmul.f32 v3, v2;
	[tilespmem:s22+$0x30] =	vst v9;
	s23 =	sadd.s32 $0x80, s23;
	s18 =	smov.u32 s8;
	s8 =	sadd.s32 $0x40, s8  }
0x68: {  	[tilespmem:s22+$0xFFFFFFC0] =	vst v7;
	v7 =	vmul.f32 v1, v2;
	v2 =	vmul.f32 v5, v2  }
0x69: {  	[tilespmem:s22+$0x10] =	vst v8  }
0x6a: {  	v1 =	vld [tilespmem:s23+$0xFFFFFFF0];
	[tilespmem:s22+$0xFFFFFFE0] =	vst v6  }
0x6b: {  	v6 =	vld [tilespmem:s23+$0x30];
	[tilespmem:s22+$0xFFFFFFF0] =	vst v7  }
0x6c: {  	v8 =	vld [tilespmem:s23+$0x10];
	[tilespmem:s22+$0x0] =	vst v2  }
0x6d: {  	v7 =	vld [tilespmem:s23+$0xFFFFFFC0];
	[tilespmem:s22+$0x20] =	vst v3  }
0x6e: {  	s18 =	sshra.s32 s18, $0x2;
	v10 =	vld [tilespmem:s23+$0xFFFFFFE0];
	[tilespmem:s22+$0xFFFFFFD0] =	vst v4;
	s22 =	smov.u32 s23  }
0x6f: {  	v2 =	vld [tilespmem:s18+$0x14140]  }
0x70: {  	v3 =	vld [tilespmem:s23+$0x20]  }
.Ltmp1:
0x71: {  	v4 =	vld [tilespmem:s23+$0xFFFFFFD0];
	(pc) =	sbr.rel @p0 .LBB2_5-.Ltmp1, $3  }
0x72: {  	v5 =	vld [tilespmem:s23+$0x0];
	_ =	sdelay $0x1  }
0x73: {  	v7 =	vmul.f32 v7, v2;
	v9 =	vmul.f32 v6, v2  }
0x74: {  	v6 =	vmul.f32 v10, v2;
	v8 =	vmul.f32 v8, v2  }
0x75: {  	[tilespmem:s22+$0x30] =	vst v9  }
0x76: {  	[tilespmem:s22+$0xFFFFFFC0] =	vst v7  }
0x77: {  	v1 =	vmul.f32 v1, v2;
	[tilespmem:s22+$0x10] =	vst v8  }
0x78: {  	v3 =	vmul.f32 v3, v2;
	[tilespmem:s22+$0xFFFFFFE0] =	vst v6  }
0x79: {  	v5 =	vmul.f32 v5, v2;
	[tilespmem:s22+$0xFFFFFFF0] =	vst v1  }
0x7a: {  	v1 =	vmul.f32 v4, v2;
	[tilespmem:s22+$0x20] =	vst v3  }
0x7b: {  	[tilespmem:s22+$0x0] =	vst v5  }
0x7c: {  	[tilespmem:s22+$0xFFFFFFD0] =	vst v1  }
0x7d: {  	[spmem:s1] =	stream.indirect.scatter.add.f32 [tilespmem:s10], [sflag:$0x9], $0x80, s26, s9, $0xb8;
	[tilespmem:$0x1DB40] =	vst v63  }
0x7e: {  	_ =	swait.ge [sflag:s24], $0x2800  }
0x7f: {  	[sflag:s24] =	ssyncset.done $0x0  }
0x80: {  	[sflag:s24] =	ssyncadd.s32 $0xFFFFD800  }
0x81: {  	_ =	swait.ge [sflag:s13], $0x50  }
0x82: {  	[sflag:s13] =	ssyncset.done $0x0  }
0x83: {  	s22 =	smul.u32 $0xA0, s21;
	[sflag:s13] =	ssyncadd.s32 $0xFFFFFFB0  }
0x84: {  	_ =	swait.ge [sflag:s14], $0x50  }
0x85: {  	s8 =	sadd.s32 s22, s19;
	[sflag:s14] =	ssyncset.done $0x0  }
0x86: {  	s18 =	sshrl.u32 s8, $0x3;
	[sflag:s14] =	ssyncadd.s32 $0xFFFFFFB0  }
0x87: {  	[tilespmem:s15], [sflag:$0x2] =	stream.indirect.gather [hbm4b:s4+s9], $0x80, s29, s9, $0xb8;
	[tilespmem:$0x1DB40] =	vst v63  }
0x88: {  	s31 =	simm.s32 $0x0;
	s8 =	sshll.u32 s8, $0x1;
	s23 =	sadd.s32 s5, s18  }
0x89: {  	[tilespmem:s25], [sflag:$0x7] =	stream.linear.gather [hbm4b:s23+s31], $0x50, $0x38;
	[tilespmem:$0x1DB40] =	vst v63  }
0x8a: {  	s18 =	sadd.s32 s6, s18;
	s8 =	sand.u32 $0x1FFFFFE0, s8  }
0x8b: {  	[tilespmem:s26], [sflag:$0x5] =	stream.linear.gather [hbm4b:s18+s31], $0x50, $0x38;
	[tilespmem:$0x1DB40] =	vst v63  }
0x8c: {  	s8 =	sadd.s32 s7, s8  }
0x8d: {  	[tilespmem:s28], [sflag:$0x3] =	stream.linear.gather [hbm4b:s8+s31], $0x500, $0x38;
	[tilespmem:$0x1DB40] =	vst v63  }
0x8e: {  	_ =	swait.ge [sflag:s16], $0x2800  }
0x8f: {  	[sflag:s16] =	ssyncset.done $0x0  }
0x90: {  	[sflag:s16] =	ssyncadd.s32 $0xFFFFD800  }
0x91: {  	_ =	swait.ge [sflag:s17], $0x500  }
0x92: {  	[sflag:s17] =	ssyncset.done $0x0  }
0x93: {  	s8 =	simm.s32 $0x17380;
	[sflag:s17] =	ssyncadd.s32 $0xFFFFFB00  }
0x94: {  	v5 =	vld [tilespmem:s8+$0x30]  }
0x95: {  	v8 =	vld [tilespmem:s8+$0x10]  }
0x96: {  	s31 =	simm.s32 $0x0;
	v6 =	vld [tilespmem:s8+$0xFFFFFFC0]  }
0x97: {  	v2 =	vld [tilespmem:s31+$0x14640]  }
0x98: {  	v10 =	vld [tilespmem:s8+$0xFFFFFFE0]  }
0x99: {  	v1 =	vld [tilespmem:s8+$0xFFFFFFF0]  }
0x9a: {  	v3 =	vld [tilespmem:s8+$0x20]  }
0x9b: {  	v4 =	vld [tilespmem:s8+$0xFFFFFFD0]  }
0x9c: {  	v9 =	vmul.f32 v5, v2;
	v5 =	vld [tilespmem:s8+$0x0]  }
0x9d: {  	v7 =	vmul.f32 v6, v2  }
0x9e: {  	s23 =	simm.s32 $0x40;
	s18 =	simm.s32 $0x17380;
	v6 =	vmul.f32 v10, v2;
	v8 =	vmul.f32 v8, v2  }
.LBB2_7:
0x9f: {  	p0 =	sne.s32 s23, $0x13C0  }
0xa0: {  	v4 =	vmul.f32 v4, v2;
	v3 =	vmul.f32 v3, v2;
	[tilespmem:s8+$0x30] =	vst v9;
	s18 =	sadd.s32 $0x80, s18;
	s31 =	smov.u32 s23;
	s23 =	sadd.s32 $0x40, s23  }
0xa1: {  	[tilespmem:s8+$0xFFFFFFC0] =	vst v7;
	v7 =	vmul.f32 v1, v2;
	v2 =	vmul.f32 v5, v2  }
0xa2: {  	[tilespmem:s8+$0x10] =	vst v8  }
0xa3: {  	v1 =	vld [tilespmem:s18+$0xFFFFFFF0];
	[tilespmem:s8+$0xFFFFFFE0] =	vst v6  }
0xa4: {  	v6 =	vld [tilespmem:s18+$0x30];
	[tilespmem:s8+$0xFFFFFFF0] =	vst v7  }
0xa5: {  	v8 =	vld [tilespmem:s18+$0x10];
	[tilespmem:s8+$0x0] =	vst v2  }
0xa6: {  	v7 =	vld [tilespmem:s18+$0xFFFFFFC0];
	[tilespmem:s8+$0x20] =	vst v3  }
0xa7: {  	s31 =	sshra.s32 s31, $0x2;
	v10 =	vld [tilespmem:s18+$0xFFFFFFE0];
	[tilespmem:s8+$0xFFFFFFD0] =	vst v4;
	s8 =	smov.u32 s18  }
0xa8: {  	v2 =	vld [tilespmem:s31+$0x14640]  }
0xa9: {  	v3 =	vld [tilespmem:s18+$0x20]  }
.Ltmp2:
0xaa: {  	v4 =	vld [tilespmem:s18+$0xFFFFFFD0];
	(pc) =	sbr.rel @p0 .LBB2_7-.Ltmp2, $3  }
0xab: {  	v5 =	vld [tilespmem:s18+$0x0];
	_ =	sdelay $0x1  }
0xac: {  	v7 =	vmul.f32 v7, v2;
	v9 =	vmul.f32 v6, v2  }
0xad: {  	v6 =	vmul.f32 v10, v2;
	v8 =	vmul.f32 v8, v2  }
0xae: {  	[tilespmem:s8+$0x30] =	vst v9  }
0xaf: {  	[tilespmem:s8+$0xFFFFFFC0] =	vst v7  }
0xb0: {  	v1 =	vmul.f32 v1, v2;
	[tilespmem:s8+$0x10] =	vst v8  }
0xb1: {  	v3 =	vmul.f32 v3, v2;
	[tilespmem:s8+$0xFFFFFFE0] =	vst v6  }
0xb2: {  	v5 =	vmul.f32 v5, v2;
	[tilespmem:s8+$0xFFFFFFF0] =	vst v1  }
0xb3: {  	v1 =	vmul.f32 v4, v2;
	[tilespmem:s8+$0x20] =	vst v3  }
0xb4: {  	[tilespmem:s8+$0x0] =	vst v5  }
0xb5: {  	[tilespmem:s8+$0xFFFFFFD0] =	vst v1  }
0xb6: {  	[spmem:s1] =	stream.indirect.scatter.add.f32 [tilespmem:s15], [sflag:$0x9], $0x80, s30, s9, $0xb8;
	[tilespmem:$0x1DB40] =	vst v63  }
0xb7: {  	_ =	swait.ge [sflag:s24], $0x2800  }
0xb8: {  	[sflag:s24] =	ssyncset.done $0x0  }
0xb9: {  	[sflag:s24] =	ssyncadd.s32 $0xFFFFD800  }
0xba: {  	_ =	swait.ge [sflag:s0], $0x50  }
0xbb: {  	p0 =	seq.s32 s21, $0x3D;
	[sflag:s0] =	ssyncset.done $0x0  }
.Ltmp3:
0xbc: {  	[sflag:s0] =	ssyncadd.s32 $0xFFFFFFB0;
	(pc) =	sbr.rel @p0 .LBB2_10-.Ltmp3, $4  }
0xbd: {  	_ =	swait.ge [sflag:s3], $0x50  }
0xbe: {  	[sflag:s3] =	ssyncset.done $0x0  }
0xbf: {  	[sflag:s3] =	ssyncadd.s32 $0xFFFFFFB0  }
0xc0: {  	[tilespmem:s10], [sflag:$0x1] =	stream.indirect.gather [hbm4b:s4+s9], $0x80, s25, s9, $0xb8;
	[tilespmem:$0x1DB40] =	vst v63  }
0xc1: {  	s8 =	sadd.s32 s22, s20  }
0xc2: {  	s18 =	sshrl.u32 s8, $0x3  }
0xc3: {  	s23 =	sadd.s32 s5, s18  }
0xc4: {  	[tilespmem:s29], [sflag:$0x8] =	stream.linear.gather [hbm4b:s23+s2], $0x50, $0x38;
	[tilespmem:$0x1DB40] =	vst v63  }
.Ltmp4:
0xc5: {  	s8 =	sshll.u32 s8, $0x1;
	(pc) =	sbr.rel .LBB2_4-.Ltmp4, $4  }
0xc6: {  	s18 =	sadd.s32 s6, s18;
	s8 =	sand.u32 $0x1FFFFFE0, s8  }
0xc7: {  	[tilespmem:s30], [sflag:$0x6] =	stream.linear.gather [hbm4b:s18+s2], $0x50, $0x38;
	[tilespmem:$0x1DB40] =	vst v63  }
0xc8: {  	s31 =	simm.s32 $0x14640;
	s21 =	sadd.s32 $0x1, s21;
	s8 =	sadd.s32 s7, s8  }
0xc9: {  	[tilespmem:s31], [sflag:$0x4] =	stream.linear.gather [hbm4b:s8+s2], $0x500, $0x38;
	[tilespmem:$0x1DB40] =	vst v63  }
.LBB2_10:
0xca: {  	_ =	swait.ge [sflag:s11], $0x2800  }
0xcb: {  	[sflag:s11] =	ssyncset.done $0x0  }
0xcc: {  	[sflag:s11] =	ssyncadd.s32 $0xFFFFD800  }
0xcd: {  	_ =	swait.ge [sflag:s12], $0x500  }
0xce: {  	[sflag:s12] =	ssyncset.done $0x0  }
0xcf: {  	s8 =	simm.s32 $0x14B80;
	[sflag:s12] =	ssyncadd.s32 $0xFFFFFB00  }
0xd0: {  	v5 =	vld [tilespmem:s8+$0x30]  }
0xd1: {  	v8 =	vld [tilespmem:s8+$0x10]  }
0xd2: {  	s18 =	simm.s32 $0x0;
	v6 =	vld [tilespmem:s8+$0xFFFFFFC0]  }
0xd3: {  	v2 =	vld [tilespmem:s18+$0x14140]  }
0xd4: {  	v10 =	vld [tilespmem:s8+$0xFFFFFFE0]  }
0xd5: {  	v1 =	vld [tilespmem:s8+$0xFFFFFFF0]  }
0xd6: {  	v3 =	vld [tilespmem:s8+$0x20]  }
0xd7: {  	v4 =	vld [tilespmem:s8+$0xFFFFFFD0]  }
0xd8: {  	v9 =	vmul.f32 v5, v2;
	v5 =	vld [tilespmem:s8+$0x0]  }
0xd9: {  	v7 =	vmul.f32 v6, v2  }
0xda: {  	s21 =	simm.s32 $0x40;
	s18 =	simm.s32 $0x14B80;
	v6 =	vmul.f32 v10, v2;
	v8 =	vmul.f32 v8, v2  }
.LBB2_11:
0xdb: {  	p0 =	sne.s32 s21, $0x13C0  }
0xdc: {  	v4 =	vmul.f32 v4, v2;
	v3 =	vmul.f32 v3, v2;
	[tilespmem:s8+$0x30] =	vst v9;
	s18 =	sadd.s32 $0x80, s18;
	s22 =	smov.u32 s21;
	s21 =	sadd.s32 $0x40, s21  }
0xdd: {  	[tilespmem:s8+$0xFFFFFFC0] =	vst v7;
	v7 =	vmul.f32 v1, v2;
	v2 =	vmul.f32 v5, v2  }
0xde: {  	[tilespmem:s8+$0x10] =	vst v8  }
0xdf: {  	v1 =	vld [tilespmem:s18+$0xFFFFFFF0];
	[tilespmem:s8+$0xFFFFFFE0] =	vst v6  }
0xe0: {  	v6 =	vld [tilespmem:s18+$0x30];
	[tilespmem:s8+$0xFFFFFFF0] =	vst v7  }
0xe1: {  	v8 =	vld [tilespmem:s18+$0x10];
	[tilespmem:s8+$0x0] =	vst v2  }
0xe2: {  	v7 =	vld [tilespmem:s18+$0xFFFFFFC0];
	[tilespmem:s8+$0x20] =	vst v3  }
0xe3: {  	s22 =	sshra.s32 s22, $0x2;
	v10 =	vld [tilespmem:s18+$0xFFFFFFE0];
	[tilespmem:s8+$0xFFFFFFD0] =	vst v4;
	s8 =	smov.u32 s18  }
0xe4: {  	v2 =	vld [tilespmem:s22+$0x14140]  }
0xe5: {  	v3 =	vld [tilespmem:s18+$0x20]  }
.Ltmp5:
0xe6: {  	v4 =	vld [tilespmem:s18+$0xFFFFFFD0];
	(pc) =	sbr.rel @p0 .LBB2_11-.Ltmp5, $3  }
0xe7: {  	v5 =	vld [tilespmem:s18+$0x0];
	_ =	sdelay $0x1  }
0xe8: {  	v7 =	vmul.f32 v7, v2;
	v9 =	vmul.f32 v6, v2  }
0xe9: {  	v6 =	vmul.f32 v10, v2;
	v8 =	vmul.f32 v8, v2  }
0xea: {  	[tilespmem:s8+$0x30] =	vst v9  }
0xeb: {  	[tilespmem:s8+$0xFFFFFFC0] =	vst v7  }
0xec: {  	v1 =	vmul.f32 v1, v2;
	[tilespmem:s8+$0x10] =	vst v8  }
0xed: {  	v3 =	vmul.f32 v3, v2;
	[tilespmem:s8+$0xFFFFFFE0] =	vst v6  }
0xee: {  	v5 =	vmul.f32 v5, v2;
	[tilespmem:s8+$0xFFFFFFF0] =	vst v1  }
0xef: {  	v1 =	vmul.f32 v4, v2;
	[tilespmem:s8+$0x20] =	vst v3  }
0xf0: {  	[tilespmem:s8+$0x0] =	vst v5  }
0xf1: {  	[tilespmem:s8+$0xFFFFFFD0] =	vst v1  }
0xf2: {  	[spmem:s1] =	stream.indirect.scatter.add.f32 [tilespmem:s10], [sflag:$0x9], $0x80, s26, s9, $0xb8;
	[tilespmem:$0x1DB40] =	vst v63  }
0xf3: {  	_ =	swait.ge [sflag:s24], $0x2800  }
0xf4: {  	[sflag:s24] =	ssyncset.done $0x0  }
0xf5: {  	[sflag:s24] =	ssyncadd.s32 $0xFFFFD800  }
0xf6: {  	s22 =	stileid.u32;
	[bflag:$0x0] =	sbarrier.arrive $0xFFFF  }
0xf7: {  	s8 =	sshll.u32 s22, $0x6;
	s21 =	rddreg [dreg:$0x4]  }
0xf8: {  	s8 =	sor.u32 $0x1C09, s8;
	s22 =	rddreg [dreg:$0xf];
	s18 =	sshrl.u32 s21, $0x3  }
0xf9: {  	[hbm:s22], [sflag:s8] =	dma.local [spmem:s18], $0x2800  }
0xfa: {  	_ =	swait.ge [sflag:s24], $0x2800  }
0xfb: {  	s23 =	rddreg [dreg:$0x11]  }
0xfc: {  	s31 =	rddreg [dreg:$0x10];
	s18 =	sadd.s32 $0x1, s23  }
0xfd: {  	p0 =	sne.s32 s18, s31  }
.Ltmp6:
0xfe: {  	_ = 	snop;
	(pc) =	sbr.rel @p0 .LBB2_1-.Ltmp6, $3  }
0xff: {  	_ =	sdelay $0x1  }
0x100: {  	[sflag:s24] =	ssyncset.done $0x0  }
0x101: {  	[sflag:s24] =	ssyncadd.s32 $0xFFFFD800  }
0x102: {  	_ =	sfence.sel $0x180000  }
0x103: {  	[bflag:$0x0] =	sbarrier.arrive $0xFFFF  }
0x104: {  	_ =	strace $0x9000004A  }
0x105: {  	s0 =	stileid.u32;
	[bflag:$0x2] =	sbarrier.arrive $0xFFFF  }
0x106: {  	p0 =	sne.s32 s0, $0x0;
	s0 =	rddreg [dreg:$0x3]  }
0x107: {  	s0 =	sadd.s32 @!p0 $0x100000, s0  }
0x108: {  	[sflag:s0] =	ssyncadd.tile.s32 @!p0 $0x1;
	_ =	shalt  }
.Lfunc_end2:
_tile_overlayer_lowered:
.L_overlay_start_2:
0x109: {  	(tag) =	ssettag $0x2  }
0x10a: {  	s0 =	rddreg [dreg:$0x0];
	s2 =	stileid.u32  }
0x10b: {  	s1 =	rddreg [dreg:$0x1];
	p0 =	sne.s32 s2, $0x0  }
0x10c: {  	s3 =	rddreg [dreg:$0x2];
	[bflag:$0x3] =	sbarrier.arrive $0xFFFF;
	s2 =	simm.s32 @!p0 $0x1C09  }
0x10d: {  	[timem:s3], [sflag:s2] =	dma.local @!p0 [hbm:s0], s1  }
0x10e: {  	s0 =	simm.s32 @!p0 $0x9  }
0x10f: {  	_ =	swait.ge @!p0 [sflag:s0], s1  }
0x110: {  	s1 =	ssub.s32 @!p0 $0x0, s1;
	[sflag:s0] =	ssyncset.done @!p0 $0x0  }
0x111: {  	[sflag:s0] =	ssyncadd.s32 @!p0 s1  }
0x112: {  	[bflag:$0x3] =	sbarrier.arrive $0xFFFF  }
0x113: {  	_ =	shalt  }

// kernel: kernel.17.cloned.1.call-start
scs
__scs_entry_jumppad:
0x0: {  	(pc) =	sbr.rel $0x88, $3  }
0x1: {  	(tag) =	ssettag $0x0;
	lr =	simm.s32 $0x1  }
0x2: {  	[smem:$0x3F91] =	sst lr;
	_ =	strace $0xD0000000  }
0x3: {  	_ = 	snop  }
0x4: {  	_ = 	snop  }
0x5: {  	_ = 	snop  }
0x6: {  	_ = 	snop  }
0x7: {  	_ = 	snop  }
__scs_overlays_trampoline_lowered:
0x8: {  	[smem:$0x3FA0] =	sst s0  }
0x9: {  	[smem:$0x3FA1] =	sst s1  }
0xa: {  	[smem:$0x3FA2] =	sst s2  }
0xb: {  	[smem:$0x3FA3] =	sst s3  }
0xc: {  	[smem:$0x3FA4] =	sst s4  }
0xd: {  	[smem:$0x3FA5] =	sst s5  }
0xe: {  	[smem:$0x3FA6] =	sst s6  }
0xf: {  	[smem:$0x3FA7] =	sst s7  }
0x10: {  	[smem:$0x3FA8] =	sst s8  }
0x11: {  	[smem:$0x3FA9] =	sst s9;
	s0 =	simm.s32 @!p0 $0x0  }
0x12: {  	s1 =	sld [smem:$0x3F8F];
	s0 =	simm.s32 @p0 $0x1  }
0x13: {  	[smem:$0x3FAA] =	sst s0;
	s0 =	simm.s32 @!p1 $0x0  }
0x14: {  	s2 =	sld [smem:$0x3F8E];
	s0 =	simm.s32 @p1 $0x1  }
0x15: {  	[smem:$0x3FAB] =	sst s0;
	s0 =	simm.s32 @!p2 $0x0  }
0x16: {  	s3 =	sld [smem:$0x3FDB];
	s0 =	simm.s32 @p2 $0x1  }
0x17: {  	s4 =	simm.s32 $0x1BF5;
	[smem:$0x3FAD] =	sst s0  }
0x18: {  	s0 =	sld [smem:$0x3F90];
	_ =	swait.ge [sflag:s4], $0x0  }
0x19: {  	s7 =	sld [smem:$0x3F91]  }
0x1a: {  	s8 =	sadd.s32 $0xFFFFE003, lr  }
0x1b: {  	s9 =	sadd.s32 $0xFFFFFEF7, lr;
	s5 =	simm.s32 $0xFFFFFFFF;
	p2 =	slt.u32 s8, $0xFFFFF086  }
0x1c: {  	p1 =	slt.u32 s9, $0xF7A;
	s5 =	simm.s32 @!p2 $0x0  }
0x1d: {  	s5 =	simm.s32 @p1 $0x1;
	p0 =	seq.s32 s7, s2  }
0x1e: {  	s7 =	smul.u32 @!p0 $0xF7A, s2;
	p2 =	seq.s32 @!p0 s5, $0x0  }
0x1f: {  	s9 =	smul.u32 $0xF7A, s1;
	s8 =	simm.s32 @!p0 $0x1BF5;
	p2 =	por !p2, p0  }
0x20: {  	[sflag:s8] =	ssyncset.s32 @!p0 $0xFFFFF086;
	s6 =	sadd.s32 @!p0 s3, s7;
	s7 =	simm.s32 @!p0 $0x108  }
0x21: {  	s3 =	sadd.s32 s3, s9;
	s6 =	sadd.s32 @!p0 $0x88, s6;
	s7 =	simm.s32 @p2 $0x1082  }
0x22: {  	[simem:s7], [sflag:s8] =	dma.local @!p0 [hbm:s6], $0xF7A  }
0x23: {  	s9 =	sor.u32 $0xD0000000, s2;
	s6 =	simm.s32 $0x108;
	_ =	swait.ge @!p0 [sflag:s8], $0x0  }
0x24: {  	s3 =	sadd.s32 $0x88, s3;
	s6 =	simm.s32 @!p1 $0x1082;
	[sflag:s4] =	ssyncset.s32 $0xFFFFF086  }
0x25: {  	[simem:s6], [sflag:s4] =	dma.local [hbm:s3], $0xF7A  }
0x26: {  	[smem:$0x3F91] =	sst s1;
	(tag) =	ssettag s2;
	_ =	strace s9  }
0x27: {  	s1 =	sld [smem:$0x3FA1]  }
0x28: {  	s2 =	sld [smem:$0x3FA2]  }
0x29: {  	s4 =	sld [smem:$0x3FA4]  }
0x2a: {  	p0 =	seq.s32 s5, $0x0;
	s5 =	sld [smem:$0x3FA5]  }
0x2b: {  	s6 =	sld [smem:$0x3FA6]  }
0x2c: {  	s7 =	sld [smem:$0x3FA7]  }
0x2d: {  	s3 =	simm.s32 $0x108;
	s8 =	sld [smem:$0x3FA8]  }
0x2e: {  	s3 =	simm.s32 @!p0 $0x1082;
	s9 =	sld [smem:$0x3FA9]  }
0x2f: {  	lr =	sadd.s32 s0, s3;
	s0 =	sld [smem:$0x3FA0]  }
0x30: {  	s3 =	sld [smem:$0x3FA3]  }
0x31: {  	[smem:$0x3FAC] =	sst s10  }
0x32: {  	s10 =	sld [smem:$0x3FAA];
	_ =	sdelay $0x3  }
0x33: {  	p0 =	seq.s32 s10, $0x1;
	s10 =	sld [smem:$0x3FAC];
	_ =	sdelay $0x3  }
0x34: {  	[smem:$0x3FAC] =	sst s10  }
0x35: {  	s10 =	sld [smem:$0x3FAB];
	_ =	sdelay $0x3  }
0x36: {  	p1 =	seq.s32 s10, $0x1;
	s10 =	sld [smem:$0x3FAC];
	_ =	sdelay $0x3  }
0x37: {  	[smem:$0x3FAC] =	sst s10  }
0x38: {  	s10 =	sld [smem:$0x3FAD]  }
0x39: {  	_ = 	snop;
	(pc) =	sbr.ind lr, $3  }
0x3a: {  	_ = 	snop  }
0x3b: {  	_ = 	snop  }
0x3c: {  	p2 =	seq.s32 s10, $0x1;
	s10 =	sld [smem:$0x3FAC]  }
0x3d: {  	_ =	shalt  }
0x3e: {  	_ =	shalt  }
0x3f: {  	_ =	shalt  }
0x40: {  	_ =	shalt  }
0x41: {  	_ =	shalt  }
0x42: {  	_ =	shalt  }
0x43: {  	_ =	shalt  }
0x44: {  	_ =	shalt  }
0x45: {  	_ =	shalt  }
0x46: {  	_ =	shalt  }
0x47: {  	_ =	shalt  }
0x48: {  	_ =	shalt  }
0x49: {  	_ =	shalt  }
0x4a: {  	_ =	shalt  }
0x4b: {  	_ =	shalt  }
0x4c: {  	_ =	shalt  }
0x4d: {  	_ =	shalt  }
0x4e: {  	_ =	shalt  }
0x4f: {  	_ =	shalt  }
0x50: {  	_ =	shalt  }
0x51: {  	_ =	shalt  }
0x52: {  	_ =	shalt  }
0x53: {  	_ =	shalt  }
0x54: {  	_ =	shalt  }
0x55: {  	_ =	shalt  }
0x56: {  	_ =	shalt  }
0x57: {  	_ =	shalt  }
0x58: {  	_ =	shalt  }
0x59: {  	_ =	shalt  }
0x5a: {  	_ =	shalt  }
0x5b: {  	_ =	shalt  }
0x5c: {  	_ =	shalt  }
0x5d: {  	_ =	shalt  }
0x5e: {  	_ =	shalt  }
0x5f: {  	_ =	shalt  }
0x60: {  	_ =	shalt  }
0x61: {  	_ =	shalt  }
0x62: {  	_ =	shalt  }
0x63: {  	_ =	shalt  }
0x64: {  	_ =	shalt  }
0x65: {  	_ =	shalt  }
0x66: {  	_ =	shalt  }
0x67: {  	_ =	shalt  }
0x68: {  	_ =	shalt  }
0x69: {  	_ =	shalt  }
0x6a: {  	_ =	shalt  }
0x6b: {  	_ =	shalt  }
0x6c: {  	_ =	shalt  }
0x6d: {  	_ =	shalt  }
0x6e: {  	_ =	shalt  }
0x6f: {  	_ =	shalt  }
0x70: {  	_ =	shalt  }
0x71: {  	_ =	shalt  }
0x72: {  	_ =	shalt  }
0x73: {  	_ =	shalt  }
0x74: {  	_ =	shalt  }
0x75: {  	_ =	shalt  }
0x76: {  	_ =	shalt  }
0x77: {  	_ =	shalt  }
0x78: {  	_ =	shalt  }
0x79: {  	_ =	shalt  }
0x7a: {  	_ =	shalt  }
0x7b: {  	_ =	shalt  }
0x7c: {  	_ =	shalt  }
0x7d: {  	_ =	shalt  }
0x7e: {  	_ =	shalt  }
0x7f: {  	_ =	shalt  }
0x80: {  	_ =	shalt  }
0x81: {  	_ =	shalt  }
0x82: {  	_ =	shalt  }
0x83: {  	_ =	shalt  }
0x84: {  	_ =	shalt  }
0x85: {  	_ =	shalt  }
0x86: {  	_ =	shalt  }
0x87: {  	_ =	shalt  }
.Lfunc_end0:
.L_simem_size_0:
called_computation.2_lowered:
.L_overlay_start_0:
0x88: {  	s2 =	sld [smem:$0x3FD9]  }
0x89: {  	s3 =	sld [smem:$0x3FFE];
	_ =	sdelay $0x1  }
0x8a: {  	s1 =	srdreg.scid  }
0x8b: {  	s0 =	sand.u32 $0x1, s1  }
0x8c: {  	s14 =	sshll.u32 s0, $0xA;
	s2 =	sadd.s32 s3, s2  }
0x8d: {  	s2 =	sadd.s32 s2, s14  }
0x8e: {  	[smem:$0x3FB8] =	sst s2  }
0x8f: {  	_ = 	snop  }
0x90: {  	s2 =	sld [smem:$0x3FD0];
	_ =	sdelay $0x2  }
0x91: {  	s15 =	simm.s32 $0xA;
	s4 =	simm.s32 $0x10  }
0x92: {  	[smem:s4], [sflag:s15] =	dma.local [hbm:s2], $0x1  }
0x93: {  	_ =	swait.eq [sflag:s15], $0x1  }
0x94: {  	[sflag:s15] =	ssyncset.done $0x0  }
0x95: {  	[sflag:s15] =	ssyncadd.s32 $0xFFFFFFFF  }
0x96: {  	s16 =	sld [smem:$0x10];
	(tm) =	ssettm $0x1  }
0x97: {  	s17 =	sld [smem:$0x3FFB];
	_ =	sdelay $0x3  }
0x98: {  	_ =	strace s17  }
0x99: {  	s3 =	sld [smem:$0x3FFC];
	_ =	sdelay $0x3  }
0x9a: {  	_ =	strace s3  }
0x9b: {  	s3 =	sld [smem:$0x3FFD];
	_ =	sdelay $0x3  }
0x9c: {  	_ =	strace s3  }
0x9d: {  	_ =	strace $0x8FFFFFFF  }
0x9e: {  	s18 =	sld [smem:$0x3FDB];
	_ =	sdelay $0x1  }
0x9f: {  	s19 =	simm.s32 $_scs_section_size  }
0xa0: {  	s5 =	simm.s32 $_size__tile_overlayer_lowered;
	s6 =	simm.s32 $_tile_overlayer_lowered  }
0xa1: {  	s22 =	simm.s32 $0x1BFF;
	s21 =	sshll.u32 s6, $0x1;
	s3 =	sadd.s32 s19, s18  }
0xa2: {  	s7 =	simm.s32 $0x0;
	s20 =	sshll.u32 s5, $0x1;
	s5 =	sadd.s32 s21, s3  }
0xa3: {  	[timem:s7], [sflag:s22] =	dma.local [hbm:s5], s20  }
0xa4: {  	_ =	swait.ge [sflag:s22], s20  }
0xa5: {  	s4 =	ssub.s32 $0x0, s20;
	[sflag:s22] =	ssyncset.done $0x0  }
0xa6: {  	[sflag:s22] =	ssyncadd.s32 s4;
	_ =	sdelay $0x1  }
0xa7: {  	s23 =	simm.s32 $0x1B8B  }
0xa8: {  	_ =	swait.ge [sflag:s23], $0x1  }
0xa9: {  	[sflag:s23] =	ssyncset.done $0x0  }
0xaa: {  	s25 =	simm.s32 $0x1B8E;
	s24 =	sld [smem:$0x3FFE];
	[sflag:s23] =	ssyncadd.s32 $0xFFFFFFFF  }
0xab: {  	s26 =	simm.s32 $execute0_lowered;
	[smem:$0x3FD2] =	sst s25  }
0xac: {  	s5 =	sshll.u32 s26, $0x1;
	_ =	strace $0x8000004C;
	[dreg:$0x1] =	wrdreg $0xFFFFFFFF  }
0xad: {  	s28 =	simm.s32 $_size_execute0_lowered;
	s3 =	sadd.s32 s3, s5;
	[dreg:$0x0] =	wrdreg $0x0  }
0xae: {  	s5 =	sshll.u32 s28, $0x1;
	[dreg:$0x2] =	wrdreg s3  }
0xaf: {  	[dreg:$0x3] =	wrdreg s5  }
0xb0: {  	[dreg:$0x4] =	wrdreg $0xC0  }
0xb1: {  	_ =	task [dreg:s7], $0x5FFFF  }
0xb2: {  	[dreg:$0x1] =	wrdreg $0xFFFFFFFF  }
0xb3: {  	[dreg:$0x0] =	wrdreg $0x60  }
0xb4: {  	[dreg:$0x2] =	wrdreg s24  }
0xb5: {  	[dreg:$0x3] =	wrdreg s16  }
0xb6: {  	[dreg:$0x4] =	wrdreg $0x0  }
0xb7: {  	[dreg:$0x5] =	wrdreg $0x9  }
0xb8: {  	_ =	task.clear_ibuf [dreg:s7], $0x6FFFF;
	_ =	strace $0x9000004C  }
0xb9: {  	s29 =	simm.s32 $0x9;
	_ =	strace $0x8000004E  }
0xba: {  	_ =	swait.ge [sflag:s29], $0x1  }
0xbb: {  	[sflag:s29] =	ssyncadd.s32 $0xFFFFFFFF  }
0xbc: {  	_ =	strace $0x9000004E  }
0xbd: {  	_ =	sfence  }
0xbe: {  	s30 =	sld [smem:$0x0];
	_ =	sdelay $0x2  }
0xbf: {  	s31 =	sshll.u32 s1, $0xD;
	s1 =	sshrl.u32 s1, $0x2  }
0xc0: {  	s3 =	sand.u32 $0x4000, s31;
	s1 =	sadd.s32 s1, s30  }
0xc1: {  	s0 =	sor.u32 s3, s0;
	s1 =	sshll.u32 s1, $0x11  }
0xc2: {  	s0 =	sor.u32 s1, s0  }
0xc3: {  	s0 =	sadd.s32 $0x8F2B, s0  }
0xc4: {  	[sflag:s0] =	ssyncadd.remote.s32 $0x1  }
0xc5: {  	_ =	sfence.sel $0xFFFF  }
0xc6: {  	[dreg:$0x0] =	wrdreg $0xFFFFFFFF;
	(pc) =	sbr.abs _section_cstart, $3  }
0xc7: {  	[dreg:$0x1] =	wrdreg $0xFFFFFFFF  }
0xc8: {  	_ =	task.clear_ibuf [dreg:s7], $0x2FFFF;
	_ =	strace $0x9FFFFFFF  }
0xc9: {  	(tm) =	ssettm $0x7FFFFFFF  }
tec
execute0_lowered:
.L_overlay_start_1:
0x0: {  	(tag) =	ssettag $0x1  }
0x1: {  	s0 =	rddreg [dreg:$0x0]  }
0x2: {  	s3 =	rddreg [dreg:$0x1]  }
0x3: {  	s1 =	rddreg [dreg:$0x2];
	s2 =	simm.s32 $0x0;
	s7 =	srdreg.scid  }
0x4: {  	s12 =	stileid.u32;
	s28 =	simm.s32 $0x14140;
	s29 =	simm.s32 $0x14050  }
0x5: {  	s30 =	simm.s32 $0x140F0;
	s14 =	simm.s32 $0x6;
	[smem:$0x7FF] =	sst s2  }
0x6: {  	s4 =	sadd.s32 $0x17A00, s0;
	s5 =	sadd.s32 $0x3E00, s0;
	s6 =	sadd.s32 $0xDC00, s0  }
0x7: {  	s8 =	sand.u32 $0x1, s7;
	s7 =	sadd.s32 $0x4F9A00, s0;
	s9 =	smul.u32 $0x50000, s12  }
0x8: {  	s11 =	sshll.u32 s12, $0x1;
	s12 =	smul.u32 $0x14000, s12;
	_ =	strace $0x8000004D  }
0x9: {  	s15 =	ssub.s32 $0x2, s8;
	s16 =	sor.u32 s8, s11;
	s8 =	smul.u32 $0x140000, s8  }
0xa: {  	s10 =	sshrl.u32 s15, $0x1;
	s9 =	sshrl.u32 s9, $0x2;
	s11 =	smul.u32 $0x2710, s16  }
0xb: {  	s21 =	sadd.s32 s12, s1;
	s0 =	ssub.s32 s15, s10;
	s9 =	sadd.s32 s9, s1  }
0xc: {  	s10 =	smul.u32 $0x4E20, s16;
	s8 =	sadd.s32 s12, s8;
	s12 =	simm.s32 $0x3  }
0xd: {  	s15 =	simm.s32 $0x17340;
	[dreg:$0x4] =	wrdreg s21;
	s13 =	sadd.s32 $0x4000, s9  }
0xe: {  	s16 =	simm.s32 $0x2;
	s17 =	sadd.s32 $0x8000, s9;
	[dreg:$0x5] =	wrdreg s13  }
0xf: {  	s18 =	sadd.s32 $0xC000, s9;
	s9 =	sadd.s32 $0x10000, s9;
	[dreg:$0x6] =	wrdreg s17  }
0x10: {  	s19 =	sshrl.u32 s11, $0x3;
	s22 =	sadd.s32 $0x50, s11;
	[dreg:$0x7] =	wrdreg s18  }
0x11: {  	s8 =	sshrl.u32 s8, $0x3;
	s0 =	smax.u32 s0, $0x1;
	[dreg:$0x8] =	wrdreg s9  }
0x12: {  	s20 =	sadd.s32 s5, s19;
	s9 =	sadd.s32 s6, s19;
	s23 =	sadd.s32 s7, s10  }
0x13: {  	s24 =	sshrl.u32 s22, $0x3;
	s26 =	sshll.u32 s22, $0x1;
	s19 =	sadd.s32 $0xA0, s11  }
0x14: {  	s3 =	sadd.s32 s3, s8;
	[dreg:$0x10] =	wrdreg s0;
	s0 =	simm.s32 $0x7  }
0x15: {  	s10 =	simm.s32 $0x14B40;
	s13 =	simm.s32 $0x8;
	[dreg:$0x9] =	wrdreg s20  }
0x16: {  	s17 =	simm.s32 $0x4;
	s18 =	simm.s32 $0x0;
	[dreg:$0xa] =	wrdreg s9  }
0x17: {  	[dreg:$0xb] =	wrdreg s23;
	s25 =	sadd.s32 s5, s24;
	s9 =	sadd.s32 s6, s24  }
0x18: {  	s31 =	sadd.s32 s7, s26;
	s20 =	sadd.s32 $0xF0, s11;
	[dreg:$0xf] =	wrdreg s3  }
0x19: {  	s24 =	simm.s32 $0x9;
	s26 =	simm.s32 $0x140A0;
	[dreg:$0xc] =	wrdreg s25  }
0x1a: {  	s3 =	simm.s32 $0x5;
	s11 =	simm.s32 $0x1;
	[dreg:$0xd] =	wrdreg s9  }
0x1b: {  	v0 =	vimm.f32 $0.0e+00;
	[dreg:$0xe] =	wrdreg s31;
	s25 =	simm.s32 $0x14000;
	s9 =	simm.s32 $0x50  }
.LBB2_1:
0x1c: {  	[dreg:$0x11] =	wrdreg s18;
	s8 =	simm.s32 $0x0;
	s18 =	simm.s32 $0x200  }
.LBB2_2:
0x1d: {  	p0 =	sne.s32 s18, $0xFE00;
	[tilespmem:s8+$0x19BB0] =	vst v0  }
0x1e: {  	[tilespmem:s8+$0x19B40] =	vst v0  }
0x1f: {  	[tilespmem:s8+$0x19B50] =	vst v0  }
.Ltmp0:
0x20: {  	[tilespmem:s8+$0x19B60] =	vst v0;
	(pc) =	sbr.rel @p0 .LBB2_2-.Ltmp0, $4  }
0x21: {  	[tilespmem:s8+$0x19B70] =	vst v0  }
0x22: {  	[tilespmem:s8+$0x19B80] =	vst v0  }
0x23: {  	[tilespmem:s8+$0x19B90] =	vst v0  }
0x24: {  	[tilespmem:s8+$0x19BA0] =	vst v0;
	s8 =	sshra.s32 s18, $0x2;
	s18 =	sadd.s32 $0x200, s18  }
0x25: {  	[tilespmem:s8+$0x19BB0] =	vst v0  }
0x26: {  	[tilespmem:s8+$0x19B40] =	vst v0  }
0x27: {  	[tilespmem:s8+$0x19B50] =	vst v0  }
0x28: {  	[tilespmem:s8+$0x19B60] =	vst v0  }
0x29: {  	[tilespmem:s8+$0x19B70] =	vst v0  }
0x2a: {  	[tilespmem:s8+$0x19B80] =	vst v0  }
0x2b: {  	[tilespmem:s8+$0x19B90] =	vst v0  }
0x2c: {  	[tilespmem:s8+$0x19BA0] =	vst v0;
	s18 =	simm.s32 $0x19B40  }
0x2d: {  	[spmem:s21] =	stream.linear.scatter [tilespmem:s18], [sflag:$0x9], $0x4000, $0x38;
	[tilespmem:$0x1DB40] =	vst v63  }
0x2e: {  	_ =	swait.ge [sflag:s24], $0x4000  }
0x2f: {  	[sflag:s24] =	ssyncset.done $0x0  }
0x30: {  	s22 =	rddreg [dreg:$0x5];
	[sflag:s24] =	ssyncadd.s32 $0xFFFFC000  }
0x31: {  	[spmem:s22] =	stream.linear.scatter [tilespmem:s18], [sflag:$0x9], $0x4000, $0x38;
	[tilespmem:$0x1DB40] =	vst v63  }
0x32: {  	_ =	swait.ge [sflag:s24], $0x4000  }
0x33: {  	[sflag:s24] =	ssyncset.done $0x0  }
0x34: {  	s23 =	rddreg [dreg:$0x6];
	[sflag:s24] =	ssyncadd.s32 $0xFFFFC000  }
0x35: {  	[spmem:s23] =	stream.linear.scatter [tilespmem:s18], [sflag:$0x9], $0x4000, $0x38;
	[tilespmem:$0x1DB40] =	vst v63  }
0x36: {  	_ =	swait.ge [sflag:s24], $0x4000  }
0x37: {  	[sflag:s24] =	ssyncset.done $0x0  }
0x38: {  	s31 =	rddreg [dreg:$0x7];
	[sflag:s24] =	ssyncadd.s32 $0xFFFFC000  }
0x39: {  	[spmem:s31] =	stream.linear.scatter [tilespmem:s18], [sflag:$0x9], $0x4000, $0x38;
	[tilespmem:$0x1DB40] =	vst v63  }
0x3a: {  	_ =	swait.ge [sflag:s24], $0x4000  }
0x3b: {  	[sflag:s24] =	ssyncset.done $0x0  }
0x3c: {  	s21 =	rddreg [dreg:$0x8];
	[sflag:s24] =	ssyncadd.s32 $0xFFFFC000  }
0x3d: {  	[spmem:s21] =	stream.linear.scatter [tilespmem:s18], [sflag:$0x9], $0x4000, $0x38;
	[tilespmem:$0x1DB40] =	vst v63  }
0x3e: {  	_ =	swait.ge [sflag:s24], $0x4000  }
0x3f: {  	[sflag:s24] =	ssyncset.done $0x0  }
0x40: {  	[sflag:s24] =	ssyncadd.s32 $0xFFFFC000  }
0x41: {  	[bflag:$0x0] =	sbarrier.arrive $0xFFFF  }
0x42: {  	s21 =	simm.s32 $0x0;
	s22 =	rddreg [dreg:$0x9]  }
0x43: {  	[tilespmem:s25], [sflag:$0x7] =	stream.linear.gather [hbm4b:s22+s21], $0x50, $0x38;
	[tilespmem:$0x1DB40] =	vst v63  }
0x44: {  	s23 =	rddreg [dreg:$0xa]  }
0x45: {  	[tilespmem:s26], [sflag:$0x5] =	stream.linear.gather [hbm4b:s23+s21], $0x50, $0x38;
	[tilespmem:$0x1DB40] =	vst v63  }
0x46: {  	s31 =	rddreg [dreg:$0xb]  }
0x47: {  	[tilespmem:s28], [sflag:$0x3] =	stream.linear.gather [hbm4b:s31+s21], $0x500, $0x38;
	[tilespmem:$0x1DB40] =	vst v63  }
0x48: {  	s18 =	rddreg [dreg:$0xc]  }
0x49: {  	[tilespmem:s29], [sflag:$0x8] =	stream.linear.gather [hbm4b:s18+s21], $0x50, $0x38;
	[tilespmem:$0x1DB40] =	vst v63  }
0x4a: {  	s22 =	rddreg [dreg:$0xd]  }
0x4b: {  	[tilespmem:s30], [sflag:$0x6] =	stream.linear.gather [hbm4b:s22+s21], $0x50, $0x38;
	[tilespmem:$0x1DB40] =	vst v63  }
0x4c: {  	s23 =	rddreg [dreg:$0xe];
	s31 =	simm.s32 $0x14640  }
0x4d: {  	[tilespmem:s31], [sflag:$0x4] =	stream.linear.gather [hbm4b:s23+s21], $0x500, $0x38;
	[tilespmem:$0x1DB40] =	vst v63  }
0x4e: {  	_ =	swait.ge [sflag:s0], $0x50  }
0x4f: {  	[sflag:s0] =	ssyncset.done $0x0  }
0x50: {  	[sflag:s0] =	ssyncadd.s32 $0xFFFFFFB0  }
0x51: {  	_ =	swait.ge [sflag:s3], $0x50  }
0x52: {  	[sflag:s3] =	ssyncset.done $0x0  }
0x53: {  	[sflag:s3] =	ssyncadd.s32 $0xFFFFFFB0  }
0x54: {  	[tilespmem:s10], [sflag:$0x1] =	stream.indirect.gather [hbm4b:s4+s9], $0x80, s25, s9, $0xb8;
	[tilespmem:$0x1DB40] =	vst v63  }
.LBB2_4:
0x55: {  	_ =	swait.ge [sflag:s11], $0x2800  }
0x56: {  	[sflag:s11] =	ssyncset.done $0x0  }
0x57: {  	[sflag:s11] =	ssyncadd.s32 $0xFFFFD800  }
0x58: {  	_ =	swait.ge [sflag:s12], $0x500  }
0x59: {  	[sflag:s12] =	ssyncset.done $0x0  }
0x5a: {  	s22 =	simm.s32 $0x14B80;
	[sflag:s12] =	ssyncadd.s32 $0xFFFFFB00  }
0x5b: {  	v5 =	vld [tilespmem:s22+$0x30]  }
0x5c: {  	v8 =	vld [tilespmem:s22+$0x10]  }
0x5d: {  	s8 =	simm.s32 $0x0;
	v6 =	vld [tilespmem:s22+$0xFFFFFFC0]  }
0x5e: {  	v2 =	vld [tilespmem:s8+$0x14140]  }
0x5f: {  	v10 =	vld [tilespmem:s22+$0xFFFFFFE0]  }
0x60: {  	v1 =	vld [tilespmem:s22+$0xFFFFFFF0]  }
0x61: {  	v3 =	vld [tilespmem:s22+$0x20]  }
0x62: {  	v4 =	vld [tilespmem:s22+$0xFFFFFFD0]  }
0x63: {  	v9 =	vmul.f32 v5, v2;
	v5 =	vld [tilespmem:s22+$0x0]  }
0x64: {  	v7 =	vmul.f32 v6, v2  }
0x65: {  	s23 =	simm.s32 $0x14B80;
	s8 =	simm.s32 $0x40;
	v6 =	vmul.f32 v10, v2;
	v8 =	vmul.f32 v8, v2  }
.LBB2_5:
0x66: {  	p0 =	sne.s32 s8, $0x13C0  }
0x67: {  	v4 =	vmul.f32 v4, v2;
	v3 =	vmul.f32 v3, v2;
	[tilespmem:s22+$0x30] =	vst v9;
	s23 =	sadd.s32 $0x80, s23;
	s18 =	smov.u32 s8;
	s8 =	sadd.s32 $0x40, s8  }
0x68: {  	[tilespmem:s22+$0xFFFFFFC0] =	vst v7;
	v7 =	vmul.f32 v1, v2;
	v2 =	vmul.f32 v5, v2  }
0x69: {  	[tilespmem:s22+$0x10] =	vst v8  }
0x6a: {  	v1 =	vld [tilespmem:s23+$0xFFFFFFF0];
	[tilespmem:s22+$0xFFFFFFE0] =	vst v6  }
0x6b: {  	v6 =	vld [tilespmem:s23+$0x30];
	[tilespmem:s22+$0xFFFFFFF0] =	vst v7  }
0x6c: {  	v8 =	vld [tilespmem:s23+$0x10];
	[tilespmem:s22+$0x0] =	vst v2  }
0x6d: {  	v7 =	vld [tilespmem:s23+$0xFFFFFFC0];
	[tilespmem:s22+$0x20] =	vst v3  }
0x6e: {  	s18 =	sshra.s32 s18, $0x2;
	v10 =	vld [tilespmem:s23+$0xFFFFFFE0];
	[tilespmem:s22+$0xFFFFFFD0] =	vst v4;
	s22 =	smov.u32 s23  }
0x6f: {  	v2 =	vld [tilespmem:s18+$0x14140]  }
0x70: {  	v3 =	vld [tilespmem:s23+$0x20]  }
.Ltmp1:
0x71: {  	v4 =	vld [tilespmem:s23+$0xFFFFFFD0];
	(pc) =	sbr.rel @p0 .LBB2_5-.Ltmp1, $3  }
0x72: {  	v5 =	vld [tilespmem:s23+$0x0];
	_ =	sdelay $0x1  }
0x73: {  	v7 =	vmul.f32 v7, v2;
	v9 =	vmul.f32 v6, v2  }
0x74: {  	v6 =	vmul.f32 v10, v2;
	v8 =	vmul.f32 v8, v2  }
0x75: {  	[tilespmem:s22+$0x30] =	vst v9  }
0x76: {  	[tilespmem:s22+$0xFFFFFFC0] =	vst v7  }
0x77: {  	v1 =	vmul.f32 v1, v2;
	[tilespmem:s22+$0x10] =	vst v8  }
0x78: {  	v3 =	vmul.f32 v3, v2;
	[tilespmem:s22+$0xFFFFFFE0] =	vst v6  }
0x79: {  	v5 =	vmul.f32 v5, v2;
	[tilespmem:s22+$0xFFFFFFF0] =	vst v1  }
0x7a: {  	v1 =	vmul.f32 v4, v2;
	[tilespmem:s22+$0x20] =	vst v3  }
0x7b: {  	[tilespmem:s22+$0x0] =	vst v5  }
0x7c: {  	[tilespmem:s22+$0xFFFFFFD0] =	vst v1  }
0x7d: {  	[spmem:s1] =	stream.indirect.scatter.add.f32 [tilespmem:s10], [sflag:$0x9], $0x80, s26, s9, $0xb8;
	[tilespmem:$0x1DB40] =	vst v63  }
0x7e: {  	_ =	swait.ge [sflag:s24], $0x2800  }
0x7f: {  	[sflag:s24] =	ssyncset.done $0x0  }
0x80: {  	[sflag:s24] =	ssyncadd.s32 $0xFFFFD800  }
0x81: {  	_ =	swait.ge [sflag:s13], $0x50  }
0x82: {  	[sflag:s13] =	ssyncset.done $0x0  }
0x83: {  	s22 =	smul.u32 $0xA0, s21;
	[sflag:s13] =	ssyncadd.s32 $0xFFFFFFB0  }
0x84: {  	_ =	swait.ge [sflag:s14], $0x50  }
0x85: {  	s8 =	sadd.s32 s22, s19;
	[sflag:s14] =	ssyncset.done $0x0  }
0x86: {  	s18 =	sshrl.u32 s8, $0x3;
	[sflag:s14] =	ssyncadd.s32 $0xFFFFFFB0  }
0x87: {  	[tilespmem:s15], [sflag:$0x2] =	stream.indirect.gather [hbm4b:s4+s9], $0x80, s29, s9, $0xb8;
	[tilespmem:$0x1DB40] =	vst v63  }
0x88: {  	s31 =	simm.s32 $0x0;
	s8 =	sshll.u32 s8, $0x1;
	s23 =	sadd.s32 s5, s18  }
0x89: {  	[tilespmem:s25], [sflag:$0x7] =	stream.linear.gather [hbm4b:s23+s31], $0x50, $0x38;
	[tilespmem:$0x1DB40] =	vst v63  }
0x8a: {  	s18 =	sadd.s32 s6, s18;
	s8 =	sand.u32 $0x1FFFFFE0, s8  }
0x8b: {  	[tilespmem:s26], [sflag:$0x5] =	stream.linear.gather [hbm4b:s18+s31], $0x50, $0x38;
	[tilespmem:$0x1DB40] =	vst v63  }
0x8c: {  	s8 =	sadd.s32 s7, s8  }
0x8d: {  	[tilespmem:s28], [sflag:$0x3] =	stream.linear.gather [hbm4b:s8+s31], $0x500, $0x38;
	[tilespmem:$0x1DB40] =	vst v63  }
0x8e: {  	_ =	swait.ge [sflag:s16], $0x2800  }
0x8f: {  	[sflag:s16] =	ssyncset.done $0x0  }
0x90: {  	[sflag:s16] =	ssyncadd.s32 $0xFFFFD800  }
0x91: {  	_ =	swait.ge [sflag:s17], $0x500  }
0x92: {  	[sflag:s17] =	ssyncset.done $0x0  }
0x93: {  	s8 =	simm.s32 $0x17380;
	[sflag:s17] =	ssyncadd.s32 $0xFFFFFB00  }
0x94: {  	v5 =	vld [tilespmem:s8+$0x30]  }
0x95: {  	v8 =	vld [tilespmem:s8+$0x10]  }
0x96: {  	s31 =	simm.s32 $0x0;
	v6 =	vld [tilespmem:s8+$0xFFFFFFC0]  }
0x97: {  	v2 =	vld [tilespmem:s31+$0x14640]  }
0x98: {  	v10 =	vld [tilespmem:s8+$0xFFFFFFE0]  }
0x99: {  	v1 =	vld [tilespmem:s8+$0xFFFFFFF0]  }
0x9a: {  	v3 =	vld [tilespmem:s8+$0x20]  }
0x9b: {  	v4 =	vld [tilespmem:s8+$0xFFFFFFD0]  }
0x9c: {  	v9 =	vmul.f32 v5, v2;
	v5 =	vld [tilespmem:s8+$0x0]  }
0x9d: {  	v7 =	vmul.f32 v6, v2  }
0x9e: {  	s23 =	simm.s32 $0x40;
	s18 =	simm.s32 $0x17380;
	v6 =	vmul.f32 v10, v2;
	v8 =	vmul.f32 v8, v2  }
.LBB2_7:
0x9f: {  	p0 =	sne.s32 s23, $0x13C0  }
0xa0: {  	v4 =	vmul.f32 v4, v2;
	v3 =	vmul.f32 v3, v2;
	[tilespmem:s8+$0x30] =	vst v9;
	s18 =	sadd.s32 $0x80, s18;
	s31 =	smov.u32 s23;
	s23 =	sadd.s32 $0x40, s23  }
0xa1: {  	[tilespmem:s8+$0xFFFFFFC0] =	vst v7;
	v7 =	vmul.f32 v1, v2;
	v2 =	vmul.f32 v5, v2  }
0xa2: {  	[tilespmem:s8+$0x10] =	vst v8  }
0xa3: {  	v1 =	vld [tilespmem:s18+$0xFFFFFFF0];
	[tilespmem:s8+$0xFFFFFFE0] =	vst v6  }
0xa4: {  	v6 =	vld [tilespmem:s18+$0x30];
	[tilespmem:s8+$0xFFFFFFF0] =	vst v7  }
0xa5: {  	v8 =	vld [tilespmem:s18+$0x10];
	[tilespmem:s8+$0x0] =	vst v2  }
0xa6: {  	v7 =	vld [tilespmem:s18+$0xFFFFFFC0];
	[tilespmem:s8+$0x20] =	vst v3  }
0xa7: {  	s31 =	sshra.s32 s31, $0x2;
	v10 =	vld [tilespmem:s18+$0xFFFFFFE0];
	[tilespmem:s8+$0xFFFFFFD0] =	vst v4;
	s8 =	smov.u32 s18  }
0xa8: {  	v2 =	vld [tilespmem:s31+$0x14640]  }
0xa9: {  	v3 =	vld [tilespmem:s18+$0x20]  }
.Ltmp2:
0xaa: {  	v4 =	vld [tilespmem:s18+$0xFFFFFFD0];
	(pc) =	sbr.rel @p0 .LBB2_7-.Ltmp2, $3  }
0xab: {  	v5 =	vld [tilespmem:s18+$0x0];
	_ =	sdelay $0x1  }
0xac: {  	v7 =	vmul.f32 v7, v2;
	v9 =	vmul.f32 v6, v2  }
0xad: {  	v6 =	vmul.f32 v10, v2;
	v8 =	vmul.f32 v8, v2  }
0xae: {  	[tilespmem:s8+$0x30] =	vst v9  }
0xaf: {  	[tilespmem:s8+$0xFFFFFFC0] =	vst v7  }
0xb0: {  	v1 =	vmul.f32 v1, v2;
	[tilespmem:s8+$0x10] =	vst v8  }
0xb1: {  	v3 =	vmul.f32 v3, v2;
	[tilespmem:s8+$0xFFFFFFE0] =	vst v6  }
0xb2: {  	v5 =	vmul.f32 v5, v2;
	[tilespmem:s8+$0xFFFFFFF0] =	vst v1  }
0xb3: {  	v1 =	vmul.f32 v4, v2;
	[tilespmem:s8+$0x20] =	vst v3  }
0xb4: {  	[tilespmem:s8+$0x0] =	vst v5  }
0xb5: {  	[tilespmem:s8+$0xFFFFFFD0] =	vst v1  }
0xb6: {  	[spmem:s1] =	stream.indirect.scatter.add.f32 [tilespmem:s15], [sflag:$0x9], $0x80, s30, s9, $0xb8;
	[tilespmem:$0x1DB40] =	vst v63  }
0xb7: {  	_ =	swait.ge [sflag:s24], $0x2800  }
0xb8: {  	[sflag:s24] =	ssyncset.done $0x0  }
0xb9: {  	[sflag:s24] =	ssyncadd.s32 $0xFFFFD800  }
0xba: {  	_ =	swait.ge [sflag:s0], $0x50  }
0xbb: {  	p0 =	seq.s32 s21, $0x3D;
	[sflag:s0] =	ssyncset.done $0x0  }
.Ltmp3:
0xbc: {  	[sflag:s0] =	ssyncadd.s32 $0xFFFFFFB0;
	(pc) =	sbr.rel @p0 .LBB2_10-.Ltmp3, $4  }
0xbd: {  	_ =	swait.ge [sflag:s3], $0x50  }
0xbe: {  	[sflag:s3] =	ssyncset.done $0x0  }
0xbf: {  	[sflag:s3] =	ssyncadd.s32 $0xFFFFFFB0  }
0xc0: {  	[tilespmem:s10], [sflag:$0x1] =	stream.indirect.gather [hbm4b:s4+s9], $0x80, s25, s9, $0xb8;
	[tilespmem:$0x1DB40] =	vst v63  }
0xc1: {  	s8 =	sadd.s32 s22, s20  }
0xc2: {  	s18 =	sshrl.u32 s8, $0x3  }
0xc3: {  	s23 =	sadd.s32 s5, s18  }
0xc4: {  	[tilespmem:s29], [sflag:$0x8] =	stream.linear.gather [hbm4b:s23+s2], $0x50, $0x38;
	[tilespmem:$0x1DB40] =	vst v63  }
.Ltmp4:
0xc5: {  	s8 =	sshll.u32 s8, $0x1;
	(pc) =	sbr.rel .LBB2_4-.Ltmp4, $4  }
0xc6: {  	s18 =	sadd.s32 s6, s18;
	s8 =	sand.u32 $0x1FFFFFE0, s8  }
0xc7: {  	[tilespmem:s30], [sflag:$0x6] =	stream.linear.gather [hbm4b:s18+s2], $0x50, $0x38;
	[tilespmem:$0x1DB40] =	vst v63  }
0xc8: {  	s31 =	simm.s32 $0x14640;
	s21 =	sadd.s32 $0x1, s21;
	s8 =	sadd.s32 s7, s8  }
0xc9: {  	[tilespmem:s31], [sflag:$0x4] =	stream.linear.gather [hbm4b:s8+s2], $0x500, $0x38;
	[tilespmem:$0x1DB40] =	vst v63  }
.LBB2_10:
0xca: {  	_ =	swait.ge [sflag:s11], $0x2800  }
0xcb: {  	[sflag:s11] =	ssyncset.done $0x0  }
0xcc: {  	[sflag:s11] =	ssyncadd.s32 $0xFFFFD800  }
0xcd: {  	_ =	swait.ge [sflag:s12], $0x500  }
0xce: {  	[sflag:s12] =	ssyncset.done $0x0  }
0xcf: {  	s8 =	simm.s32 $0x14B80;
	[sflag:s12] =	ssyncadd.s32 $0xFFFFFB00  }
0xd0: {  	v5 =	vld [tilespmem:s8+$0x30]  }
0xd1: {  	v8 =	vld [tilespmem:s8+$0x10]  }
0xd2: {  	s18 =	simm.s32 $0x0;
	v6 =	vld [tilespmem:s8+$0xFFFFFFC0]  }
0xd3: {  	v2 =	vld [tilespmem:s18+$0x14140]  }
0xd4: {  	v10 =	vld [tilespmem:s8+$0xFFFFFFE0]  }
0xd5: {  	v1 =	vld [tilespmem:s8+$0xFFFFFFF0]  }
0xd6: {  	v3 =	vld [tilespmem:s8+$0x20]  }
0xd7: {  	v4 =	vld [tilespmem:s8+$0xFFFFFFD0]  }
0xd8: {  	v9 =	vmul.f32 v5, v2;
	v5 =	vld [tilespmem:s8+$0x0]  }
0xd9: {  	v7 =	vmul.f32 v6, v2  }
0xda: {  	s21 =	simm.s32 $0x40;
	s18 =	simm.s32 $0x14B80;
	v6 =	vmul.f32 v10, v2;
	v8 =	vmul.f32 v8, v2  }
.LBB2_11:
0xdb: {  	p0 =	sne.s32 s21, $0x13C0  }
0xdc: {  	v4 =	vmul.f32 v4, v2;
	v3 =	vmul.f32 v3, v2;
	[tilespmem:s8+$0x30] =	vst v9;
	s18 =	sadd.s32 $0x80, s18;
	s22 =	smov.u32 s21;
	s21 =	sadd.s32 $0x40, s21  }
0xdd: {  	[tilespmem:s8+$0xFFFFFFC0] =	vst v7;
	v7 =	vmul.f32 v1, v2;
	v2 =	vmul.f32 v5, v2  }
0xde: {  	[tilespmem:s8+$0x10] =	vst v8  }
0xdf: {  	v1 =	vld [tilespmem:s18+$0xFFFFFFF0];
	[tilespmem:s8+$0xFFFFFFE0] =	vst v6  }
0xe0: {  	v6 =	vld [tilespmem:s18+$0x30];
	[tilespmem:s8+$0xFFFFFFF0] =	vst v7  }
0xe1: {  	v8 =	vld [tilespmem:s18+$0x10];
	[tilespmem:s8+$0x0] =	vst v2  }
0xe2: {  	v7 =	vld [tilespmem:s18+$0xFFFFFFC0];
	[tilespmem:s8+$0x20] =	vst v3  }
0xe3: {  	s22 =	sshra.s32 s22, $0x2;
	v10 =	vld [tilespmem:s18+$0xFFFFFFE0];
	[tilespmem:s8+$0xFFFFFFD0] =	vst v4;
	s8 =	smov.u32 s18  }
0xe4: {  	v2 =	vld [tilespmem:s22+$0x14140]  }
0xe5: {  	v3 =	vld [tilespmem:s18+$0x20]  }
.Ltmp5:
0xe6: {  	v4 =	vld [tilespmem:s18+$0xFFFFFFD0];
	(pc) =	sbr.rel @p0 .LBB2_11-.Ltmp5, $3  }
0xe7: {  	v5 =	vld [tilespmem:s18+$0x0];
	_ =	sdelay $0x1  }
0xe8: {  	v7 =	vmul.f32 v7, v2;
	v9 =	vmul.f32 v6, v2  }
0xe9: {  	v6 =	vmul.f32 v10, v2;
	v8 =	vmul.f32 v8, v2  }
0xea: {  	[tilespmem:s8+$0x30] =	vst v9  }
0xeb: {  	[tilespmem:s8+$0xFFFFFFC0] =	vst v7  }
0xec: {  	v1 =	vmul.f32 v1, v2;
	[tilespmem:s8+$0x10] =	vst v8  }
0xed: {  	v3 =	vmul.f32 v3, v2;
	[tilespmem:s8+$0xFFFFFFE0] =	vst v6  }
0xee: {  	v5 =	vmul.f32 v5, v2;
	[tilespmem:s8+$0xFFFFFFF0] =	vst v1  }
0xef: {  	v1 =	vmul.f32 v4, v2;
	[tilespmem:s8+$0x20] =	vst v3  }
0xf0: {  	[tilespmem:s8+$0x0] =	vst v5  }
0xf1: {  	[tilespmem:s8+$0xFFFFFFD0] =	vst v1  }
0xf2: {  	[spmem:s1] =	stream.indirect.scatter.add.f32 [tilespmem:s10], [sflag:$0x9], $0x80, s26, s9, $0xb8;
	[tilespmem:$0x1DB40] =	vst v63  }
0xf3: {  	_ =	swait.ge [sflag:s24], $0x2800  }
0xf4: {  	[sflag:s24] =	ssyncset.done $0x0  }
0xf5: {  	[sflag:s24] =	ssyncadd.s32 $0xFFFFD800  }
0xf6: {  	s22 =	stileid.u32;
	[bflag:$0x0] =	sbarrier.arrive $0xFFFF  }
0xf7: {  	s8 =	sshll.u32 s22, $0x6;
	s21 =	rddreg [dreg:$0x4]  }
0xf8: {  	s8 =	sor.u32 $0x1C09, s8;
	s22 =	rddreg [dreg:$0xf];
	s18 =	sshrl.u32 s21, $0x3  }
0xf9: {  	[hbm:s22], [sflag:s8] =	dma.local [spmem:s18], $0x2800  }
0xfa: {  	_ =	swait.ge [sflag:s24], $0x2800  }
0xfb: {  	s23 =	rddreg [dreg:$0x11]  }
0xfc: {  	s31 =	rddreg [dreg:$0x10];
	s18 =	sadd.s32 $0x1, s23  }
0xfd: {  	p0 =	sne.s32 s18, s31  }
.Ltmp6:
0xfe: {  	_ = 	snop;
	(pc) =	sbr.rel @p0 .LBB2_1-.Ltmp6, $3  }
0xff: {  	_ =	sdelay $0x1  }
0x100: {  	[sflag:s24] =	ssyncset.done $0x0  }
0x101: {  	[sflag:s24] =	ssyncadd.s32 $0xFFFFD800  }
0x102: {  	_ =	sfence.sel $0x180000  }
0x103: {  	[bflag:$0x0] =	sbarrier.arrive $0xFFFF  }
0x104: {  	_ =	strace $0x9000004D  }
0x105: {  	s0 =	stileid.u32;
	[bflag:$0x2] =	sbarrier.arrive $0xFFFF  }
0x106: {  	p0 =	sne.s32 s0, $0x0;
	s0 =	rddreg [dreg:$0x3]  }
0x107: {  	s0 =	sadd.s32 @!p0 $0x100000, s0  }
0x108: {  	[sflag:s0] =	ssyncadd.tile.s32 @!p0 $0x1;
	_ =	shalt  }
.Lfunc_end2:
_tile_overlayer_lowered:
.L_overlay_start_2:
0x109: {  	(tag) =	ssettag $0x2  }
0x10a: {  	s0 =	rddreg [dreg:$0x0];
	s2 =	stileid.u32  }
0x10b: {  	s1 =	rddreg [dreg:$0x1];
	p0 =	sne.s32 s2, $0x0  }
0x10c: {  	s3 =	rddreg [dreg:$0x2];
	[bflag:$0x3] =	sbarrier.arrive $0xFFFF;
	s2 =	simm.s32 @!p0 $0x1C09  }
0x10d: {  	[timem:s3], [sflag:s2] =	dma.local @!p0 [hbm:s0], s1  }
0x10e: {  	s0 =	simm.s32 @!p0 $0x9  }
0x10f: {  	_ =	swait.ge @!p0 [sflag:s0], s1  }
0x110: {  	s1 =	ssub.s32 @!p0 $0x0, s1;
	[sflag:s0] =	ssyncset.done @!p0 $0x0  }
0x111: {  	[sflag:s0] =	ssyncadd.s32 @!p0 s1  }
0x112: {  	[bflag:$0x3] =	sbarrier.arrive $0xFFFF  }
0x113: {  	_ =	shalt  }

</sc_bundles>
